<compile_context>
chip_gen: v7x
topology: tpu7x:2x2x1
jax: 0.10.2.dev20260603
libtpu: 0.0.44.dev20260713+nightly
codegen_flags: <defaults>
</compile_context>

<pallas_src>
import functools

import jax
import jax.numpy as jnp
from jax import lax
from jax.experimental import pallas as pl
from jax.experimental.pallas import tpu as pltpu
from jax.experimental.pallas import tpu_sc as plsc

N = 10000
NP = 10240
LANES = 16
NW = 32


def _leaky(v):
    return jnp.where(v > 0, v, 0.1 * v)


def _mesh():
    return plsc.VectorSubcoreMesh(core_axis_name="c", subcore_axis_name="s")


def _sc_degree(dst_pad, EP):
    EPT = EP // NW
    CH = 2048

    @functools.partial(
        pl.kernel,
        mesh=_mesh(),
        compiler_params=pltpu.CompilerParams(needs_layout_passes=False),
        out_type=jax.ShapeDtypeStruct((NW, NP), jnp.float32),
        scratch_types=[
            pltpu.VMEM((CH,), jnp.int32),
            pltpu.VMEM((NP,), jnp.float32),
        ],
    )
    def k(dst_hbm, out_hbm, dstbuf, acc):
        wid = lax.axis_index("s") * 2 + lax.axis_index("c")

        def zero_body(i, _):
            acc[pl.ds(i * LANES, LANES)] = jnp.zeros((LANES,), jnp.float32)
            return 0

        lax.fori_loop(0, NP // LANES, zero_body, 0)

        base = wid * EPT
        ones = jnp.ones((LANES,), jnp.float32)

        def chunk_body(ci, _):
            pltpu.sync_copy(dst_hbm.at[pl.ds(base + ci * CH, CH)], dstbuf)

            def in_body(j, _):
                idx = dstbuf[pl.ds(j * LANES, LANES)]
                plsc.addupdate_scatter(acc, [idx], ones)
                return 0

            lax.fori_loop(0, CH // LANES, in_body, 0)
            return 0

        lax.fori_loop(0, EPT // CH, chunk_body, 0)
        pltpu.sync_copy(acc, out_hbm.at[wid])

    return k(dst_pad)


def _sc_scalar_props(src_pad, dst_pad, xs, dinv, EP):
    EPT = EP // NW
    CH = 2048

    @functools.partial(
        pl.kernel,
        mesh=_mesh(),
        compiler_params=pltpu.CompilerParams(needs_layout_passes=False),
        out_type=[
            jax.ShapeDtypeStruct((NW, NP), jnp.float32),
            jax.ShapeDtypeStruct((NW, NP), jnp.float32),
        ],
        scratch_types=[
            pltpu.VMEM((CH,), jnp.int32),
            pltpu.VMEM((CH,), jnp.int32),
            pltpu.VMEM((NP,), jnp.float32),
            pltpu.VMEM((NP,), jnp.float32),
            pltpu.VMEM((NP,), jnp.float32),
            pltpu.VMEM((NP,), jnp.float32),
        ],
    )
    def k(src_hbm, dst_hbm, xs_hbm, dinv_hbm, outy_hbm, outw_hbm,
          srcbuf, dstbuf, xsl, dinvl, accy, accw):
        wid = lax.axis_index("s") * 2 + lax.axis_index("c")
        pltpu.sync_copy(xs_hbm, xsl)
        pltpu.sync_copy(dinv_hbm, dinvl)

        def zero_body(i, _):
            z = jnp.zeros((LANES,), jnp.float32)
            accy[pl.ds(i * LANES, LANES)] = z
            accw[pl.ds(i * LANES, LANES)] = z
            return 0

        lax.fori_loop(0, NP // LANES, zero_body, 0)

        base = wid * EPT

        def chunk_body(ci, _):
            pltpu.sync_copy(src_hbm.at[pl.ds(base + ci * CH, CH)], srcbuf)
            pltpu.sync_copy(dst_hbm.at[pl.ds(base + ci * CH, CH)], dstbuf)

            def in_body(j, _):
                sv = srcbuf[pl.ds(j * LANES, LANES)]
                dv = dstbuf[pl.ds(j * LANES, LANES)]
                xg = plsc.load_gather(xsl, [sv])
                plsc.addupdate_scatter(accy, [dv], xg)
                dg = plsc.load_gather(dinvl, [dv])
                plsc.addupdate_scatter(accw, [sv], dg)
                return 0

            lax.fori_loop(0, CH // LANES, in_body, 0)
            return 0

        lax.fori_loop(0, EPT // CH, chunk_body, 0)
        pltpu.sync_copy(accy, outy_hbm.at[wid])
        pltpu.sync_copy(accw, outw_hbm.at[wid])

    return k(src_pad, dst_pad, xs, dinv)


def _sc_row_prop(src2d, dst2d, zs, zrows, EP):
    ROWS = EP // 128
    RF = (ROWS * 85 // (100 * 16 * 16)) * 16
    RS = ROWS // 16 - RF
    GF, GS = RF // 16, RS // 16

    @functools.partial(
        pl.kernel,
        mesh=_mesh(),
        compiler_params=pltpu.CompilerParams(needs_layout_passes=False),
        out_type=jax.ShapeDtypeStruct((2, NP, 128), jnp.float32),
        scratch_types=[
            pltpu.VMEM((16, 128), jnp.int32),
            pltpu.VMEM((16, 128), jnp.int32),
            pltpu.VMEM((128, 128), jnp.float32),
            pltpu.VMEM((128, 128), jnp.float32),
            pltpu.VMEM_SHARED((NP, 128), jnp.float32),
            pltpu.SemaphoreType.DMA,
            pltpu.SemaphoreType.DMA,
        ],
    )
    def k(src_hbm, dst_hbm, zs_hbm, zrows_hbm, out_hbm,
          srcbuf, dstbuf, rb0, rb1, acc, sem0, sem1):
        c = lax.axis_index("c")
        s = lax.axis_index("s")
        spt = NP // 16

        pltpu.sync_copy(zrows_hbm, acc.at[pl.ds(s * spt, spt)])
        plsc.subcore_barrier()

        base_row = jnp.where(c == 0, s * RF, 16 * RF + s * RS)
        n_groups = jnp.where(c == 0, GF, GS)
        bufs = (rb0, rb1)
        sems = (sem0, sem1)

        def grp(g, _):
            pltpu.sync_copy(src_hbm.at[pl.ds(base_row + g * 16, 16)], srcbuf)
            pltpu.sync_copy(dst_hbm.at[pl.ds(base_row + g * 16, 16)], dstbuf)
            h = pltpu.async_copy(zs_hbm.at[srcbuf.at[0]], bufs[0], sems[0])
            handles = [h]
            for j in range(16):
                if j < 15:
                    p = (j + 1) % 2
                    handles.append(pltpu.async_copy(
                        zs_hbm.at[srcbuf.at[j + 1]], bufs[p], sems[p]))
                handles[j].wait()
                pltpu.sync_copy(bufs[j % 2], acc.at[dstbuf.at[j]], add=True)
            return 0

        lax.fori_loop(0, n_groups, grp, 0)
        plsc.subcore_barrier()
        pltpu.sync_copy(acc.at[pl.ds(s * spt, spt)],
                        out_hbm.at[c, pl.ds(s * spt, spt)])

    return k(src2d, dst2d, zs, zrows)


def _tc_prep(deg_parts, xp):

    def body(degp_ref, xp_ref, dinv_ref, xs_ref):
        deg = jnp.sum(degp_ref[...], axis=0, keepdims=True) + 1.0
        idx = lax.broadcasted_iota(jnp.int32, (1, NP), 1)
        dinv = jnp.where(idx < N, lax.rsqrt(deg), 0.0)
        dinv_ref[...] = dinv
        xs_ref[...] = dinv * xp_ref[...]

    return pl.pallas_call(
        body,
        out_shape=(jax.ShapeDtypeStruct((1, NP), jnp.float32),
                   jax.ShapeDtypeStruct((1, NP), jnp.float32)),
    )(deg_parts, xp)


def _tc_dense_mid(accy_parts, accw_parts, xs, dinv, W1, b1, W2):
    RB = 2048
    H1 = W1.shape[1]
    H2 = W2.shape[1]

    def body(ayp_ref, awp_ref, xs_ref, dinv_ref, W1_ref, b1_ref, W2_ref,
             zs_ref, w_ref):
        dinv = dinv_ref[0, :]
        ay = jnp.sum(ayp_ref[...], axis=0) + xs_ref[0, :]
        y1 = dinv * ay
        aw = jnp.sum(awp_ref[...], axis=0) + dinv
        w_ref[...] = (dinv * aw)[None, :]
        h1 = _leaky(y1[:, None] * W1_ref[...] + b1_ref[...][None, :])
        z = jnp.dot(h1, W2_ref[...], preferred_element_type=jnp.float32,
                    precision=lax.Precision.HIGHEST)
        zs_ref[...] = z * dinv[:, None]

    grid = (NP // RB,)
    return pl.pallas_call(
        body,
        grid=grid,
        in_specs=[
            pl.BlockSpec((NW, RB), lambda i: (0, i)),
            pl.BlockSpec((NW, RB), lambda i: (0, i)),
            pl.BlockSpec((1, RB), lambda i: (0, i)),
            pl.BlockSpec((1, RB), lambda i: (0, i)),
            pl.BlockSpec((1, H1), lambda i: (0, 0)),
            pl.BlockSpec((H1,), lambda i: (0,)),
            pl.BlockSpec((H1, H2), lambda i: (0, 0)),
        ],
        out_specs=(pl.BlockSpec((RB, H2), lambda i: (i, 0)),
                   pl.BlockSpec((1, RB), lambda i: (0, i))),
        out_shape=(jax.ShapeDtypeStruct((NP, H2), jnp.float32),
                   jax.ShapeDtypeStruct((1, NP), jnp.float32)),
    )(accy_parts, accw_parts, xs, dinv, W1, b1, W2)


def _tc_final(prop, zs, dinv, w, b2, W3, b3,
              Wm1, bm1, Wm2, bm2, Wm3, bm3):
    RC = 2048
    H2 = W3.shape[0]
    STEPS = NP // RC

    def body(p_ref, zs_ref, dinv_ref, w_ref, b2_ref, W3_ref, b3_ref,
             Wm1_ref, bm1_ref, Wm2_ref, bm2_ref, Wm3_ref, bm3_ref,
             out_ref, u_ref):
        i = pl.program_id(0)

        @pl.when(i == 0)
        def _():
            u_ref[...] = jnp.zeros_like(u_ref)

        dinv = dinv_ref[0, :][:, None]
        hp = lax.Precision.HIGHEST
        h2 = _leaky(dinv * (p_ref[0] + p_ref[1] + zs_ref[...])
                    + b2_ref[...][None, :])
        u_ref[...] += jnp.dot(w_ref[...], h2,
                              preferred_element_type=jnp.float32,
                              precision=hp)

        @pl.when(i == STEPS - 1)
        def _():
            g = jnp.dot(u_ref[...] / N, W3_ref[...],
                        preferred_element_type=jnp.float32,
                        precision=hp) + b3_ref[...][None, :]
            m = _leaky(jnp.dot(g, Wm1_ref[...],
                               preferred_element_type=jnp.float32,
                               precision=hp) + bm1_ref[...][None, :])
            m = _leaky(jnp.dot(m, Wm2_ref[...],
                               preferred_element_type=jnp.float32,
                               precision=hp) + bm2_ref[...][None, :])
            o = jnp.dot(m, Wm3_ref[...], preferred_element_type=jnp.float32,
                        precision=hp) + bm3_ref[...][None, :]
            out_ref[...] = jax.nn.sigmoid(o)

    OD = W3.shape[1]
    M1 = Wm1.shape[1]
    M2 = Wm2.shape[1]
    MO = Wm3.shape[1]
    full2 = lambda d0, d1: pl.BlockSpec((d0, d1), lambda i: (0, 0))
    full1 = lambda d0: pl.BlockSpec((d0,), lambda i: (0,))
    return pl.pallas_call(
        body,
        grid=(STEPS,),
        in_specs=[
            pl.BlockSpec((2, RC, H2), lambda i: (0, i, 0)),
            pl.BlockSpec((RC, H2), lambda i: (i, 0)),
            pl.BlockSpec((1, RC), lambda i: (0, i)),
            pl.BlockSpec((1, RC), lambda i: (0, i)),
            full1(H2), full2(H2, OD), full1(OD),
            full2(OD, M1), full1(M1),
            full2(M1, M2), full1(M2),
            full2(M2, MO), full1(MO),
        ],
        out_specs=pl.BlockSpec((1, MO), lambda i: (0, 0)),
        out_shape=jax.ShapeDtypeStruct((1, MO), jnp.float32),
        scratch_shapes=[pltpu.VMEM((1, H2), jnp.float32)],
    )(prop, zs, dinv, w, b2, W3, b3, Wm1, bm1, Wm2, bm2, Wm3, bm3)


def kernel(x, edge_index, W1, b1, W2, b2, W3, b3,
           Wm1, bm1, Wm2, bm2, Wm3, bm3):
    E0 = edge_index.shape[1]
    EP = ((E0 + 65535) // 65536) * 65536

    pad = EP - E0
    padv = jnp.full((pad,), NP - 1, dtype=edge_index.dtype)
    src = jnp.concatenate([edge_index[0], padv])
    dst = jnp.concatenate([edge_index[1], padv])
    xp = jnp.pad(x[:, 0], (0, NP - N)).reshape(1, NP)
    zrows = jnp.zeros((NP // 16, 128), jnp.float32)

    deg_parts = _sc_degree(dst, EP)
    dinv, xs = _tc_prep(deg_parts, xp)
    accy, accw = _sc_scalar_props(src, dst, xs.reshape(NP), dinv.reshape(NP),
                                  EP)
    zs, w = _tc_dense_mid(accy, accw, xs, dinv, W1, b1, W2)
    prop = _sc_row_prop(src.reshape(EP // 128, 128),
                        dst.reshape(EP // 128, 128), zs, zrows, EP)
    out = _tc_final(prop, zs, dinv, w, b2, W3, b3,
                    Wm1, bm1, Wm2, bm2, Wm3, bm3)
    return out.reshape(bm3.shape)

# --- scband reference (transcript-rebuilt; emitter-appended) ---
"""Pipeline reference for scband-only-gcn-resol-net-60979945669350 (READ-ONLY COPY).

The authoritative reference and input builder live on the scoring server;
editing this copy changes nothing except your own understanding.
"""

import jax, jax.numpy as jnp
import numpy as np

N = 10000
E = 640000
H1, H2, OD = 256, 128, 20
M1, M2, MO = 256, 128, 1


def setup_inputs(seed: int = 0) -> dict:
    key = jax.random.key(seed)
    ks = jax.random.split(key, 16)
    x = jax.random.normal(ks[0], (N, 1), jnp.float32)
    edge_index = jax.random.randint(ks[1], (2, E), 0, N, dtype=jnp.int32)
    def lin(k, fi, fo):
        k1, k2 = jax.random.split(k)
        W = jax.random.normal(k1, (fi, fo), jnp.float32) / np.sqrt(fi)
        b = jax.random.normal(k2, (fo,), jnp.float32) * 0.01
        return W, b
    W1, b1 = lin(ks[2], 1, H1)
    W2, b2 = lin(ks[3], H1, H2)
    W3, b3 = lin(ks[4], H2, OD)
    Wm1, bm1 = lin(ks[5], OD, M1)
    Wm2, bm2 = lin(ks[6], M1, M2)
    Wm3, bm3 = lin(ks[7], M2, MO)
    return {"x": x, "edge_index": edge_index,
            "W1": W1, "b1": b1, "W2": W2, "b2": b2, "W3": W3, "b3": b3,
            "Wm1": Wm1, "bm1": bm1, "Wm2": Wm2, "bm2": bm2, "Wm3": Wm3, "bm3": bm3}


def _leaky(v):
    return jnp.where(v > 0, v, 0.1 * v)


def _gcn_conv(x, src, dst, norm, W, b, num_nodes):
    # GCNConv: out = D^{-1/2} (A + I) D^{-1/2} X W + b (self-loops included in src/dst/norm)
    h = x @ W
    msg = h[src] * norm[:, None]
    out = jnp.zeros((num_nodes, W.shape[1]), dtype=h.dtype).at[dst].add(msg)
    return out + b


def reference(x, edge_index, W1, b1, W2, b2, W3, b3, Wm1, bm1, Wm2, bm2, Wm3, bm3):
    num_nodes = x.shape[0]
    loop = jnp.arange(num_nodes, dtype=edge_index.dtype)
    src = jnp.concatenate([edge_index[0], loop])
    dst = jnp.concatenate([edge_index[1], loop])
    deg = jnp.zeros((num_nodes,), jnp.float32).at[dst].add(1.0)
    dinv = jnp.where(deg > 0, deg ** -0.5, 0.0)
    norm = dinv[src] * dinv[dst]
    h = _gcn_conv(x, src, dst, norm, W1, b1, num_nodes)
    h = _leaky(h)
    h = _gcn_conv(h, src, dst, norm, W2, b2, num_nodes)
    h = _leaky(h)
    h = _gcn_conv(h, src, dst, norm, W3, b3, num_nodes)
    g = jnp.mean(h, axis=0)
    m = _leaky(g @ Wm1 + bm1)
    m = _leaky(m @ Wm2 + bm2)
    out = jax.nn.sigmoid(m @ Wm3 + bm3)
    return out

if __name__ == "__main__":
    import jax
    _d = setup_inputs()
    print(jax.jit(kernel)(*tuple(_d.values())))

</pallas_src>

<mosaic_0001>
#map = affine_map<(d0, d1) -> (0)>
#map1 = affine_map<(d0, d1) -> (0, 0)>
module attributes {stable_mosaic.version = 14 : i64} {
  func.func @k(%arg0: i32, %arg1: i32, %arg2: memref<655360xi32, #tpu.memory_space<hbm>>, %arg3: memref<655360xi32, #tpu.memory_space<hbm>>, %arg4: memref<10240xf32, #tpu.memory_space<hbm>>, %arg5: memref<10240xf32, #tpu.memory_space<hbm>>, %arg6: memref<32x10240xf32, #tpu.memory_space<hbm>>, %arg7: memref<32x10240xf32, #tpu.memory_space<hbm>>, %arg8: memref<2048xi32, #tpu.memory_space<vmem>>, %arg9: memref<2048xi32, #tpu.memory_space<vmem>>, %arg10: memref<10240xf32, #tpu.memory_space<vmem>>, %arg11: memref<10240xf32, #tpu.memory_space<vmem>>, %arg12: memref<10240xf32, #tpu.memory_space<vmem>>, %arg13: memref<10240xf32, #tpu.memory_space<vmem>>) attributes {dimension_semantics = [#tpu.dimension_semantics<core_parallel>, #tpu.dimension_semantics<subcore_parallel>], iteration_bounds = array<i64: 2, 16>, scalar_prefetch = 0 : i64, scratch_operands = 6 : i64, tpu.core_type = #tpu.core_type<sc_vector_subcore>, window_params = [{transform_indices = #map}, {transform_indices = #map}, {transform_indices = #map}, {transform_indices = #map}, {transform_indices = #map1}, {transform_indices = #map1}]} {
    %mul3A = arith.constant 2 : i32
    %mul3A_0 = arith.muli %arg1, %mul3A : i32
    %add3A = arith.addi %mul3A_0, %arg0 : i32
    "tpu.region"() ({
      %run_scoped3A = tpu.sem_alloc : memref<!tpu.dma_semaphore, #tpu.memory_space<semaphore_mem>>
      tpu.enqueue_dma source(%arg4 : memref<10240xf32, #tpu.memory_space<hbm>>) target(%arg10 : memref<10240xf32, #tpu.memory_space<vmem>>) target_semaphore(%run_scoped3A : memref<!tpu.dma_semaphore, #tpu.memory_space<semaphore_mem>>)
      tpu.wait_dma2 semaphore(%run_scoped3A : memref<!tpu.dma_semaphore, #tpu.memory_space<semaphore_mem>>) src(%arg4 : memref<10240xf32, #tpu.memory_space<hbm>>) dst(%arg10 : memref<10240xf32, #tpu.memory_space<vmem>>)
      tpu.yield
    }) : () -> ()
    "tpu.region"() ({
      %run_scoped3A = tpu.sem_alloc : memref<!tpu.dma_semaphore, #tpu.memory_space<semaphore_mem>>
      tpu.enqueue_dma source(%arg5 : memref<10240xf32, #tpu.memory_space<hbm>>) target(%arg11 : memref<10240xf32, #tpu.memory_space<vmem>>) target_semaphore(%run_scoped3A : memref<!tpu.dma_semaphore, #tpu.memory_space<semaphore_mem>>)
      tpu.wait_dma2 semaphore(%run_scoped3A : memref<!tpu.dma_semaphore, #tpu.memory_space<semaphore_mem>>) src(%arg5 : memref<10240xf32, #tpu.memory_space<hbm>>) dst(%arg11 : memref<10240xf32, #tpu.memory_space<vmem>>)
      tpu.yield
    }) : () -> ()
    %scan3A = arith.constant 0 : i32
    %scan3A_1 = arith.constant 0 : i32
    %scan3A_2 = arith.constant 640 : i32
    %scan3A_3 = arith.addi %scan3A_1, %scan3A_2 : i32
    %scan3A_4 = arith.constant 1 : i32
    %scan3A_5 = scf.for %scan3A_16 = %scan3A_1 to %scan3A_3 step %scan3A_4 iter_args(%scan3A_17 = %scan3A) -> (i32)  : i32 {
      %broadcast_in_dim3A = arith.constant 0.000000e+00 : f32
      %broadcast_in_dim3A_18 = vector.broadcast %broadcast_in_dim3A : f32 to vector<16xf32>
      %mul3A_19 = arith.constant 16 : i32
      %mul3A_20 = arith.muli %scan3A_16, %mul3A_19 : i32
      %swap3A = arith.index_cast %mul3A_20 : i32 to index
      %swap3A_21 = tpu.vector_load %arg12[%swap3A] {strides = array<i32>} : memref<10240xf32, #tpu.memory_space<vmem>>, vector<16xf32>,
      tpu.vector_store %arg12[%swap3A], %broadcast_in_dim3A_18 {strides = array<i32>} : memref<10240xf32, #tpu.memory_space<vmem>>, vector<16xf32>,
      %mul3A_22 = arith.constant 16 : i32
      %mul3A_23 = arith.muli %scan3A_16, %mul3A_22 : i32
      %swap3A_24 = arith.index_cast %mul3A_23 : i32 to index
      %swap3A_25 = tpu.vector_load %arg13[%swap3A_24] {strides = array<i32>} : memref<10240xf32, #tpu.memory_space<vmem>>, vector<16xf32>,
      tpu.vector_store %arg13[%swap3A_24], %broadcast_in_dim3A_18 {strides = array<i32>} : memref<10240xf32, #tpu.memory_space<vmem>>, vector<16xf32>,
      %scan3A_26 = arith.constant 0 : i32
      scf.yield %scan3A_26 : i32
    }
    %scan3A_6 = arith.constant 640 : i32
    %mul3A_7 = arith.constant 20480 : i32
    %mul3A_8 = arith.muli %add3A, %mul3A_7 : i32
    %scan3A_9 = arith.constant 0 : i32
    %scan3A_10 = arith.constant 0 : i32
    %scan3A_11 = arith.constant 10 : i32
    %scan3A_12 = arith.addi %scan3A_10, %scan3A_11 : i32
    %scan3A_13 = arith.constant 1 : i32
    %scan3A_14 = scf.for %scan3A_16 = %scan3A_10 to %scan3A_12 step %scan3A_13 iter_args(%scan3A_17 = %scan3A_9) -> (i32)  : i32 {
      %mul3A_18 = arith.constant 2048 : i32
      %mul3A_19 = arith.muli %scan3A_16, %mul3A_18 : i32
      %add3A_20 = arith.addi %mul3A_8, %mul3A_19 : i32
      "tpu.region"() ({
        %run_scoped3A = tpu.sem_alloc : memref<!tpu.dma_semaphore, #tpu.memory_space<semaphore_mem>>
        %dma_start3A = tpu.memref_slice %arg2[%add3A_20] : memref<655360xi32, #tpu.memory_space<hbm>> -> memref<2048xi32, #tpu.memory_space<hbm>>
        %dma_start3A_32 = tpu.memref_slice %arg2[%add3A_20] : memref<655360xi32, #tpu.memory_space<hbm>> -> memref<2048xi32, #tpu.memory_space<hbm>>
        tpu.enqueue_dma source(%dma_start3A_32 : memref<2048xi32, #tpu.memory_space<hbm>>) target(%arg8 : memref<2048xi32, #tpu.memory_space<vmem>>) target_semaphore(%run_scoped3A : memref<!tpu.dma_semaphore, #tpu.memory_space<semaphore_mem>>)
        %dma_wait3A = tpu.memref_slice %arg2[%add3A_20] : memref<655360xi32, #tpu.memory_space<hbm>> -> memref<2048xi32, #tpu.memory_space<hbm>>
        %dma_wait3A_33 = tpu.memref_slice %arg2[%add3A_20] : memref<655360xi32, #tpu.memory_space<hbm>> -> memref<2048xi32, #tpu.memory_space<hbm>>
        tpu.wait_dma2 semaphore(%run_scoped3A : memref<!tpu.dma_semaphore, #tpu.memory_space<semaphore_mem>>) src(%dma_wait3A_33 : memref<2048xi32, #tpu.memory_space<hbm>>) dst(%arg8 : memref<2048xi32, #tpu.memory_space<vmem>>)
        tpu.yield
      }) : () -> ()
      %mul3A_21 = arith.constant 2048 : i32
      %mul3A_22 = arith.muli %scan3A_16, %mul3A_21 : i32
      %add3A_23 = arith.addi %mul3A_8, %mul3A_22 : i32
      "tpu.region"() ({
        %run_scoped3A = tpu.sem_alloc : memref<!tpu.dma_semaphore, #tpu.memory_space<semaphore_mem>>
        %dma_start3A = tpu.memref_slice %arg3[%add3A_23] : memref<655360xi32, #tpu.memory_space<hbm>> -> memref<2048xi32, #tpu.memory_space<hbm>>
        %dma_start3A_32 = tpu.memref_slice %arg3[%add3A_23] : memref<655360xi32, #tpu.memory_space<hbm>> -> memref<2048xi32, #tpu.memory_space<hbm>>
        tpu.enqueue_dma source(%dma_start3A_32 : memref<2048xi32, #tpu.memory_space<hbm>>) target(%arg9 : memref<2048xi32, #tpu.memory_space<vmem>>) target_semaphore(%run_scoped3A : memref<!tpu.dma_semaphore, #tpu.memory_space<semaphore_mem>>)
        %dma_wait3A = tpu.memref_slice %arg3[%add3A_23] : memref<655360xi32, #tpu.memory_space<hbm>> -> memref<2048xi32, #tpu.memory_space<hbm>>
        %dma_wait3A_33 = tpu.memref_slice %arg3[%add3A_23] : memref<655360xi32, #tpu.memory_space<hbm>> -> memref<2048xi32, #tpu.memory_space<hbm>>
        tpu.wait_dma2 semaphore(%run_scoped3A : memref<!tpu.dma_semaphore, #tpu.memory_space<semaphore_mem>>) src(%dma_wait3A_33 : memref<2048xi32, #tpu.memory_space<hbm>>) dst(%arg9 : memref<2048xi32, #tpu.memory_space<vmem>>)
        tpu.yield
      }) : () -> ()
      %scan3A_24 = arith.constant 0 : i32
      %scan3A_25 = arith.constant 0 : i32
      %scan3A_26 = arith.constant 128 : i32
      %scan3A_27 = arith.addi %scan3A_25, %scan3A_26 : i32
      %scan3A_28 = arith.constant 1 : i32
      %scan3A_29 = scf.for %scan3A_32 = %scan3A_25 to %scan3A_27 step %scan3A_28 iter_args(%scan3A_33 = %scan3A_24) -> (i32)  : i32 {
        %mul3A_34 = arith.constant 16 : i32
        %mul3A_35 = arith.muli %scan3A_32, %mul3A_34 : i32
        %get3A = arith.index_cast %mul3A_35 : i32 to index
        %get3A_36 = tpu.vector_load %arg8[%get3A] {strides = array<i32>} : memref<2048xi32, #tpu.memory_space<vmem>>, vector<16xi32>,
        %mul3A_37 = arith.constant 16 : i32
        %mul3A_38 = arith.muli %scan3A_32, %mul3A_37 : i32
        %get3A_39 = arith.index_cast %mul3A_38 : i32 to index
        %get3A_40 = tpu.vector_load %arg9[%get3A_39] {strides = array<i32>} : memref<2048xi32, #tpu.memory_space<vmem>>, vector<16xi32>,
        %gather3A = tpu.vector_load_idx %arg10[%get3A_36] : memref<10240xf32, #tpu.memory_space<vmem>>[vector<16xi32>], vector<16xf32>,
        tpu.vector_store_idx %arg12[%get3A_40], %gather3A {add = true} : memref<10240xf32, #tpu.memory_space<vmem>>[vector<16xi32>], vector<16xf32>,
        %gather3A_41 = tpu.vector_load_idx %arg11[%get3A_40] : memref<10240xf32, #tpu.memory_space<vmem>>[vector<16xi32>], vector<16xf32>,
        tpu.vector_store_idx %arg13[%get3A_36], %gather3A_41 {add = true} : memref<10240xf32, #tpu.memory_space<vmem>>[vector<16xi32>], vector<16xf32>,
        %scan3A_42 = arith.constant 0 : i32
        scf.yield %scan3A_42 : i32
      }
      %scan3A_30 = arith.constant 128 : i32
      %scan3A_31 = arith.constant 0 : i32
      scf.yield %scan3A_31 : i32
    }
    %scan3A_15 = arith.constant 10 : i32
    "tpu.region"() ({
      %run_scoped3A = tpu.sem_alloc : memref<!tpu.dma_semaphore, #tpu.memory_space<semaphore_mem>>
      %dma_start3A = arith.constant 0 : i32
      %dma_start3A_16 = tpu.memref_slice %arg6[%add3A, %dma_start3A] : memref<32x10240xf32, #tpu.memory_space<hbm>> -> memref<1x10240xf32, #tpu.memory_space<hbm>>
      %dma_start3A_17 = tpu.memref_squeeze %dma_start3A_16 : memref<1x10240xf32, #tpu.memory_space<hbm>> -> memref<10240xf32, #tpu.memory_space<hbm>>
      %dma_start3A_18 = arith.constant 0 : i32
      %dma_start3A_19 = tpu.memref_slice %arg6[%add3A, %dma_start3A_18] : memref<32x10240xf32, #tpu.memory_space<hbm>> -> memref<1x10240xf32, #tpu.memory_space<hbm>>
      %dma_start3A_20 = tpu.memref_squeeze %dma_start3A_19 : memref<1x10240xf32, #tpu.memory_space<hbm>> -> memref<10240xf32, #tpu.memory_space<hbm>>
      tpu.enqueue_dma source(%arg12 : memref<10240xf32, #tpu.memory_space<vmem>>) target(%dma_start3A_20 : memref<10240xf32, #tpu.memory_space<hbm>>) target_semaphore(%run_scoped3A : memref<!tpu.dma_semaphore, #tpu.memory_space<semaphore_mem>>)
      %dma_wait3A = arith.constant 0 : i32
      %dma_wait3A_21 = tpu.memref_slice %arg6[%add3A, %dma_wait3A] : memref<32x10240xf32, #tpu.memory_space<hbm>> -> memref<1x10240xf32, #tpu.memory_space<hbm>>
      %dma_wait3A_22 = tpu.memref_squeeze %dma_wait3A_21 : memref<1x10240xf32, #tpu.memory_space<hbm>> -> memref<10240xf32, #tpu.memory_space<hbm>>
      %dma_wait3A_23 = arith.constant 0 : i32
      %dma_wait3A_24 = tpu.memref_slice %arg6[%add3A, %dma_wait3A_23] : memref<32x10240xf32, #tpu.memory_space<hbm>> -> memref<1x10240xf32, #tpu.memory_space<hbm>>
      %dma_wait3A_25 = tpu.memref_squeeze %dma_wait3A_24 : memref<1x10240xf32, #tpu.memory_space<hbm>> -> memref<10240xf32, #tpu.memory_space<hbm>>
      tpu.wait_dma2 semaphore(%run_scoped3A : memref<!tpu.dma_semaphore, #tpu.memory_space<semaphore_mem>>) src(%arg12 : memref<10240xf32, #tpu.memory_space<vmem>>) dst(%dma_wait3A_25 : memref<10240xf32, #tpu.memory_space<hbm>>)
      tpu.yield
    }) : () -> ()
    "tpu.region"() ({
      %run_scoped3A = tpu.sem_alloc : memref<!tpu.dma_semaphore, #tpu.memory_space<semaphore_mem>>
      %dma_start3A = arith.constant 0 : i32
      %dma_start3A_16 = tpu.memref_slice %arg7[%add3A, %dma_start3A] : memref<32x10240xf32, #tpu.memory_space<hbm>> -> memref<1x10240xf32, #tpu.memory_space<hbm>>
      %dma_start3A_17 = tpu.memref_squeeze %dma_start3A_16 : memref<1x10240xf32, #tpu.memory_space<hbm>> -> memref<10240xf32, #tpu.memory_space<hbm>>
      %dma_start3A_18 = arith.constant 0 : i32
      %dma_start3A_19 = tpu.memref_slice %arg7[%add3A, %dma_start3A_18] : memref<32x10240xf32, #tpu.memory_space<hbm>> -> memref<1x10240xf32, #tpu.memory_space<hbm>>
      %dma_start3A_20 = tpu.memref_squeeze %dma_start3A_19 : memref<1x10240xf32, #tpu.memory_space<hbm>> -> memref<10240xf32, #tpu.memory_space<hbm>>
      tpu.enqueue_dma source(%arg13 : memref<10240xf32, #tpu.memory_space<vmem>>) target(%dma_start3A_20 : memref<10240xf32, #tpu.memory_space<hbm>>) target_semaphore(%run_scoped3A : memref<!tpu.dma_semaphore, #tpu.memory_space<semaphore_mem>>)
      %dma_wait3A = arith.constant 0 : i32
      %dma_wait3A_21 = tpu.memref_slice %arg7[%add3A, %dma_wait3A] : memref<32x10240xf32, #tpu.memory_space<hbm>> -> memref<1x10240xf32, #tpu.memory_space<hbm>>
      %dma_wait3A_22 = tpu.memref_squeeze %dma_wait3A_21 : memref<1x10240xf32, #tpu.memory_space<hbm>> -> memref<10240xf32, #tpu.memory_space<hbm>>
      %dma_wait3A_23 = arith.constant 0 : i32
      %dma_wait3A_24 = tpu.memref_slice %arg7[%add3A, %dma_wait3A_23] : memref<32x10240xf32, #tpu.memory_space<hbm>> -> memref<1x10240xf32, #tpu.memory_space<hbm>>
      %dma_wait3A_25 = tpu.memref_squeeze %dma_wait3A_24 : memref<1x10240xf32, #tpu.memory_space<hbm>> -> memref<10240xf32, #tpu.memory_space<hbm>>
      tpu.wait_dma2 semaphore(%run_scoped3A : memref<!tpu.dma_semaphore, #tpu.memory_space<semaphore_mem>>) src(%arg13 : memref<10240xf32, #tpu.memory_space<vmem>>) dst(%dma_wait3A_25 : memref<10240xf32, #tpu.memory_space<hbm>>)
      tpu.yield
    }) : () -> ()
    return
  }
}

#map = affine_map<(d0, d1) -> (0)>
#map1 = affine_map<(d0, d1) -> (0, 0)>
module attributes {stable_mosaic.version = 14 : i64} {
  func.func @k(%arg0: i32, %arg1: i32, %arg2: memref<655360xi32, #tpu.memory_space<hbm>>, %arg3: memref<32x10240xf32, #tpu.memory_space<hbm>>, %arg4: memref<2048xi32, #tpu.memory_space<vmem>>, %arg5: memref<10240xf32, #tpu.memory_space<vmem>>) attributes {dimension_semantics = [#tpu.dimension_semantics<core_parallel>, #tpu.dimension_semantics<subcore_parallel>], iteration_bounds = array<i64: 2, 16>, scalar_prefetch = 0 : i64, scratch_operands = 2 : i64, tpu.core_type = #tpu.core_type<sc_vector_subcore>, window_params = [{transform_indices = #map}, {transform_indices = #map1}]} {
    %mul3A = arith.constant 2 : i32
    %mul3A_0 = arith.muli %arg1, %mul3A : i32
    %add3A = arith.addi %mul3A_0, %arg0 : i32
    %scan3A = arith.constant 0 : i32
    %scan3A_1 = arith.constant 0 : i32
    %scan3A_2 = arith.constant 640 : i32
    %scan3A_3 = arith.addi %scan3A_1, %scan3A_2 : i32
    %scan3A_4 = arith.constant 1 : i32
    %scan3A_5 = scf.for %scan3A_17 = %scan3A_1 to %scan3A_3 step %scan3A_4 iter_args(%scan3A_18 = %scan3A) -> (i32)  : i32 {
      %broadcast_in_dim3A_19 = arith.constant 0.000000e+00 : f32
      %broadcast_in_dim3A_20 = vector.broadcast %broadcast_in_dim3A_19 : f32 to vector<16xf32>
      %mul3A_21 = arith.constant 16 : i32
      %mul3A_22 = arith.muli %scan3A_17, %mul3A_21 : i32
      %swap3A = arith.index_cast %mul3A_22 : i32 to index
      %swap3A_23 = tpu.vector_load %arg5[%swap3A] {strides = array<i32>} : memref<10240xf32, #tpu.memory_space<vmem>>, vector<16xf32>,
      tpu.vector_store %arg5[%swap3A], %broadcast_in_dim3A_20 {strides = array<i32>} : memref<10240xf32, #tpu.memory_space<vmem>>, vector<16xf32>,
      %scan3A_24 = arith.constant 0 : i32
      scf.yield %scan3A_24 : i32
    }
    %scan3A_6 = arith.constant 640 : i32
    %mul3A_7 = arith.constant 20480 : i32
    %mul3A_8 = arith.muli %add3A, %mul3A_7 : i32
    %broadcast_in_dim3A = arith.constant 1.000000e+00 : f32
    %broadcast_in_dim3A_9 = vector.broadcast %broadcast_in_dim3A : f32 to vector<16xf32>
    %scan3A_10 = arith.constant 0 : i32
    %scan3A_11 = arith.constant 0 : i32
    %scan3A_12 = arith.constant 10 : i32
    %scan3A_13 = arith.addi %scan3A_11, %scan3A_12 : i32
    %scan3A_14 = arith.constant 1 : i32
    %scan3A_15 = scf.for %scan3A_17 = %scan3A_11 to %scan3A_13 step %scan3A_14 iter_args(%scan3A_18 = %scan3A_10) -> (i32)  : i32 {
      %mul3A_19 = arith.constant 2048 : i32
      %mul3A_20 = arith.muli %scan3A_17, %mul3A_19 : i32
      %add3A_21 = arith.addi %mul3A_8, %mul3A_20 : i32
      "tpu.region"() ({
        %run_scoped3A = tpu.sem_alloc : memref<!tpu.dma_semaphore, #tpu.memory_space<semaphore_mem>>
        %dma_start3A = tpu.memref_slice %arg2[%add3A_21] : memref<655360xi32, #tpu.memory_space<hbm>> -> memref<2048xi32, #tpu.memory_space<hbm>>
        %dma_start3A_30 = tpu.memref_slice %arg2[%add3A_21] : memref<655360xi32, #tpu.memory_space<hbm>> -> memref<2048xi32, #tpu.memory_space<hbm>>
        tpu.enqueue_dma source(%dma_start3A_30 : memref<2048xi32, #tpu.memory_space<hbm>>) target(%arg4 : memref<2048xi32, #tpu.memory_space<vmem>>) target_semaphore(%run_scoped3A : memref<!tpu.dma_semaphore, #tpu.memory_space<semaphore_mem>>)
        %dma_wait3A = tpu.memref_slice %arg2[%add3A_21] : memref<655360xi32, #tpu.memory_space<hbm>> -> memref<2048xi32, #tpu.memory_space<hbm>>
        %dma_wait3A_31 = tpu.memref_slice %arg2[%add3A_21] : memref<655360xi32, #tpu.memory_space<hbm>> -> memref<2048xi32, #tpu.memory_space<hbm>>
        tpu.wait_dma2 semaphore(%run_scoped3A : memref<!tpu.dma_semaphore, #tpu.memory_space<semaphore_mem>>) src(%dma_wait3A_31 : memref<2048xi32, #tpu.memory_space<hbm>>) dst(%arg4 : memref<2048xi32, #tpu.memory_space<vmem>>)
        tpu.yield
      }) : () -> ()
      %scan3A_22 = arith.constant 0 : i32
      %scan3A_23 = arith.constant 0 : i32
      %scan3A_24 = arith.constant 128 : i32
      %scan3A_25 = arith.addi %scan3A_23, %scan3A_24 : i32
      %scan3A_26 = arith.constant 1 : i32
      %scan3A_27 = scf.for %scan3A_30 = %scan3A_23 to %scan3A_25 step %scan3A_26 iter_args(%scan3A_31 = %scan3A_22) -> (i32)  : i32 {
        %mul3A_32 = arith.constant 16 : i32
        %mul3A_33 = arith.muli %scan3A_30, %mul3A_32 : i32
        %get3A = arith.index_cast %mul3A_33 : i32 to index
        %get3A_34 = tpu.vector_load %arg4[%get3A] {strides = array<i32>} : memref<2048xi32, #tpu.memory_space<vmem>>, vector<16xi32>,
        tpu.vector_store_idx %arg5[%get3A_34], %broadcast_in_dim3A_9 {add = true} : memref<10240xf32, #tpu.memory_space<vmem>>[vector<16xi32>], vector<16xf32>,
        %scan3A_35 = arith.constant 0 : i32
        scf.yield %scan3A_35 : i32
      }
      %scan3A_28 = arith.constant 128 : i32
      %scan3A_29 = arith.constant 0 : i32
      scf.yield %scan3A_29 : i32
    }
    %scan3A_16 = arith.constant 10 : i32
    "tpu.region"() ({
      %run_scoped3A = tpu.sem_alloc : memref<!tpu.dma_semaphore, #tpu.memory_space<semaphore_mem>>
      %dma_start3A = arith.constant 0 : i32
      %dma_start3A_17 = tpu.memref_slice %arg3[%add3A, %dma_start3A] : memref<32x10240xf32, #tpu.memory_space<hbm>> -> memref<1x10240xf32, #tpu.memory_space<hbm>>
      %dma_start3A_18 = tpu.memref_squeeze %dma_start3A_17 : memref<1x10240xf32, #tpu.memory_space<hbm>> -> memref<10240xf32, #tpu.memory_space<hbm>>
      %dma_start3A_19 = arith.constant 0 : i32
      %dma_start3A_20 = tpu.memref_slice %arg3[%add3A, %dma_start3A_19] : memref<32x10240xf32, #tpu.memory_space<hbm>> -> memref<1x10240xf32, #tpu.memory_space<hbm>>
      %dma_start3A_21 = tpu.memref_squeeze %dma_start3A_20 : memref<1x10240xf32, #tpu.memory_space<hbm>> -> memref<10240xf32, #tpu.memory_space<hbm>>
      tpu.enqueue_dma source(%arg5 : memref<10240xf32, #tpu.memory_space<vmem>>) target(%dma_start3A_21 : memref<10240xf32, #tpu.memory_space<hbm>>) target_semaphore(%run_scoped3A : memref<!tpu.dma_semaphore, #tpu.memory_space<semaphore_mem>>)
      %dma_wait3A = arith.constant 0 : i32
      %dma_wait3A_22 = tpu.memref_slice %arg3[%add3A, %dma_wait3A] : memref<32x10240xf32, #tpu.memory_space<hbm>> -> memref<1x10240xf32, #tpu.memory_space<hbm>>
      %dma_wait3A_23 = tpu.memref_squeeze %dma_wait3A_22 : memref<1x10240xf32, #tpu.memory_space<hbm>> -> memref<10240xf32, #tpu.memory_space<hbm>>
      %dma_wait3A_24 = arith.constant 0 : i32
      %dma_wait3A_25 = tpu.memref_slice %arg3[%add3A, %dma_wait3A_24] : memref<32x10240xf32, #tpu.memory_space<hbm>> -> memref<1x10240xf32, #tpu.memory_space<hbm>>
      %dma_wait3A_26 = tpu.memref_squeeze %dma_wait3A_25 : memref<1x10240xf32, #tpu.memory_space<hbm>> -> memref<10240xf32, #tpu.memory_space<hbm>>
      tpu.wait_dma2 semaphore(%run_scoped3A : memref<!tpu.dma_semaphore, #tpu.memory_space<semaphore_mem>>) src(%arg5 : memref<10240xf32, #tpu.memory_space<vmem>>) dst(%dma_wait3A_26 : memref<10240xf32, #tpu.memory_space<hbm>>)
      tpu.yield
    }) : () -> ()
    return
  }
}

#map = affine_map<(d0, d1) -> (0, 0)>
#map1 = affine_map<(d0, d1) -> (0, 0, 0)>
module attributes {stable_mosaic.version = 14 : i64} {
  func.func @k(%arg0: i32, %arg1: i32, %arg2: memref<5120x128xi32, #tpu.memory_space<hbm>>, %arg3: memref<5120x128xi32, #tpu.memory_space<hbm>>, %arg4: memref<10240x128xf32, #tpu.memory_space<hbm>>, %arg5: memref<640x128xf32, #tpu.memory_space<hbm>>, %arg6: memref<2x10240x128xf32, #tpu.memory_space<hbm>>, %arg7: memref<16x128xi32, #tpu.memory_space<vmem>>, %arg8: memref<16x128xi32, #tpu.memory_space<vmem>>, %arg9: memref<128x128xf32, #tpu.memory_space<vmem>>, %arg10: memref<128x128xf32, #tpu.memory_space<vmem>>, %arg11: memref<10240x128xf32, #tpu.memory_space<vmem_shared>>, %arg12: memref<!tpu.dma_semaphore, #tpu.memory_space<semaphore_mem>>, %arg13: memref<!tpu.dma_semaphore, #tpu.memory_space<semaphore_mem>>) attributes {dimension_semantics = [#tpu.dimension_semantics<core_parallel>, #tpu.dimension_semantics<subcore_parallel>], iteration_bounds = array<i64: 2, 16>, scalar_prefetch = 0 : i64, scratch_operands = 7 : i64, tpu.core_type = #tpu.core_type<sc_vector_subcore>, window_params = [{transform_indices = #map}, {transform_indices = #map}, {transform_indices = #map}, {transform_indices = #map}, {transform_indices = #map1}]} {
    %mul3A = arith.constant 640 : i32
    %mul3A_0 = arith.muli %arg1, %mul3A : i32
    "tpu.region"() ({
      %run_scoped3A = tpu.sem_alloc : memref<!tpu.dma_semaphore, #tpu.memory_space<semaphore_mem>>
      %dma_start3A = arith.constant 0 : i32
      %dma_start3A_27 = tpu.memref_slice %arg11[%mul3A_0, %dma_start3A] : memref<10240x128xf32, #tpu.memory_space<vmem_shared>> -> memref<640x128xf32, #tpu.memory_space<vmem_shared>>
      tpu.enqueue_dma source(%arg5 : memref<640x128xf32, #tpu.memory_space<hbm>>) target(%dma_start3A_27 : memref<640x128xf32, #tpu.memory_space<vmem_shared>>) target_semaphore(%run_scoped3A : memref<!tpu.dma_semaphore, #tpu.memory_space<semaphore_mem>>)
      %dma_wait3A = arith.constant 0 : i32
      %dma_wait3A_28 = tpu.memref_slice %arg11[%mul3A_0, %dma_wait3A] : memref<10240x128xf32, #tpu.memory_space<vmem_shared>> -> memref<640x128xf32, #tpu.memory_space<vmem_shared>>
      tpu.wait_dma2 semaphore(%run_scoped3A : memref<!tpu.dma_semaphore, #tpu.memory_space<semaphore_mem>>) src(%arg5 : memref<640x128xf32, #tpu.memory_space<hbm>>) dst(%dma_wait3A_28 : memref<640x128xf32, #tpu.memory_space<vmem_shared>>)
      tpu.yield
    }) : () -> ()
    %barrier3A = arith.constant 0 : index
    tpu.barrier barrier_id(%barrier3A)
    %eq3A = arith.constant 0 : i32
    %eq3A_1 = arith.cmpi eq, %arg0, %eq3A : i32
    %mul3A_2 = arith.constant 272 : i32
    %mul3A_3 = arith.muli %arg1, %mul3A_2 : i32
    %mul3A_4 = arith.constant 48 : i32
    %mul3A_5 = arith.muli %arg1, %mul3A_4 : i32
    %add3A = arith.constant 4352 : i32
    %add3A_6 = arith.addi %add3A, %mul3A_5 : i32
    %select_n3A = arith.select %eq3A_1, %mul3A_3, %add3A_6 : i32
    %eq3A_7 = arith.constant 0 : i32
    %eq3A_8 = arith.cmpi eq, %arg0, %eq3A_7 : i32
    %jit3A = arith.constant 17 : i32
    %jit3A_9 = arith.constant 3 : i32
    %select_n3A_10 = arith.select %eq3A_8, %jit3A, %jit3A_9 : i32
    %while3A = arith.constant 0 : i32
    %while3A_11 = arith.constant 0 : i32
    %while3A_12 = arith.subi %select_n3A_10, %while3A : i32
    %while3A_13 = arith.addi %while3A, %while3A_12 : i32
    %while3A_14 = arith.constant 1 : i32
    %while3A_15 = arith.divsi %while3A_12, %while3A_14 : i32
    %while3A_16 = arith.muli %while3A_15, %while3A_14 : i32
    %while3A_17 = arith.addi %while3A, %while3A_16 : i32
    %while3A_18 = arith.constant 1 : i32
    %while3A_19 = scf.for %while3A_27 = %while3A to %while3A_17 step %while3A_18 iter_args(%while3A_28 = %while3A_11) -> (i32)  : i32 {
      %mul3A_29 = arith.constant 16 : i32
      %mul3A_30 = arith.muli %while3A_27, %mul3A_29 : i32
      %add3A_31 = arith.addi %select_n3A, %mul3A_30 : i32
      "tpu.region"() ({
        %run_scoped3A_273 = tpu.sem_alloc : memref<!tpu.dma_semaphore, #tpu.memory_space<semaphore_mem>>
        %dma_start3A_274 = arith.constant 0 : i32
        %dma_start3A_275 = tpu.memref_slice %arg2[%add3A_31, %dma_start3A_274] : memref<5120x128xi32, #tpu.memory_space<hbm>> -> memref<16x128xi32, #tpu.memory_space<hbm>>
        %dma_start3A_276 = arith.constant 0 : i32
        %dma_start3A_277 = tpu.memref_slice %arg2[%add3A_31, %dma_start3A_276] : memref<5120x128xi32, #tpu.memory_space<hbm>> -> memref<16x128xi32, #tpu.memory_space<hbm>>
        tpu.enqueue_dma source(%dma_start3A_277 : memref<16x128xi32, #tpu.memory_space<hbm>>) target(%arg7 : memref<16x128xi32, #tpu.memory_space<vmem>>) target_semaphore(%run_scoped3A_273 : memref<!tpu.dma_semaphore, #tpu.memory_space<semaphore_mem>>)
        %dma_wait3A_278 = arith.constant 0 : i32
        %dma_wait3A_279 = tpu.memref_slice %arg2[%add3A_31, %dma_wait3A_278] : memref<5120x128xi32, #tpu.memory_space<hbm>> -> memref<16x128xi32, #tpu.memory_space<hbm>>
        %dma_wait3A_280 = arith.constant 0 : i32
        %dma_wait3A_281 = tpu.memref_slice %arg2[%add3A_31, %dma_wait3A_280] : memref<5120x128xi32, #tpu.memory_space<hbm>> -> memref<16x128xi32, #tpu.memory_space<hbm>>
        tpu.wait_dma2 semaphore(%run_scoped3A_273 : memref<!tpu.dma_semaphore, #tpu.memory_space<semaphore_mem>>) src(%dma_wait3A_281 : memref<16x128xi32, #tpu.memory_space<hbm>>) dst(%arg7 : memref<16x128xi32, #tpu.memory_space<vmem>>)
        tpu.yield
      }) : () -> ()
      %mul3A_32 = arith.constant 16 : i32
      %mul3A_33 = arith.muli %while3A_27, %mul3A_32 : i32
      %add3A_34 = arith.addi %select_n3A, %mul3A_33 : i32
      "tpu.region"() ({
        %run_scoped3A_273 = tpu.sem_alloc : memref<!tpu.dma_semaphore, #tpu.memory_space<semaphore_mem>>
        %dma_start3A_274 = arith.constant 0 : i32
        %dma_start3A_275 = tpu.memref_slice %arg3[%add3A_34, %dma_start3A_274] : memref<5120x128xi32, #tpu.memory_space<hbm>> -> memref<16x128xi32, #tpu.memory_space<hbm>>
        %dma_start3A_276 = arith.constant 0 : i32
        %dma_start3A_277 = tpu.memref_slice %arg3[%add3A_34, %dma_start3A_276] : memref<5120x128xi32, #tpu.memory_space<hbm>> -> memref<16x128xi32, #tpu.memory_space<hbm>>
        tpu.enqueue_dma source(%dma_start3A_277 : memref<16x128xi32, #tpu.memory_space<hbm>>) target(%arg8 : memref<16x128xi32, #tpu.memory_space<vmem>>) target_semaphore(%run_scoped3A_273 : memref<!tpu.dma_semaphore, #tpu.memory_space<semaphore_mem>>)
        %dma_wait3A_278 = arith.constant 0 : i32
        %dma_wait3A_279 = tpu.memref_slice %arg3[%add3A_34, %dma_wait3A_278] : memref<5120x128xi32, #tpu.memory_space<hbm>> -> memref<16x128xi32, #tpu.memory_space<hbm>>
        %dma_wait3A_280 = arith.constant 0 : i32
        %dma_wait3A_281 = tpu.memref_slice %arg3[%add3A_34, %dma_wait3A_280] : memref<5120x128xi32, #tpu.memory_space<hbm>> -> memref<16x128xi32, #tpu.memory_space<hbm>>
        tpu.wait_dma2 semaphore(%run_scoped3A_273 : memref<!tpu.dma_semaphore, #tpu.memory_space<semaphore_mem>>) src(%dma_wait3A_281 : memref<16x128xi32, #tpu.memory_space<hbm>>) dst(%arg8 : memref<16x128xi32, #tpu.memory_space<vmem>>)
        tpu.yield
      }) : () -> ()
      %dma_start3A = arith.constant 0 : i32
      %dma_start3A_35 = arith.constant 0 : i32
      %dma_start3A_36 = tpu.memref_slice %arg7[%dma_start3A, %dma_start3A_35] : memref<16x128xi32, #tpu.memory_space<vmem>> -> memref<1x128xi32, #tpu.memory_space<vmem>>
      %dma_start3A_37 = tpu.memref_squeeze %dma_start3A_36 : memref<1x128xi32, #tpu.memory_space<vmem>> -> memref<128xi32, #tpu.memory_space<vmem>>
      %dma_start3A_38 = arith.constant 0 : i32
      %dma_start3A_39 = arith.constant 0 : i32
      %dma_start3A_40 = tpu.memref_slice %arg4[%dma_start3A_38, %dma_start3A_39] : memref<10240x128xf32, #tpu.memory_space<hbm>> -> memref<10240x128xf32, #tpu.memory_space<hbm>>
      tpu.enqueue_indirect_dma source(%dma_start3A_40 : memref<10240x128xf32, #tpu.memory_space<hbm>>) target(%arg9 : memref<128x128xf32, #tpu.memory_space<vmem>>) offsets(%dma_start3A_37 : memref<128xi32, #tpu.memory_space<vmem>>) semaphore(%arg12 : memref<!tpu.dma_semaphore, #tpu.memory_space<semaphore_mem>>)
      %dma_start3A_41 = arith.constant 1 : i32
      %dma_start3A_42 = arith.constant 0 : i32
      %dma_start3A_43 = tpu.memref_slice %arg7[%dma_start3A_41, %dma_start3A_42] : memref<16x128xi32, #tpu.memory_space<vmem>> -> memref<1x128xi32, #tpu.memory_space<vmem>>
      %dma_start3A_44 = tpu.memref_squeeze %dma_start3A_43 : memref<1x128xi32, #tpu.memory_space<vmem>> -> memref<128xi32, #tpu.memory_space<vmem>>
      %dma_start3A_45 = arith.constant 0 : i32
      %dma_start3A_46 = arith.constant 0 : i32
      %dma_start3A_47 = tpu.memref_slice %arg4[%dma_start3A_45, %dma_start3A_46] : memref<10240x128xf32, #tpu.memory_space<hbm>> -> memref<10240x128xf32, #tpu.memory_space<hbm>>
      tpu.enqueue_indirect_dma source(%dma_start3A_47 : memref<10240x128xf32, #tpu.memory_space<hbm>>) target(%arg10 : memref<128x128xf32, #tpu.memory_space<vmem>>) offsets(%dma_start3A_44 : memref<128xi32, #tpu.memory_space<vmem>>) semaphore(%arg13 : memref<!tpu.dma_semaphore, #tpu.memory_space<semaphore_mem>>)
      %dma_wait3A = arith.constant 0 : i32
      %dma_wait3A_48 = arith.constant 0 : i32
      %dma_wait3A_49 = tpu.memref_slice %arg7[%dma_wait3A, %dma_wait3A_48] : memref<16x128xi32, #tpu.memory_space<vmem>> -> memref<1x128xi32, #tpu.memory_space<vmem>>
      %dma_wait3A_50 = tpu.memref_squeeze %dma_wait3A_49 : memref<1x128xi32, #tpu.memory_space<vmem>> -> memref<128xi32, #tpu.memory_space<vmem>>
      %dma_wait3A_51 = arith.constant 0 : i32
      %dma_wait3A_52 = arith.constant 0 : i32
      %dma_wait3A_53 = tpu.memref_slice %arg4[%dma_wait3A_51, %dma_wait3A_52] : memref<10240x128xf32, #tpu.memory_space<hbm>> -> memref<10240x128xf32, #tpu.memory_space<hbm>>
      tpu.wait_indirect_dma semaphore(%arg12 : memref<!tpu.dma_semaphore, #tpu.memory_space<semaphore_mem>>) src(%dma_wait3A_53 : memref<10240x128xf32, #tpu.memory_space<hbm>>) dst(%arg9 : memref<128x128xf32, #tpu.memory_space<vmem>>)
      %run_scoped3A = arith.constant 0 : i32
      "tpu.region"() ({
        %run_scoped3A_273 = tpu.sem_alloc : memref<!tpu.dma_semaphore, #tpu.memory_space<semaphore_mem>>
        %dma_start3A_274 = arith.constant 0 : i32
        %dma_start3A_275 = tpu.memref_slice %arg8[%run_scoped3A, %dma_start3A_274] : memref<16x128xi32, #tpu.memory_space<vmem>> -> memref<1x128xi32, #tpu.memory_space<vmem>>
        %dma_start3A_276 = tpu.memref_squeeze %dma_start3A_275 : memref<1x128xi32, #tpu.memory_space<vmem>> -> memref<128xi32, #tpu.memory_space<vmem>>
        %dma_start3A_277 = arith.constant 0 : i32
        %dma_start3A_278 = arith.constant 0 : i32
        %dma_start3A_279 = tpu.memref_slice %arg11[%dma_start3A_277, %dma_start3A_278] : memref<10240x128xf32, #tpu.memory_space<vmem_shared>> -> memref<10240x128xf32, #tpu.memory_space<vmem_shared>>
        tpu.enqueue_indirect_dma source(%arg9 : memref<128x128xf32, #tpu.memory_space<vmem>>) target(%dma_start3A_279 : memref<10240x128xf32, #tpu.memory_space<vmem_shared>>) offsets(%dma_start3A_276 : memref<128xi32, #tpu.memory_space<vmem>>) semaphore(%run_scoped3A_273 : memref<!tpu.dma_semaphore, #tpu.memory_space<semaphore_mem>>) {add = true}
        %dma_wait3A_280 = arith.constant 0 : i32
        %dma_wait3A_281 = tpu.memref_slice %arg8[%run_scoped3A, %dma_wait3A_280] : memref<16x128xi32, #tpu.memory_space<vmem>> -> memref<1x128xi32, #tpu.memory_space<vmem>>
        %dma_wait3A_282 = tpu.memref_squeeze %dma_wait3A_281 : memref<1x128xi32, #tpu.memory_space<vmem>> -> memref<128xi32, #tpu.memory_space<vmem>>
        %dma_wait3A_283 = arith.constant 0 : i32
        %dma_wait3A_284 = arith.constant 0 : i32
        %dma_wait3A_285 = tpu.memref_slice %arg11[%dma_wait3A_283, %dma_wait3A_284] : memref<10240x128xf32, #tpu.memory_space<vmem_shared>> -> memref<10240x128xf32, #tpu.memory_space<vmem_shared>>
        tpu.wait_indirect_dma semaphore(%run_scoped3A_273 : memref<!tpu.dma_semaphore, #tpu.memory_space<semaphore_mem>>) src(%arg9 : memref<128x128xf32, #tpu.memory_space<vmem>>) dst(%dma_wait3A_285 : memref<10240x128xf32, #tpu.memory_space<vmem_shared>>)
        tpu.yield
      }) : () -> ()
      %dma_start3A_54 = arith.constant 2 : i32
      %dma_start3A_55 = arith.constant 0 : i32
      %dma_start3A_56 = tpu.memref_slice %arg7[%dma_start3A_54, %dma_start3A_55] : memref<16x128xi32, #tpu.memory_space<vmem>> -> memref<1x128xi32, #tpu.memory_space<vmem>>
      %dma_start3A_57 = tpu.memref_squeeze %dma_start3A_56 : memref<1x128xi32, #tpu.memory_space<vmem>> -> memref<128xi32, #tpu.memory_space<vmem>>
      %dma_start3A_58 = arith.constant 0 : i32
      %dma_start3A_59 = arith.constant 0 : i32
      %dma_start3A_60 = tpu.memref_slice %arg4[%dma_start3A_58, %dma_start3A_59] : memref<10240x128xf32, #tpu.memory_space<hbm>> -> memref<10240x128xf32, #tpu.memory_space<hbm>>
      tpu.enqueue_indirect_dma source(%dma_start3A_60 : memref<10240x128xf32, #tpu.memory_space<hbm>>) target(%arg9 : memref<128x128xf32, #tpu.memory_space<vmem>>) offsets(%dma_start3A_57 : memref<128xi32, #tpu.memory_space<vmem>>) semaphore(%arg12 : memref<!tpu.dma_semaphore, #tpu.memory_space<semaphore_mem>>)
      %dma_wait3A_61 = arith.constant 1 : i32
      %dma_wait3A_62 = arith.constant 0 : i32
      %dma_wait3A_63 = tpu.memref_slice %arg7[%dma_wait3A_61, %dma_wait3A_62] : memref<16x128xi32, #tpu.memory_space<vmem>> -> memref<1x128xi32, #tpu.memory_space<vmem>>
      %dma_wait3A_64 = tpu.memref_squeeze %dma_wait3A_63 : memref<1x128xi32, #tpu.memory_space<vmem>> -> memref<128xi32, #tpu.memory_space<vmem>>
      %dma_wait3A_65 = arith.constant 0 : i32
      %dma_wait3A_66 = arith.constant 0 : i32
      %dma_wait3A_67 = tpu.memref_slice %arg4[%dma_wait3A_65, %dma_wait3A_66] : memref<10240x128xf32, #tpu.memory_space<hbm>> -> memref<10240x128xf32, #tpu.memory_space<hbm>>
      tpu.wait_indirect_dma semaphore(%arg13 : memref<!tpu.dma_semaphore, #tpu.memory_space<semaphore_mem>>) src(%dma_wait3A_67 : memref<10240x128xf32, #tpu.memory_space<hbm>>) dst(%arg10 : memref<128x128xf32, #tpu.memory_space<vmem>>)
      %run_scoped3A_68 = arith.constant 1 : i32
      "tpu.region"() ({
        %run_scoped3A_273 = tpu.sem_alloc : memref<!tpu.dma_semaphore, #tpu.memory_space<semaphore_mem>>
        %dma_start3A_274 = arith.constant 0 : i32
        %dma_start3A_275 = tpu.memref_slice %arg8[%run_scoped3A_68, %dma_start3A_274] : memref<16x128xi32, #tpu.memory_space<vmem>> -> memref<1x128xi32, #tpu.memory_space<vmem>>
        %dma_start3A_276 = tpu.memref_squeeze %dma_start3A_275 : memref<1x128xi32, #tpu.memory_space<vmem>> -> memref<128xi32, #tpu.memory_space<vmem>>
        %dma_start3A_277 = arith.constant 0 : i32
        %dma_start3A_278 = arith.constant 0 : i32
        %dma_start3A_279 = tpu.memref_slice %arg11[%dma_start3A_277, %dma_start3A_278] : memref<10240x128xf32, #tpu.memory_space<vmem_shared>> -> memref<10240x128xf32, #tpu.memory_space<vmem_shared>>
        tpu.enqueue_indirect_dma source(%arg10 : memref<128x128xf32, #tpu.memory_space<vmem>>) target(%dma_start3A_279 : memref<10240x128xf32, #tpu.memory_space<vmem_shared>>) offsets(%dma_start3A_276 : memref<128xi32, #tpu.memory_space<vmem>>) semaphore(%run_scoped3A_273 : memref<!tpu.dma_semaphore, #tpu.memory_space<semaphore_mem>>) {add = true}
        %dma_wait3A_280 = arith.constant 0 : i32
        %dma_wait3A_281 = tpu.memref_slice %arg8[%run_scoped3A_68, %dma_wait3A_280] : memref<16x128xi32, #tpu.memory_space<vmem>> -> memref<1x128xi32, #tpu.memory_space<vmem>>
        %dma_wait3A_282 = tpu.memref_squeeze %dma_wait3A_281 : memref<1x128xi32, #tpu.memory_space<vmem>> -> memref<128xi32, #tpu.memory_space<vmem>>
        %dma_wait3A_283 = arith.constant 0 : i32
        %dma_wait3A_284 = arith.constant 0 : i32
        %dma_wait3A_285 = tpu.memref_slice %arg11[%dma_wait3A_283, %dma_wait3A_284] : memref<10240x128xf32, #tpu.memory_space<vmem_shared>> -> memref<10240x128xf32, #tpu.memory_space<vmem_shared>>
        tpu.wait_indirect_dma semaphore(%run_scoped3A_273 : memref<!tpu.dma_semaphore, #tpu.memory_space<semaphore_mem>>) src(%arg10 : memref<128x128xf32, #tpu.memory_space<vmem>>) dst(%dma_wait3A_285 : memref<10240x128xf32, #tpu.memory_space<vmem_shared>>)
        tpu.yield
      }) : () -> ()
      %dma_start3A_69 = arith.constant 3 : i32
      %dma_start3A_70 = arith.constant 0 : i32
      %dma_start3A_71 = tpu.memref_slice %arg7[%dma_start3A_69, %dma_start3A_70] : memref<16x128xi32, #tpu.memory_space<vmem>> -> memref<1x128xi32, #tpu.memory_space<vmem>>
      %dma_start3A_72 = tpu.memref_squeeze %dma_start3A_71 : memref<1x128xi32, #tpu.memory_space<vmem>> -> memref<128xi32, #tpu.memory_space<vmem>>
      %dma_start3A_73 = arith.constant 0 : i32
      %dma_start3A_74 = arith.constant 0 : i32
      %dma_start3A_75 = tpu.memref_slice %arg4[%dma_start3A_73, %dma_start3A_74] : memref<10240x128xf32, #tpu.memory_space<hbm>> -> memref<10240x128xf32, #tpu.memory_space<hbm>>
      tpu.enqueue_indirect_dma source(%dma_start3A_75 : memref<10240x128xf32, #tpu.memory_space<hbm>>) target(%arg10 : memref<128x128xf32, #tpu.memory_space<vmem>>) offsets(%dma_start3A_72 : memref<128xi32, #tpu.memory_space<vmem>>) semaphore(%arg13 : memref<!tpu.dma_semaphore, #tpu.memory_space<semaphore_mem>>)
      %dma_wait3A_76 = arith.constant 2 : i32
      %dma_wait3A_77 = arith.constant 0 : i32
      %dma_wait3A_78 = tpu.memref_slice %arg7[%dma_wait3A_76, %dma_wait3A_77] : memref<16x128xi32, #tpu.memory_space<vmem>> -> memref<1x128xi32, #tpu.memory_space<vmem>>
      %dma_wait3A_79 = tpu.memref_squeeze %dma_wait3A_78 : memref<1x128xi32, #tpu.memory_space<vmem>> -> memref<128xi32, #tpu.memory_space<vmem>>
      %dma_wait3A_80 = arith.constant 0 : i32
      %dma_wait3A_81 = arith.constant 0 : i32
      %dma_wait3A_82 = tpu.memref_slice %arg4[%dma_wait3A_80, %dma_wait3A_81] : memref<10240x128xf32, #tpu.memory_space<hbm>> -> memref<10240x128xf32, #tpu.memory_space<hbm>>
      tpu.wait_indirect_dma semaphore(%arg12 : memref<!tpu.dma_semaphore, #tpu.memory_space<semaphore_mem>>) src(%dma_wait3A_82 : memref<10240x128xf32, #tpu.memory_space<hbm>>) dst(%arg9 : memref<128x128xf32, #tpu.memory_space<vmem>>)
      %run_scoped3A_83 = arith.constant 2 : i32
      "tpu.region"() ({
        %run_scoped3A_273 = tpu.sem_alloc : memref<!tpu.dma_semaphore, #tpu.memory_space<semaphore_mem>>
        %dma_start3A_274 = arith.constant 0 : i32
        %dma_start3A_275 = tpu.memref_slice %arg8[%run_scoped3A_83, %dma_start3A_274] : memref<16x128xi32, #tpu.memory_space<vmem>> -> memref<1x128xi32, #tpu.memory_space<vmem>>
        %dma_start3A_276 = tpu.memref_squeeze %dma_start3A_275 : memref<1x128xi32, #tpu.memory_space<vmem>> -> memref<128xi32, #tpu.memory_space<vmem>>
        %dma_start3A_277 = arith.constant 0 : i32
        %dma_start3A_278 = arith.constant 0 : i32
        %dma_start3A_279 = tpu.memref_slice %arg11[%dma_start3A_277, %dma_start3A_278] : memref<10240x128xf32, #tpu.memory_space<vmem_shared>> -> memref<10240x128xf32, #tpu.memory_space<vmem_shared>>
        tpu.enqueue_indirect_dma source(%arg9 : memref<128x128xf32, #tpu.memory_space<vmem>>) target(%dma_start3A_279 : memref<10240x128xf32, #tpu.memory_space<vmem_shared>>) offsets(%dma_start3A_276 : memref<128xi32, #tpu.memory_space<vmem>>) semaphore(%run_scoped3A_273 : memref<!tpu.dma_semaphore, #tpu.memory_space<semaphore_mem>>) {add = true}
        %dma_wait3A_280 = arith.constant 0 : i32
        %dma_wait3A_281 = tpu.memref_slice %arg8[%run_scoped3A_83, %dma_wait3A_280] : memref<16x128xi32, #tpu.memory_space<vmem>> -> memref<1x128xi32, #tpu.memory_space<vmem>>
        %dma_wait3A_282 = tpu.memref_squeeze %dma_wait3A_281 : memref<1x128xi32, #tpu.memory_space<vmem>> -> memref<128xi32, #tpu.memory_space<vmem>>
        %dma_wait3A_283 = arith.constant 0 : i32
        %dma_wait3A_284 = arith.constant 0 : i32
        %dma_wait3A_285 = tpu.memref_slice %arg11[%dma_wait3A_283, %dma_wait3A_284] : memref<10240x128xf32, #tpu.memory_space<vmem_shared>> -> memref<10240x128xf32, #tpu.memory_space<vmem_shared>>
        tpu.wait_indirect_dma semaphore(%run_scoped3A_273 : memref<!tpu.dma_semaphore, #tpu.memory_space<semaphore_mem>>) src(%arg9 : memref<128x128xf32, #tpu.memory_space<vmem>>) dst(%dma_wait3A_285 : memref<10240x128xf32, #tpu.memory_space<vmem_shared>>)
        tpu.yield
      }) : () -> ()
      %dma_start3A_84 = arith.constant 4 : i32
      %dma_start3A_85 = arith.constant 0 : i32
      %dma_start3A_86 = tpu.memref_slice %arg7[%dma_start3A_84, %dma_start3A_85] : memref<16x128xi32, #tpu.memory_space<vmem>> -> memref<1x128xi32, #tpu.memory_space<vmem>>
      %dma_start3A_87 = tpu.memref_squeeze %dma_start3A_86 : memref<1x128xi32, #tpu.memory_space<vmem>> -> memref<128xi32, #tpu.memory_space<vmem>>
      %dma_start3A_88 = arith.constant 0 : i32
      %dma_start3A_89 = arith.constant 0 : i32
      %dma_start3A_90 = tpu.memref_slice %arg4[%dma_start3A_88, %dma_start3A_89] : memref<10240x128xf32, #tpu.memory_space<hbm>> -> memref<10240x128xf32, #tpu.memory_space<hbm>>
      tpu.enqueue_indirect_dma source(%dma_start3A_90 : memref<10240x128xf32, #tpu.memory_space<hbm>>) target(%arg9 : memref<128x128xf32, #tpu.memory_space<vmem>>) offsets(%dma_start3A_87 : memref<128xi32, #tpu.memory_space<vmem>>) semaphore(%arg12 : memref<!tpu.dma_semaphore, #tpu.memory_space<semaphore_mem>>)
      %dma_wait3A_91 = arith.constant 3 : i32
      %dma_wait3A_92 = arith.constant 0 : i32
      %dma_wait3A_93 = tpu.memref_slice %arg7[%dma_wait3A_91, %dma_wait3A_92] : memref<16x128xi32, #tpu.memory_space<vmem>> -> memref<1x128xi32, #tpu.memory_space<vmem>>
      %dma_wait3A_94 = tpu.memref_squeeze %dma_wait3A_93 : memref<1x128xi32, #tpu.memory_space<vmem>> -> memref<128xi32, #tpu.memory_space<vmem>>
      %dma_wait3A_95 = arith.constant 0 : i32
      %dma_wait3A_96 = arith.constant 0 : i32
      %dma_wait3A_97 = tpu.memref_slice %arg4[%dma_wait3A_95, %dma_wait3A_96] : memref<10240x128xf32, #tpu.memory_space<hbm>> -> memref<10240x128xf32, #tpu.memory_space<hbm>>
      tpu.wait_indirect_dma semaphore(%arg13 : memref<!tpu.dma_semaphore, #tpu.memory_space<semaphore_mem>>) src(%dma_wait3A_97 : memref<10240x128xf32, #tpu.memory_space<hbm>>) dst(%arg10 : memref<128x128xf32, #tpu.memory_space<vmem>>)
      %run_scoped3A_98 = arith.constant 3 : i32
      "tpu.region"() ({
        %run_scoped3A_273 = tpu.sem_alloc : memref<!tpu.dma_semaphore, #tpu.memory_space<semaphore_mem>>
        %dma_start3A_274 = arith.constant 0 : i32
        %dma_start3A_275 = tpu.memref_slice %arg8[%run_scoped3A_98, %dma_start3A_274] : memref<16x128xi32, #tpu.memory_space<vmem>> -> memref<1x128xi32, #tpu.memory_space<vmem>>
        %dma_start3A_276 = tpu.memref_squeeze %dma_start3A_275 : memref<1x128xi32, #tpu.memory_space<vmem>> -> memref<128xi32, #tpu.memory_space<vmem>>
        %dma_start3A_277 = arith.constant 0 : i32
        %dma_start3A_278 = arith.constant 0 : i32
        %dma_start3A_279 = tpu.memref_slice %arg11[%dma_start3A_277, %dma_start3A_278] : memref<10240x128xf32, #tpu.memory_space<vmem_shared>> -> memref<10240x128xf32, #tpu.memory_space<vmem_shared>>
        tpu.enqueue_indirect_dma source(%arg10 : memref<128x128xf32, #tpu.memory_space<vmem>>) target(%dma_start3A_279 : memref<10240x128xf32, #tpu.memory_space<vmem_shared>>) offsets(%dma_start3A_276 : memref<128xi32, #tpu.memory_space<vmem>>) semaphore(%run_scoped3A_273 : memref<!tpu.dma_semaphore, #tpu.memory_space<semaphore_mem>>) {add = true}
        %dma_wait3A_280 = arith.constant 0 : i32
        %dma_wait3A_281 = tpu.memref_slice %arg8[%run_scoped3A_98, %dma_wait3A_280] : memref<16x128xi32, #tpu.memory_space<vmem>> -> memref<1x128xi32, #tpu.memory_space<vmem>>
        %dma_wait3A_282 = tpu.memref_squeeze %dma_wait3A_281 : memref<1x128xi32, #tpu.memory_space<vmem>> -> memref<128xi32, #tpu.memory_space<vmem>>
        %dma_wait3A_283 = arith.constant 0 : i32
        %dma_wait3A_284 = arith.constant 0 : i32
        %dma_wait3A_285 = tpu.memref_slice %arg11[%dma_wait3A_283, %dma_wait3A_284] : memref<10240x128xf32, #tpu.memory_space<vmem_shared>> -> memref<10240x128xf32, #tpu.memory_space<vmem_shared>>
        tpu.wait_indirect_dma semaphore(%run_scoped3A_273 : memref<!tpu.dma_semaphore, #tpu.memory_space<semaphore_mem>>) src(%arg10 : memref<128x128xf32, #tpu.memory_space<vmem>>) dst(%dma_wait3A_285 : memref<10240x128xf32, #tpu.memory_space<vmem_shared>>)
        tpu.yield
      }) : () -> ()
      %dma_start3A_99 = arith.constant 5 : i32
      %dma_start3A_100 = arith.constant 0 : i32
      %dma_start3A_101 = tpu.memref_slice %arg7[%dma_start3A_99, %dma_start3A_100] : memref<16x128xi32, #tpu.memory_space<vmem>> -> memref<1x128xi32, #tpu.memory_space<vmem>>
      %dma_start3A_102 = tpu.memref_squeeze %dma_start3A_101 : memref<1x128xi32, #tpu.memory_space<vmem>> -> memref<128xi32, #tpu.memory_space<vmem>>
      %dma_start3A_103 = arith.constant 0 : i32
      %dma_start3A_104 = arith.constant 0 : i32
      %dma_start3A_105 = tpu.memref_slice %arg4[%dma_start3A_103, %dma_start3A_104] : memref<10240x128xf32, #tpu.memory_space<hbm>> -> memref<10240x128xf32, #tpu.memory_space<hbm>>
      tpu.enqueue_indirect_dma source(%dma_start3A_105 : memref<10240x128xf32, #tpu.memory_space<hbm>>) target(%arg10 : memref<128x128xf32, #tpu.memory_space<vmem>>) offsets(%dma_start3A_102 : memref<128xi32, #tpu.memory_space<vmem>>) semaphore(%arg13 : memref<!tpu.dma_semaphore, #tpu.memory_space<semaphore_mem>>)
      %dma_wait3A_106 = arith.constant 4 : i32
      %dma_wait3A_107 = arith.constant 0 : i32
      %dma_wait3A_108 = tpu.memref_slice %arg7[%dma_wait3A_106, %dma_wait3A_107] : memref<16x128xi32, #tpu.memory_space<vmem>> -> memref<1x128xi32, #tpu.memory_space<vmem>>
      %dma_wait3A_109 = tpu.memref_squeeze %dma_wait3A_108 : memref<1x128xi32, #tpu.memory_space<vmem>> -> memref<128xi32, #tpu.memory_space<vmem>>
      %dma_wait3A_110 = arith.constant 0 : i32
      %dma_wait3A_111 = arith.constant 0 : i32
      %dma_wait3A_112 = tpu.memref_slice %arg4[%dma_wait3A_110, %dma_wait3A_111] : memref<10240x128xf32, #tpu.memory_space<hbm>> -> memref<10240x128xf32, #tpu.memory_space<hbm>>
      tpu.wait_indirect_dma semaphore(%arg12 : memref<!tpu.dma_semaphore, #tpu.memory_space<semaphore_mem>>) src(%dma_wait3A_112 : memref<10240x128xf32, #tpu.memory_space<hbm>>) dst(%arg9 : memref<128x128xf32, #tpu.memory_space<vmem>>)
      %run_scoped3A_113 = arith.constant 4 : i32
      "tpu.region"() ({
        %run_scoped3A_273 = tpu.sem_alloc : memref<!tpu.dma_semaphore, #tpu.memory_space<semaphore_mem>>
        %dma_start3A_274 = arith.constant 0 : i32
        %dma_start3A_275 = tpu.memref_slice %arg8[%run_scoped3A_113, %dma_start3A_274] : memref<16x128xi32, #tpu.memory_space<vmem>> -> memref<1x128xi32, #tpu.memory_space<vmem>>
        %dma_start3A_276 = tpu.memref_squeeze %dma_start3A_275 : memref<1x128xi32, #tpu.memory_space<vmem>> -> memref<128xi32, #tpu.memory_space<vmem>>
        %dma_start3A_277 = arith.constant 0 : i32
        %dma_start3A_278 = arith.constant 0 : i32
        %dma_start3A_279 = tpu.memref_slice %arg11[%dma_start3A_277, %dma_start3A_278] : memref<10240x128xf32, #tpu.memory_space<vmem_shared>> -> memref<10240x128xf32, #tpu.memory_space<vmem_shared>>
        tpu.enqueue_indirect_dma source(%arg9 : memref<128x128xf32, #tpu.memory_space<vmem>>) target(%dma_start3A_279 : memref<10240x128xf32, #tpu.memory_space<vmem_shared>>) offsets(%dma_start3A_276 : memref<128xi32, #tpu.memory_space<vmem>>) semaphore(%run_scoped3A_273 : memref<!tpu.dma_semaphore, #tpu.memory_space<semaphore_mem>>) {add = true}
        %dma_wait3A_280 = arith.constant 0 : i32
        %dma_wait3A_281 = tpu.memref_slice %arg8[%run_scoped3A_113, %dma_wait3A_280] : memref<16x128xi32, #tpu.memory_space<vmem>> -> memref<1x128xi32, #tpu.memory_space<vmem>>
        %dma_wait3A_282 = tpu.memref_squeeze %dma_wait3A_281 : memref<1x128xi32, #tpu.memory_space<vmem>> -> memref<128xi32, #tpu.memory_space<vmem>>
        %dma_wait3A_283 = arith.constant 0 : i32
        %dma_wait3A_284 = arith.constant 0 : i32
        %dma_wait3A_285 = tpu.memref_slice %arg11[%dma_wait3A_283, %dma_wait3A_284] : memref<10240x128xf32, #tpu.memory_space<vmem_shared>> -> memref<10240x128xf32, #tpu.memory_space<vmem_shared>>
        tpu.wait_indirect_dma semaphore(%run_scoped3A_273 : memref<!tpu.dma_semaphore, #tpu.memory_space<semaphore_mem>>) src(%arg9 : memref<128x128xf32, #tpu.memory_space<vmem>>) dst(%dma_wait3A_285 : memref<10240x128xf32, #tpu.memory_space<vmem_shared>>)
        tpu.yield
      }) : () -> ()
      %dma_start3A_114 = arith.constant 6 : i32
      %dma_start3A_115 = arith.constant 0 : i32
      %dma_start3A_116 = tpu.memref_slice %arg7[%dma_start3A_114, %dma_start3A_115] : memref<16x128xi32, #tpu.memory_space<vmem>> -> memref<1x128xi32, #tpu.memory_space<vmem>>
      %dma_start3A_117 = tpu.memref_squeeze %dma_start3A_116 : memref<1x128xi32, #tpu.memory_space<vmem>> -> memref<128xi32, #tpu.memory_space<vmem>>
      %dma_start3A_118 = arith.constant 0 : i32
      %dma_start3A_119 = arith.constant 0 : i32
      %dma_start3A_120 = tpu.memref_slice %arg4[%dma_start3A_118, %dma_start3A_119] : memref<10240x128xf32, #tpu.memory_space<hbm>> -> memref<10240x128xf32, #tpu.memory_space<hbm>>
      tpu.enqueue_indirect_dma source(%dma_start3A_120 : memref<10240x128xf32, #tpu.memory_space<hbm>>) target(%arg9 : memref<128x128xf32, #tpu.memory_space<vmem>>) offsets(%dma_start3A_117 : memref<128xi32, #tpu.memory_space<vmem>>) semaphore(%arg12 : memref<!tpu.dma_semaphore, #tpu.memory_space<semaphore_mem>>)
      %dma_wait3A_121 = arith.constant 5 : i32
      %dma_wait3A_122 = arith.constant 0 : i32
      %dma_wait3A_123 = tpu.memref_slice %arg7[%dma_wait3A_121, %dma_wait3A_122] : memref<16x128xi32, #tpu.memory_space<vmem>> -> memref<1x128xi32, #tpu.memory_space<vmem>>
      %dma_wait3A_124 = tpu.memref_squeeze %dma_wait3A_123 : memref<1x128xi32, #tpu.memory_space<vmem>> -> memref<128xi32, #tpu.memory_space<vmem>>
      %dma_wait3A_125 = arith.constant 0 : i32
      %dma_wait3A_126 = arith.constant 0 : i32
      %dma_wait3A_127 = tpu.memref_slice %arg4[%dma_wait3A_125, %dma_wait3A_126] : memref<10240x128xf32, #tpu.memory_space<hbm>> -> memref<10240x128xf32, #tpu.memory_space<hbm>>
      tpu.wait_indirect_dma semaphore(%arg13 : memref<!tpu.dma_semaphore, #tpu.memory_space<semaphore_mem>>) src(%dma_wait3A_127 : memref<10240x128xf32, #tpu.memory_space<hbm>>) dst(%arg10 : memref<128x128xf32, #tpu.memory_space<vmem>>)
      %run_scoped3A_128 = arith.constant 5 : i32
      "tpu.region"() ({
        %run_scoped3A_273 = tpu.sem_alloc : memref<!tpu.dma_semaphore, #tpu.memory_space<semaphore_mem>>
        %dma_start3A_274 = arith.constant 0 : i32
        %dma_start3A_275 = tpu.memref_slice %arg8[%run_scoped3A_128, %dma_start3A_274] : memref<16x128xi32, #tpu.memory_space<vmem>> -> memref<1x128xi32, #tpu.memory_space<vmem>>
        %dma_start3A_276 = tpu.memref_squeeze %dma_start3A_275 : memref<1x128xi32, #tpu.memory_space<vmem>> -> memref<128xi32, #tpu.memory_space<vmem>>
        %dma_start3A_277 = arith.constant 0 : i32
        %dma_start3A_278 = arith.constant 0 : i32
        %dma_start3A_279 = tpu.memref_slice %arg11[%dma_start3A_277, %dma_start3A_278] : memref<10240x128xf32, #tpu.memory_space<vmem_shared>> -> memref<10240x128xf32, #tpu.memory_space<vmem_shared>>
        tpu.enqueue_indirect_dma source(%arg10 : memref<128x128xf32, #tpu.memory_space<vmem>>) target(%dma_start3A_279 : memref<10240x128xf32, #tpu.memory_space<vmem_shared>>) offsets(%dma_start3A_276 : memref<128xi32, #tpu.memory_space<vmem>>) semaphore(%run_scoped3A_273 : memref<!tpu.dma_semaphore, #tpu.memory_space<semaphore_mem>>) {add = true}
        %dma_wait3A_280 = arith.constant 0 : i32
        %dma_wait3A_281 = tpu.memref_slice %arg8[%run_scoped3A_128, %dma_wait3A_280] : memref<16x128xi32, #tpu.memory_space<vmem>> -> memref<1x128xi32, #tpu.memory_space<vmem>>
        %dma_wait3A_282 = tpu.memref_squeeze %dma_wait3A_281 : memref<1x128xi32, #tpu.memory_space<vmem>> -> memref<128xi32, #tpu.memory_space<vmem>>
        %dma_wait3A_283 = arith.constant 0 : i32
        %dma_wait3A_284 = arith.constant 0 : i32
        %dma_wait3A_285 = tpu.memref_slice %arg11[%dma_wait3A_283, %dma_wait3A_284] : memref<10240x128xf32, #tpu.memory_space<vmem_shared>> -> memref<10240x128xf32, #tpu.memory_space<vmem_shared>>
        tpu.wait_indirect_dma semaphore(%run_scoped3A_273 : memref<!tpu.dma_semaphore, #tpu.memory_space<semaphore_mem>>) src(%arg10 : memref<128x128xf32, #tpu.memory_space<vmem>>) dst(%dma_wait3A_285 : memref<10240x128xf32, #tpu.memory_space<vmem_shared>>)
        tpu.yield
      }) : () -> ()
      %dma_start3A_129 = arith.constant 7 : i32
      %dma_start3A_130 = arith.constant 0 : i32
      %dma_start3A_131 = tpu.memref_slice %arg7[%dma_start3A_129, %dma_start3A_130] : memref<16x128xi32, #tpu.memory_space<vmem>> -> memref<1x128xi32, #tpu.memory_space<vmem>>
      %dma_start3A_132 = tpu.memref_squeeze %dma_start3A_131 : memref<1x128xi32, #tpu.memory_space<vmem>> -> memref<128xi32, #tpu.memory_space<vmem>>
      %dma_start3A_133 = arith.constant 0 : i32
      %dma_start3A_134 = arith.constant 0 : i32
      %dma_start3A_135 = tpu.memref_slice %arg4[%dma_start3A_133, %dma_start3A_134] : memref<10240x128xf32, #tpu.memory_space<hbm>> -> memref<10240x128xf32, #tpu.memory_space<hbm>>
      tpu.enqueue_indirect_dma source(%dma_start3A_135 : memref<10240x128xf32, #tpu.memory_space<hbm>>) target(%arg10 : memref<128x128xf32, #tpu.memory_space<vmem>>) offsets(%dma_start3A_132 : memref<128xi32, #tpu.memory_space<vmem>>) semaphore(%arg13 : memref<!tpu.dma_semaphore, #tpu.memory_space<semaphore_mem>>)
      %dma_wait3A_136 = arith.constant 6 : i32
      %dma_wait3A_137 = arith.constant 0 : i32
      %dma_wait3A_138 = tpu.memref_slice %arg7[%dma_wait3A_136, %dma_wait3A_137] : memref<16x128xi32, #tpu.memory_space<vmem>> -> memref<1x128xi32, #tpu.memory_space<vmem>>
      %dma_wait3A_139 = tpu.memref_squeeze %dma_wait3A_138 : memref<1x128xi32, #tpu.memory_space<vmem>> -> memref<128xi32, #tpu.memory_space<vmem>>
      %dma_wait3A_140 = arith.constant 0 : i32
      %dma_wait3A_141 = arith.constant 0 : i32
      %dma_wait3A_142 = tpu.memref_slice %arg4[%dma_wait3A_140, %dma_wait3A_141] : memref<10240x128xf32, #tpu.memory_space<hbm>> -> memref<10240x128xf32, #tpu.memory_space<hbm>>
      tpu.wait_indirect_dma semaphore(%arg12 : memref<!tpu.dma_semaphore, #tpu.memory_space<semaphore_mem>>) src(%dma_wait3A_142 : memref<10240x128xf32, #tpu.memory_space<hbm>>) dst(%arg9 : memref<128x128xf32, #tpu.memory_space<vmem>>)
      %run_scoped3A_143 = arith.constant 6 : i32
      "tpu.region"() ({
        %run_scoped3A_273 = tpu.sem_alloc : memref<!tpu.dma_semaphore, #tpu.memory_space<semaphore_mem>>
        %dma_start3A_274 = arith.constant 0 : i32
        %dma_start3A_275 = tpu.memref_slice %arg8[%run_scoped3A_143, %dma_start3A_274] : memref<16x128xi32, #tpu.memory_space<vmem>> -> memref<1x128xi32, #tpu.memory_space<vmem>>
        %dma_start3A_276 = tpu.memref_squeeze %dma_start3A_275 : memref<1x128xi32, #tpu.memory_space<vmem>> -> memref<128xi32, #tpu.memory_space<vmem>>
        %dma_start3A_277 = arith.constant 0 : i32
        %dma_start3A_278 = arith.constant 0 : i32
        %dma_start3A_279 = tpu.memref_slice %arg11[%dma_start3A_277, %dma_start3A_278] : memref<10240x128xf32, #tpu.memory_space<vmem_shared>> -> memref<10240x128xf32, #tpu.memory_space<vmem_shared>>
        tpu.enqueue_indirect_dma source(%arg9 : memref<128x128xf32, #tpu.memory_space<vmem>>) target(%dma_start3A_279 : memref<10240x128xf32, #tpu.memory_space<vmem_shared>>) offsets(%dma_start3A_276 : memref<128xi32, #tpu.memory_space<vmem>>) semaphore(%run_scoped3A_273 : memref<!tpu.dma_semaphore, #tpu.memory_space<semaphore_mem>>) {add = true}
        %dma_wait3A_280 = arith.constant 0 : i32
        %dma_wait3A_281 = tpu.memref_slice %arg8[%run_scoped3A_143, %dma_wait3A_280] : memref<16x128xi32, #tpu.memory_space<vmem>> -> memref<1x128xi32, #tpu.memory_space<vmem>>
        %dma_wait3A_282 = tpu.memref_squeeze %dma_wait3A_281 : memref<1x128xi32, #tpu.memory_space<vmem>> -> memref<128xi32, #tpu.memory_space<vmem>>
        %dma_wait3A_283 = arith.constant 0 : i32
        %dma_wait3A_284 = arith.constant 0 : i32
        %dma_wait3A_285 = tpu.memref_slice %arg11[%dma_wait3A_283, %dma_wait3A_284] : memref<10240x128xf32, #tpu.memory_space<vmem_shared>> -> memref<10240x128xf32, #tpu.memory_space<vmem_shared>>
        tpu.wait_indirect_dma semaphore(%run_scoped3A_273 : memref<!tpu.dma_semaphore, #tpu.memory_space<semaphore_mem>>) src(%arg9 : memref<128x128xf32, #tpu.memory_space<vmem>>) dst(%dma_wait3A_285 : memref<10240x128xf32, #tpu.memory_space<vmem_shared>>)
        tpu.yield
      }) : () -> ()
      %dma_start3A_144 = arith.constant 8 : i32
      %dma_start3A_145 = arith.constant 0 : i32
      %dma_start3A_146 = tpu.memref_slice %arg7[%dma_start3A_144, %dma_start3A_145] : memref<16x128xi32, #tpu.memory_space<vmem>> -> memref<1x128xi32, #tpu.memory_space<vmem>>
      %dma_start3A_147 = tpu.memref_squeeze %dma_start3A_146 : memref<1x128xi32, #tpu.memory_space<vmem>> -> memref<128xi32, #tpu.memory_space<vmem>>
      %dma_start3A_148 = arith.constant 0 : i32
      %dma_start3A_149 = arith.constant 0 : i32
      %dma_start3A_150 = tpu.memref_slice %arg4[%dma_start3A_148, %dma_start3A_149] : memref<10240x128xf32, #tpu.memory_space<hbm>> -> memref<10240x128xf32, #tpu.memory_space<hbm>>
      tpu.enqueue_indirect_dma source(%dma_start3A_150 : memref<10240x128xf32, #tpu.memory_space<hbm>>) target(%arg9 : memref<128x128xf32, #tpu.memory_space<vmem>>) offsets(%dma_start3A_147 : memref<128xi32, #tpu.memory_space<vmem>>) semaphore(%arg12 : memref<!tpu.dma_semaphore, #tpu.memory_space<semaphore_mem>>)
      %dma_wait3A_151 = arith.constant 7 : i32
      %dma_wait3A_152 = arith.constant 0 : i32
      %dma_wait3A_153 = tpu.memref_slice %arg7[%dma_wait3A_151, %dma_wait3A_152] : memref<16x128xi32, #tpu.memory_space<vmem>> -> memref<1x128xi32, #tpu.memory_space<vmem>>
      %dma_wait3A_154 = tpu.memref_squeeze %dma_wait3A_153 : memref<1x128xi32, #tpu.memory_space<vmem>> -> memref<128xi32, #tpu.memory_space<vmem>>
      %dma_wait3A_155 = arith.constant 0 : i32
      %dma_wait3A_156 = arith.constant 0 : i32
      %dma_wait3A_157 = tpu.memref_slice %arg4[%dma_wait3A_155, %dma_wait3A_156] : memref<10240x128xf32, #tpu.memory_space<hbm>> -> memref<10240x128xf32, #tpu.memory_space<hbm>>
      tpu.wait_indirect_dma semaphore(%arg13 : memref<!tpu.dma_semaphore, #tpu.memory_space<semaphore_mem>>) src(%dma_wait3A_157 : memref<10240x128xf32, #tpu.memory_space<hbm>>) dst(%arg10 : memref<128x128xf32, #tpu.memory_space<vmem>>)
      %run_scoped3A_158 = arith.constant 7 : i32
      "tpu.region"() ({
        %run_scoped3A_273 = tpu.sem_alloc : memref<!tpu.dma_semaphore, #tpu.memory_space<semaphore_mem>>
        %dma_start3A_274 = arith.constant 0 : i32
        %dma_start3A_275 = tpu.memref_slice %arg8[%run_scoped3A_158, %dma_start3A_274] : memref<16x128xi32, #tpu.memory_space<vmem>> -> memref<1x128xi32, #tpu.memory_space<vmem>>
        %dma_start3A_276 = tpu.memref_squeeze %dma_start3A_275 : memref<1x128xi32, #tpu.memory_space<vmem>> -> memref<128xi32, #tpu.memory_space<vmem>>
        %dma_start3A_277 = arith.constant 0 : i32
        %dma_start3A_278 = arith.constant 0 : i32
        %dma_start3A_279 = tpu.memref_slice %arg11[%dma_start3A_277, %dma_start3A_278] : memref<10240x128xf32, #tpu.memory_space<vmem_shared>> -> memref<10240x128xf32, #tpu.memory_space<vmem_shared>>
        tpu.enqueue_indirect_dma source(%arg10 : memref<128x128xf32, #tpu.memory_space<vmem>>) target(%dma_start3A_279 : memref<10240x128xf32, #tpu.memory_space<vmem_shared>>) offsets(%dma_start3A_276 : memref<128xi32, #tpu.memory_space<vmem>>) semaphore(%run_scoped3A_273 : memref<!tpu.dma_semaphore, #tpu.memory_space<semaphore_mem>>) {add = true}
        %dma_wait3A_280 = arith.constant 0 : i32
        %dma_wait3A_281 = tpu.memref_slice %arg8[%run_scoped3A_158, %dma_wait3A_280] : memref<16x128xi32, #tpu.memory_space<vmem>> -> memref<1x128xi32, #tpu.memory_space<vmem>>
        %dma_wait3A_282 = tpu.memref_squeeze %dma_wait3A_281 : memref<1x128xi32, #tpu.memory_space<vmem>> -> memref<128xi32, #tpu.memory_space<vmem>>
        %dma_wait3A_283 = arith.constant 0 : i32
        %dma_wait3A_284 = arith.constant 0 : i32
        %dma_wait3A_285 = tpu.memref_slice %arg11[%dma_wait3A_283, %dma_wait3A_284] : memref<10240x128xf32, #tpu.memory_space<vmem_shared>> -> memref<10240x128xf32, #tpu.memory_space<vmem_shared>>
        tpu.wait_indirect_dma semaphore(%run_scoped3A_273 : memref<!tpu.dma_semaphore, #tpu.memory_space<semaphore_mem>>) src(%arg10 : memref<128x128xf32, #tpu.memory_space<vmem>>) dst(%dma_wait3A_285 : memref<10240x128xf32, #tpu.memory_space<vmem_shared>>)
        tpu.yield
      }) : () -> ()
      %dma_start3A_159 = arith.constant 9 : i32
      %dma_start3A_160 = arith.constant 0 : i32
      %dma_start3A_161 = tpu.memref_slice %arg7[%dma_start3A_159, %dma_start3A_160] : memref<16x128xi32, #tpu.memory_space<vmem>> -> memref<1x128xi32, #tpu.memory_space<vmem>>
      %dma_start3A_162 = tpu.memref_squeeze %dma_start3A_161 : memref<1x128xi32, #tpu.memory_space<vmem>> -> memref<128xi32, #tpu.memory_space<vmem>>
      %dma_start3A_163 = arith.constant 0 : i32
      %dma_start3A_164 = arith.constant 0 : i32
      %dma_start3A_165 = tpu.memref_slice %arg4[%dma_start3A_163, %dma_start3A_164] : memref<10240x128xf32, #tpu.memory_space<hbm>> -> memref<10240x128xf32, #tpu.memory_space<hbm>>
      tpu.enqueue_indirect_dma source(%dma_start3A_165 : memref<10240x128xf32, #tpu.memory_space<hbm>>) target(%arg10 : memref<128x128xf32, #tpu.memory_space<vmem>>) offsets(%dma_start3A_162 : memref<128xi32, #tpu.memory_space<vmem>>) semaphore(%arg13 : memref<!tpu.dma_semaphore, #tpu.memory_space<semaphore_mem>>)
      %dma_wait3A_166 = arith.constant 8 : i32
      %dma_wait3A_167 = arith.constant 0 : i32
      %dma_wait3A_168 = tpu.memref_slice %arg7[%dma_wait3A_166, %dma_wait3A_167] : memref<16x128xi32, #tpu.memory_space<vmem>> -> memref<1x128xi32, #tpu.memory_space<vmem>>
      %dma_wait3A_169 = tpu.memref_squeeze %dma_wait3A_168 : memref<1x128xi32, #tpu.memory_space<vmem>> -> memref<128xi32, #tpu.memory_space<vmem>>
      %dma_wait3A_170 = arith.constant 0 : i32
      %dma_wait3A_171 = arith.constant 0 : i32
      %dma_wait3A_172 = tpu.memref_slice %arg4[%dma_wait3A_170, %dma_wait3A_171] : memref<10240x128xf32, #tpu.memory_space<hbm>> -> memref<10240x128xf32, #tpu.memory_space<hbm>>
      tpu.wait_indirect_dma semaphore(%arg12 : memref<!tpu.dma_semaphore, #tpu.memory_space<semaphore_mem>>) src(%dma_wait3A_172 : memref<10240x128xf32, #tpu.memory_space<hbm>>) dst(%arg9 : memref<128x128xf32, #tpu.memory_space<vmem>>)
      %run_scoped3A_173 = arith.constant 8 : i32
      "tpu.region"() ({
        %run_scoped3A_273 = tpu.sem_alloc : memref<!tpu.dma_semaphore, #tpu.memory_space<semaphore_mem>>
        %dma_start3A_274 = arith.constant 0 : i32
        %dma_start3A_275 = tpu.memref_slice %arg8[%run_scoped3A_173, %dma_start3A_274] : memref<16x128xi32, #tpu.memory_space<vmem>> -> memref<1x128xi32, #tpu.memory_space<vmem>>
        %dma_start3A_276 = tpu.memref_squeeze %dma_start3A_275 : memref<1x128xi32, #tpu.memory_space<vmem>> -> memref<128xi32, #tpu.memory_space<vmem>>
        %dma_start3A_277 = arith.constant 0 : i32
        %dma_start3A_278 = arith.constant 0 : i32
        %dma_start3A_279 = tpu.memref_slice %arg11[%dma_start3A_277, %dma_start3A_278] : memref<10240x128xf32, #tpu.memory_space<vmem_shared>> -> memref<10240x128xf32, #tpu.memory_space<vmem_shared>>
        tpu.enqueue_indirect_dma source(%arg9 : memref<128x128xf32, #tpu.memory_space<vmem>>) target(%dma_start3A_279 : memref<10240x128xf32, #tpu.memory_space<vmem_shared>>) offsets(%dma_start3A_276 : memref<128xi32, #tpu.memory_space<vmem>>) semaphore(%run_scoped3A_273 : memref<!tpu.dma_semaphore, #tpu.memory_space<semaphore_mem>>) {add = true}
        %dma_wait3A_280 = arith.constant 0 : i32
        %dma_wait3A_281 = tpu.memref_slice %arg8[%run_scoped3A_173, %dma_wait3A_280] : memref<16x128xi32, #tpu.memory_space<vmem>> -> memref<1x128xi32, #tpu.memory_space<vmem>>
        %dma_wait3A_282 = tpu.memref_squeeze %dma_wait3A_281 : memref<1x128xi32, #tpu.memory_space<vmem>> -> memref<128xi32, #tpu.memory_space<vmem>>
        %dma_wait3A_283 = arith.constant 0 : i32
        %dma_wait3A_284 = arith.constant 0 : i32
        %dma_wait3A_285 = tpu.memref_slice %arg11[%dma_wait3A_283, %dma_wait3A_284] : memref<10240x128xf32, #tpu.memory_space<vmem_shared>> -> memref<10240x128xf32, #tpu.memory_space<vmem_shared>>
        tpu.wait_indirect_dma semaphore(%run_scoped3A_273 : memref<!tpu.dma_semaphore, #tpu.memory_space<semaphore_mem>>) src(%arg9 : memref<128x128xf32, #tpu.memory_space<vmem>>) dst(%dma_wait3A_285 : memref<10240x128xf32, #tpu.memory_space<vmem_shared>>)
        tpu.yield
      }) : () -> ()
      %dma_start3A_174 = arith.constant 10 : i32
      %dma_start3A_175 = arith.constant 0 : i32
      %dma_start3A_176 = tpu.memref_slice %arg7[%dma_start3A_174, %dma_start3A_175] : memref<16x128xi32, #tpu.memory_space<vmem>> -> memref<1x128xi32, #tpu.memory_space<vmem>>
      %dma_start3A_177 = tpu.memref_squeeze %dma_start3A_176 : memref<1x128xi32, #tpu.memory_space<vmem>> -> memref<128xi32, #tpu.memory_space<vmem>>
      %dma_start3A_178 = arith.constant 0 : i32
      %dma_start3A_179 = arith.constant 0 : i32
      %dma_start3A_180 = tpu.memref_slice %arg4[%dma_start3A_178, %dma_start3A_179] : memref<10240x128xf32, #tpu.memory_space<hbm>> -> memref<10240x128xf32, #tpu.memory_space<hbm>>
      tpu.enqueue_indirect_dma source(%dma_start3A_180 : memref<10240x128xf32, #tpu.memory_space<hbm>>) target(%arg9 : memref<128x128xf32, #tpu.memory_space<vmem>>) offsets(%dma_start3A_177 : memref<128xi32, #tpu.memory_space<vmem>>) semaphore(%arg12 : memref<!tpu.dma_semaphore, #tpu.memory_space<semaphore_mem>>)
      %dma_wait3A_181 = arith.constant 9 : i32
      %dma_wait3A_182 = arith.constant 0 : i32
      %dma_wait3A_183 = tpu.memref_slice %arg7[%dma_wait3A_181, %dma_wait3A_182] : memref<16x128xi32, #tpu.memory_space<vmem>> -> memref<1x128xi32, #tpu.memory_space<vmem>>
      %dma_wait3A_184 = tpu.memref_squeeze %dma_wait3A_183 : memref<1x128xi32, #tpu.memory_space<vmem>> -> memref<128xi32, #tpu.memory_space<vmem>>
      %dma_wait3A_185 = arith.constant 0 : i32
      %dma_wait3A_186 = arith.constant 0 : i32
      %dma_wait3A_187 = tpu.memref_slice %arg4[%dma_wait3A_185, %dma_wait3A_186] : memref<10240x128xf32, #tpu.memory_space<hbm>> -> memref<10240x128xf32, #tpu.memory_space<hbm>>
      tpu.wait_indirect_dma semaphore(%arg13 : memref<!tpu.dma_semaphore, #tpu.memory_space<semaphore_mem>>) src(%dma_wait3A_187 : memref<10240x128xf32, #tpu.memory_space<hbm>>) dst(%arg10 : memref<128x128xf32, #tpu.memory_space<vmem>>)
      %run_scoped3A_188 = arith.constant 9 : i32
      "tpu.region"() ({
        %run_scoped3A_273 = tpu.sem_alloc : memref<!tpu.dma_semaphore, #tpu.memory_space<semaphore_mem>>
        %dma_start3A_274 = arith.constant 0 : i32
        %dma_start3A_275 = tpu.memref_slice %arg8[%run_scoped3A_188, %dma_start3A_274] : memref<16x128xi32, #tpu.memory_space<vmem>> -> memref<1x128xi32, #tpu.memory_space<vmem>>
        %dma_start3A_276 = tpu.memref_squeeze %dma_start3A_275 : memref<1x128xi32, #tpu.memory_space<vmem>> -> memref<128xi32, #tpu.memory_space<vmem>>
        %dma_start3A_277 = arith.constant 0 : i32
        %dma_start3A_278 = arith.constant 0 : i32
        %dma_start3A_279 = tpu.memref_slice %arg11[%dma_start3A_277, %dma_start3A_278] : memref<10240x128xf32, #tpu.memory_space<vmem_shared>> -> memref<10240x128xf32, #tpu.memory_space<vmem_shared>>
        tpu.enqueue_indirect_dma source(%arg10 : memref<128x128xf32, #tpu.memory_space<vmem>>) target(%dma_start3A_279 : memref<10240x128xf32, #tpu.memory_space<vmem_shared>>) offsets(%dma_start3A_276 : memref<128xi32, #tpu.memory_space<vmem>>) semaphore(%run_scoped3A_273 : memref<!tpu.dma_semaphore, #tpu.memory_space<semaphore_mem>>) {add = true}
        %dma_wait3A_280 = arith.constant 0 : i32
        %dma_wait3A_281 = tpu.memref_slice %arg8[%run_scoped3A_188, %dma_wait3A_280] : memref<16x128xi32, #tpu.memory_space<vmem>> -> memref<1x128xi32, #tpu.memory_space<vmem>>
        %dma_wait3A_282 = tpu.memref_squeeze %dma_wait3A_281 : memref<1x128xi32, #tpu.memory_space<vmem>> -> memref<128xi32, #tpu.memory_space<vmem>>
        %dma_wait3A_283 = arith.constant 0 : i32
        %dma_wait3A_284 = arith.constant 0 : i32
        %dma_wait3A_285 = tpu.memref_slice %arg11[%dma_wait3A_283, %dma_wait3A_284] : memref<10240x128xf32, #tpu.memory_space<vmem_shared>> -> memref<10240x128xf32, #tpu.memory_space<vmem_shared>>
        tpu.wait_indirect_dma semaphore(%run_scoped3A_273 : memref<!tpu.dma_semaphore, #tpu.memory_space<semaphore_mem>>) src(%arg10 : memref<128x128xf32, #tpu.memory_space<vmem>>) dst(%dma_wait3A_285 : memref<10240x128xf32, #tpu.memory_space<vmem_shared>>)
        tpu.yield
      }) : () -> ()
      %dma_start3A_189 = arith.constant 11 : i32
      %dma_start3A_190 = arith.constant 0 : i32
      %dma_start3A_191 = tpu.memref_slice %arg7[%dma_start3A_189, %dma_start3A_190] : memref<16x128xi32, #tpu.memory_space<vmem>> -> memref<1x128xi32, #tpu.memory_space<vmem>>
      %dma_start3A_192 = tpu.memref_squeeze %dma_start3A_191 : memref<1x128xi32, #tpu.memory_space<vmem>> -> memref<128xi32, #tpu.memory_space<vmem>>
      %dma_start3A_193 = arith.constant 0 : i32
      %dma_start3A_194 = arith.constant 0 : i32
      %dma_start3A_195 = tpu.memref_slice %arg4[%dma_start3A_193, %dma_start3A_194] : memref<10240x128xf32, #tpu.memory_space<hbm>> -> memref<10240x128xf32, #tpu.memory_space<hbm>>
      tpu.enqueue_indirect_dma source(%dma_start3A_195 : memref<10240x128xf32, #tpu.memory_space<hbm>>) target(%arg10 : memref<128x128xf32, #tpu.memory_space<vmem>>) offsets(%dma_start3A_192 : memref<128xi32, #tpu.memory_space<vmem>>) semaphore(%arg13 : memref<!tpu.dma_semaphore, #tpu.memory_space<semaphore_mem>>)
      %dma_wait3A_196 = arith.constant 10 : i32
      %dma_wait3A_197 = arith.constant 0 : i32
      %dma_wait3A_198 = tpu.memref_slice %arg7[%dma_wait3A_196, %dma_wait3A_197] : memref<16x128xi32, #tpu.memory_space<vmem>> -> memref<1x128xi32, #tpu.memory_space<vmem>>
      %dma_wait3A_199 = tpu.memref_squeeze %dma_wait3A_198 : memref<1x128xi32, #tpu.memory_space<vmem>> -> memref<128xi32, #tpu.memory_space<vmem>>
      %dma_wait3A_200 = arith.constant 0 : i32
      %dma_wait3A_201 = arith.constant 0 : i32
      %dma_wait3A_202 = tpu.memref_slice %arg4[%dma_wait3A_200, %dma_wait3A_201] : memref<10240x128xf32, #tpu.memory_space<hbm>> -> memref<10240x128xf32, #tpu.memory_space<hbm>>
      tpu.wait_indirect_dma semaphore(%arg12 : memref<!tpu.dma_semaphore, #tpu.memory_space<semaphore_mem>>) src(%dma_wait3A_202 : memref<10240x128xf32, #tpu.memory_space<hbm>>) dst(%arg9 : memref<128x128xf32, #tpu.memory_space<vmem>>)
      %run_scoped3A_203 = arith.constant 10 : i32
      "tpu.region"() ({
        %run_scoped3A_273 = tpu.sem_alloc : memref<!tpu.dma_semaphore, #tpu.memory_space<semaphore_mem>>
        %dma_start3A_274 = arith.constant 0 : i32
        %dma_start3A_275 = tpu.memref_slice %arg8[%run_scoped3A_203, %dma_start3A_274] : memref<16x128xi32, #tpu.memory_space<vmem>> -> memref<1x128xi32, #tpu.memory_space<vmem>>
        %dma_start3A_276 = tpu.memref_squeeze %dma_start3A_275 : memref<1x128xi32, #tpu.memory_space<vmem>> -> memref<128xi32, #tpu.memory_space<vmem>>
        %dma_start3A_277 = arith.constant 0 : i32
        %dma_start3A_278 = arith.constant 0 : i32
        %dma_start3A_279 = tpu.memref_slice %arg11[%dma_start3A_277, %dma_start3A_278] : memref<10240x128xf32, #tpu.memory_space<vmem_shared>> -> memref<10240x128xf32, #tpu.memory_space<vmem_shared>>
        tpu.enqueue_indirect_dma source(%arg9 : memref<128x128xf32, #tpu.memory_space<vmem>>) target(%dma_start3A_279 : memref<10240x128xf32, #tpu.memory_space<vmem_shared>>) offsets(%dma_start3A_276 : memref<128xi32, #tpu.memory_space<vmem>>) semaphore(%run_scoped3A_273 : memref<!tpu.dma_semaphore, #tpu.memory_space<semaphore_mem>>) {add = true}
        %dma_wait3A_280 = arith.constant 0 : i32
        %dma_wait3A_281 = tpu.memref_slice %arg8[%run_scoped3A_203, %dma_wait3A_280] : memref<16x128xi32, #tpu.memory_space<vmem>> -> memref<1x128xi32, #tpu.memory_space<vmem>>
        %dma_wait3A_282 = tpu.memref_squeeze %dma_wait3A_281 : memref<1x128xi32, #tpu.memory_space<vmem>> -> memref<128xi32, #tpu.memory_space<vmem>>
        %dma_wait3A_283 = arith.constant 0 : i32
        %dma_wait3A_284 = arith.constant 0 : i32
        %dma_wait3A_285 = tpu.memref_slice %arg11[%dma_wait3A_283, %dma_wait3A_284] : memref<10240x128xf32, #tpu.memory_space<vmem_shared>> -> memref<10240x128xf32, #tpu.memory_space<vmem_shared>>
        tpu.wait_indirect_dma semaphore(%run_scoped3A_273 : memref<!tpu.dma_semaphore, #tpu.memory_space<semaphore_mem>>) src(%arg9 : memref<128x128xf32, #tpu.memory_space<vmem>>) dst(%dma_wait3A_285 : memref<10240x128xf32, #tpu.memory_space<vmem_shared>>)
        tpu.yield
      }) : () -> ()
      %dma_start3A_204 = arith.constant 12 : i32
      %dma_start3A_205 = arith.constant 0 : i32
      %dma_start3A_206 = tpu.memref_slice %arg7[%dma_start3A_204, %dma_start3A_205] : memref<16x128xi32, #tpu.memory_space<vmem>> -> memref<1x128xi32, #tpu.memory_space<vmem>>
      %dma_start3A_207 = tpu.memref_squeeze %dma_start3A_206 : memref<1x128xi32, #tpu.memory_space<vmem>> -> memref<128xi32, #tpu.memory_space<vmem>>
      %dma_start3A_208 = arith.constant 0 : i32
      %dma_start3A_209 = arith.constant 0 : i32
      %dma_start3A_210 = tpu.memref_slice %arg4[%dma_start3A_208, %dma_start3A_209] : memref<10240x128xf32, #tpu.memory_space<hbm>> -> memref<10240x128xf32, #tpu.memory_space<hbm>>
      tpu.enqueue_indirect_dma source(%dma_start3A_210 : memref<10240x128xf32, #tpu.memory_space<hbm>>) target(%arg9 : memref<128x128xf32, #tpu.memory_space<vmem>>) offsets(%dma_start3A_207 : memref<128xi32, #tpu.memory_space<vmem>>) semaphore(%arg12 : memref<!tpu.dma_semaphore, #tpu.memory_space<semaphore_mem>>)
      %dma_wait3A_211 = arith.constant 11 : i32
      %dma_wait3A_212 = arith.constant 0 : i32
      %dma_wait3A_213 = tpu.memref_slice %arg7[%dma_wait3A_211, %dma_wait3A_212] : memref<16x128xi32, #tpu.memory_space<vmem>> -> memref<1x128xi32, #tpu.memory_space<vmem>>
      %dma_wait3A_214 = tpu.memref_squeeze %dma_wait3A_213 : memref<1x128xi32, #tpu.memory_space<vmem>> -> memref<128xi32, #tpu.memory_space<vmem>>
      %dma_wait3A_215 = arith.constant 0 : i32
      %dma_wait3A_216 = arith.constant 0 : i32
      %dma_wait3A_217 = tpu.memref_slice %arg4[%dma_wait3A_215, %dma_wait3A_216] : memref<10240x128xf32, #tpu.memory_space<hbm>> -> memref<10240x128xf32, #tpu.memory_space<hbm>>
      tpu.wait_indirect_dma semaphore(%arg13 : memref<!tpu.dma_semaphore, #tpu.memory_space<semaphore_mem>>) src(%dma_wait3A_217 : memref<10240x128xf32, #tpu.memory_space<hbm>>) dst(%arg10 : memref<128x128xf32, #tpu.memory_space<vmem>>)
      %run_scoped3A_218 = arith.constant 11 : i32
      "tpu.region"() ({
        %run_scoped3A_273 = tpu.sem_alloc : memref<!tpu.dma_semaphore, #tpu.memory_space<semaphore_mem>>
        %dma_start3A_274 = arith.constant 0 : i32
        %dma_start3A_275 = tpu.memref_slice %arg8[%run_scoped3A_218, %dma_start3A_274] : memref<16x128xi32, #tpu.memory_space<vmem>> -> memref<1x128xi32, #tpu.memory_space<vmem>>
        %dma_start3A_276 = tpu.memref_squeeze %dma_start3A_275 : memref<1x128xi32, #tpu.memory_space<vmem>> -> memref<128xi32, #tpu.memory_space<vmem>>
        %dma_start3A_277 = arith.constant 0 : i32
        %dma_start3A_278 = arith.constant 0 : i32
        %dma_start3A_279 = tpu.memref_slice %arg11[%dma_start3A_277, %dma_start3A_278] : memref<10240x128xf32, #tpu.memory_space<vmem_shared>> -> memref<10240x128xf32, #tpu.memory_space<vmem_shared>>
        tpu.enqueue_indirect_dma source(%arg10 : memref<128x128xf32, #tpu.memory_space<vmem>>) target(%dma_start3A_279 : memref<10240x128xf32, #tpu.memory_space<vmem_shared>>) offsets(%dma_start3A_276 : memref<128xi32, #tpu.memory_space<vmem>>) semaphore(%run_scoped3A_273 : memref<!tpu.dma_semaphore, #tpu.memory_space<semaphore_mem>>) {add = true}
        %dma_wait3A_280 = arith.constant 0 : i32
        %dma_wait3A_281 = tpu.memref_slice %arg8[%run_scoped3A_218, %dma_wait3A_280] : memref<16x128xi32, #tpu.memory_space<vmem>> -> memref<1x128xi32, #tpu.memory_space<vmem>>
        %dma_wait3A_282 = tpu.memref_squeeze %dma_wait3A_281 : memref<1x128xi32, #tpu.memory_space<vmem>> -> memref<128xi32, #tpu.memory_space<vmem>>
        %dma_wait3A_283 = arith.constant 0 : i32
        %dma_wait3A_284 = arith.constant 0 : i32
        %dma_wait3A_285 = tpu.memref_slice %arg11[%dma_wait3A_283, %dma_wait3A_284] : memref<10240x128xf32, #tpu.memory_space<vmem_shared>> -> memref<10240x128xf32, #tpu.memory_space<vmem_shared>>
        tpu.wait_indirect_dma semaphore(%run_scoped3A_273 : memref<!tpu.dma_semaphore, #tpu.memory_space<semaphore_mem>>) src(%arg10 : memref<128x128xf32, #tpu.memory_space<vmem>>) dst(%dma_wait3A_285 : memref<10240x128xf32, #tpu.memory_space<vmem_shared>>)
        tpu.yield
      }) : () -> ()
      %dma_start3A_219 = arith.constant 13 : i32
      %dma_start3A_220 = arith.constant 0 : i32
      %dma_start3A_221 = tpu.memref_slice %arg7[%dma_start3A_219, %dma_start3A_220] : memref<16x128xi32, #tpu.memory_space<vmem>> -> memref<1x128xi32, #tpu.memory_space<vmem>>
      %dma_start3A_222 = tpu.memref_squeeze %dma_start3A_221 : memref<1x128xi32, #tpu.memory_space<vmem>> -> memref<128xi32, #tpu.memory_space<vmem>>
      %dma_start3A_223 = arith.constant 0 : i32
      %dma_start3A_224 = arith.constant 0 : i32
      %dma_start3A_225 = tpu.memref_slice %arg4[%dma_start3A_223, %dma_start3A_224] : memref<10240x128xf32, #tpu.memory_space<hbm>> -> memref<10240x128xf32, #tpu.memory_space<hbm>>
      tpu.enqueue_indirect_dma source(%dma_start3A_225 : memref<10240x128xf32, #tpu.memory_space<hbm>>) target(%arg10 : memref<128x128xf32, #tpu.memory_space<vmem>>) offsets(%dma_start3A_222 : memref<128xi32, #tpu.memory_space<vmem>>) semaphore(%arg13 : memref<!tpu.dma_semaphore, #tpu.memory_space<semaphore_mem>>)
      %dma_wait3A_226 = arith.constant 12 : i32
      %dma_wait3A_227 = arith.constant 0 : i32
      %dma_wait3A_228 = tpu.memref_slice %arg7[%dma_wait3A_226, %dma_wait3A_227] : memref<16x128xi32, #tpu.memory_space<vmem>> -> memref<1x128xi32, #tpu.memory_space<vmem>>
      %dma_wait3A_229 = tpu.memref_squeeze %dma_wait3A_228 : memref<1x128xi32, #tpu.memory_space<vmem>> -> memref<128xi32, #tpu.memory_space<vmem>>
      %dma_wait3A_230 = arith.constant 0 : i32
      %dma_wait3A_231 = arith.constant 0 : i32
      %dma_wait3A_232 = tpu.memref_slice %arg4[%dma_wait3A_230, %dma_wait3A_231] : memref<10240x128xf32, #tpu.memory_space<hbm>> -> memref<10240x128xf32, #tpu.memory_space<hbm>>
      tpu.wait_indirect_dma semaphore(%arg12 : memref<!tpu.dma_semaphore, #tpu.memory_space<semaphore_mem>>) src(%dma_wait3A_232 : memref<10240x128xf32, #tpu.memory_space<hbm>>) dst(%arg9 : memref<128x128xf32, #tpu.memory_space<vmem>>)
      %run_scoped3A_233 = arith.constant 12 : i32
      "tpu.region"() ({
        %run_scoped3A_273 = tpu.sem_alloc : memref<!tpu.dma_semaphore, #tpu.memory_space<semaphore_mem>>
        %dma_start3A_274 = arith.constant 0 : i32
        %dma_start3A_275 = tpu.memref_slice %arg8[%run_scoped3A_233, %dma_start3A_274] : memref<16x128xi32, #tpu.memory_space<vmem>> -> memref<1x128xi32, #tpu.memory_space<vmem>>
        %dma_start3A_276 = tpu.memref_squeeze %dma_start3A_275 : memref<1x128xi32, #tpu.memory_space<vmem>> -> memref<128xi32, #tpu.memory_space<vmem>>
        %dma_start3A_277 = arith.constant 0 : i32
        %dma_start3A_278 = arith.constant 0 : i32
        %dma_start3A_279 = tpu.memref_slice %arg11[%dma_start3A_277, %dma_start3A_278] : memref<10240x128xf32, #tpu.memory_space<vmem_shared>> -> memref<10240x128xf32, #tpu.memory_space<vmem_shared>>
        tpu.enqueue_indirect_dma source(%arg9 : memref<128x128xf32, #tpu.memory_space<vmem>>) target(%dma_start3A_279 : memref<10240x128xf32, #tpu.memory_space<vmem_shared>>) offsets(%dma_start3A_276 : memref<128xi32, #tpu.memory_space<vmem>>) semaphore(%run_scoped3A_273 : memref<!tpu.dma_semaphore, #tpu.memory_space<semaphore_mem>>) {add = true}
        %dma_wait3A_280 = arith.constant 0 : i32
        %dma_wait3A_281 = tpu.memref_slice %arg8[%run_scoped3A_233, %dma_wait3A_280] : memref<16x128xi32, #tpu.memory_space<vmem>> -> memref<1x128xi32, #tpu.memory_space<vmem>>
        %dma_wait3A_282 = tpu.memref_squeeze %dma_wait3A_281 : memref<1x128xi32, #tpu.memory_space<vmem>> -> memref<128xi32, #tpu.memory_space<vmem>>
        %dma_wait3A_283 = arith.constant 0 : i32
        %dma_wait3A_284 = arith.constant 0 : i32
        %dma_wait3A_285 = tpu.memref_slice %arg11[%dma_wait3A_283, %dma_wait3A_284] : memref<10240x128xf32, #tpu.memory_space<vmem_shared>> -> memref<10240x128xf32, #tpu.memory_space<vmem_shared>>
        tpu.wait_indirect_dma semaphore(%run_scoped3A_273 : memref<!tpu.dma_semaphore, #tpu.memory_space<semaphore_mem>>) src(%arg9 : memref<128x128xf32, #tpu.memory_space<vmem>>) dst(%dma_wait3A_285 : memref<10240x128xf32, #tpu.memory_space<vmem_shared>>)
        tpu.yield
      }) : () -> ()
      %dma_start3A_234 = arith.constant 14 : i32
      %dma_start3A_235 = arith.constant 0 : i32
      %dma_start3A_236 = tpu.memref_slice %arg7[%dma_start3A_234, %dma_start3A_235] : memref<16x128xi32, #tpu.memory_space<vmem>> -> memref<1x128xi32, #tpu.memory_space<vmem>>
      %dma_start3A_237 = tpu.memref_squeeze %dma_start3A_236 : memref<1x128xi32, #tpu.memory_space<vmem>> -> memref<128xi32, #tpu.memory_space<vmem>>
      %dma_start3A_238 = arith.constant 0 : i32
      %dma_start3A_239 = arith.constant 0 : i32
      %dma_start3A_240 = tpu.memref_slice %arg4[%dma_start3A_238, %dma_start3A_239] : memref<10240x128xf32, #tpu.memory_space<hbm>> -> memref<10240x128xf32, #tpu.memory_space<hbm>>
      tpu.enqueue_indirect_dma source(%dma_start3A_240 : memref<10240x128xf32, #tpu.memory_space<hbm>>) target(%arg9 : memref<128x128xf32, #tpu.memory_space<vmem>>) offsets(%dma_start3A_237 : memref<128xi32, #tpu.memory_space<vmem>>) semaphore(%arg12 : memref<!tpu.dma_semaphore, #tpu.memory_space<semaphore_mem>>)
      %dma_wait3A_241 = arith.constant 13 : i32
      %dma_wait3A_242 = arith.constant 0 : i32
      %dma_wait3A_243 = tpu.memref_slice %arg7[%dma_wait3A_241, %dma_wait3A_242] : memref<16x128xi32, #tpu.memory_space<vmem>> -> memref<1x128xi32, #tpu.memory_space<vmem>>
      %dma_wait3A_244 = tpu.memref_squeeze %dma_wait3A_243 : memref<1x128xi32, #tpu.memory_space<vmem>> -> memref<128xi32, #tpu.memory_space<vmem>>
      %dma_wait3A_245 = arith.constant 0 : i32
      %dma_wait3A_246 = arith.constant 0 : i32
      %dma_wait3A_247 = tpu.memref_slice %arg4[%dma_wait3A_245, %dma_wait3A_246] : memref<10240x128xf32, #tpu.memory_space<hbm>> -> memref<10240x128xf32, #tpu.memory_space<hbm>>
      tpu.wait_indirect_dma semaphore(%arg13 : memref<!tpu.dma_semaphore, #tpu.memory_space<semaphore_mem>>) src(%dma_wait3A_247 : memref<10240x128xf32, #tpu.memory_space<hbm>>) dst(%arg10 : memref<128x128xf32, #tpu.memory_space<vmem>>)
      %run_scoped3A_248 = arith.constant 13 : i32
      "tpu.region"() ({
        %run_scoped3A_273 = tpu.sem_alloc : memref<!tpu.dma_semaphore, #tpu.memory_space<semaphore_mem>>
        %dma_start3A_274 = arith.constant 0 : i32
        %dma_start3A_275 = tpu.memref_slice %arg8[%run_scoped3A_248, %dma_start3A_274] : memref<16x128xi32, #tpu.memory_space<vmem>> -> memref<1x128xi32, #tpu.memory_space<vmem>>
        %dma_start3A_276 = tpu.memref_squeeze %dma_start3A_275 : memref<1x128xi32, #tpu.memory_space<vmem>> -> memref<128xi32, #tpu.memory_space<vmem>>
        %dma_start3A_277 = arith.constant 0 : i32
        %dma_start3A_278 = arith.constant 0 : i32
        %dma_start3A_279 = tpu.memref_slice %arg11[%dma_start3A_277, %dma_start3A_278] : memref<10240x128xf32, #tpu.memory_space<vmem_shared>> -> memref<10240x128xf32, #tpu.memory_space<vmem_shared>>
        tpu.enqueue_indirect_dma source(%arg10 : memref<128x128xf32, #tpu.memory_space<vmem>>) target(%dma_start3A_279 : memref<10240x128xf32, #tpu.memory_space<vmem_shared>>) offsets(%dma_start3A_276 : memref<128xi32, #tpu.memory_space<vmem>>) semaphore(%run_scoped3A_273 : memref<!tpu.dma_semaphore, #tpu.memory_space<semaphore_mem>>) {add = true}
        %dma_wait3A_280 = arith.constant 0 : i32
        %dma_wait3A_281 = tpu.memref_slice %arg8[%run_scoped3A_248, %dma_wait3A_280] : memref<16x128xi32, #tpu.memory_space<vmem>> -> memref<1x128xi32, #tpu.memory_space<vmem>>
        %dma_wait3A_282 = tpu.memref_squeeze %dma_wait3A_281 : memref<1x128xi32, #tpu.memory_space<vmem>> -> memref<128xi32, #tpu.memory_space<vmem>>
        %dma_wait3A_283 = arith.constant 0 : i32
        %dma_wait3A_284 = arith.constant 0 : i32
        %dma_wait3A_285 = tpu.memref_slice %arg11[%dma_wait3A_283, %dma_wait3A_284] : memref<10240x128xf32, #tpu.memory_space<vmem_shared>> -> memref<10240x128xf32, #tpu.memory_space<vmem_shared>>
        tpu.wait_indirect_dma semaphore(%run_scoped3A_273 : memref<!tpu.dma_semaphore, #tpu.memory_space<semaphore_mem>>) src(%arg10 : memref<128x128xf32, #tpu.memory_space<vmem>>) dst(%dma_wait3A_285 : memref<10240x128xf32, #tpu.memory_space<vmem_shared>>)
        tpu.yield
      }) : () -> ()
      %dma_start3A_249 = arith.constant 15 : i32
      %dma_start3A_250 = arith.constant 0 : i32
      %dma_start3A_251 = tpu.memref_slice %arg7[%dma_start3A_249, %dma_start3A_250] : memref<16x128xi32, #tpu.memory_space<vmem>> -> memref<1x128xi32, #tpu.memory_space<vmem>>
      %dma_start3A_252 = tpu.memref_squeeze %dma_start3A_251 : memref<1x128xi32, #tpu.memory_space<vmem>> -> memref<128xi32, #tpu.memory_space<vmem>>
      %dma_start3A_253 = arith.constant 0 : i32
      %dma_start3A_254 = arith.constant 0 : i32
      %dma_start3A_255 = tpu.memref_slice %arg4[%dma_start3A_253, %dma_start3A_254] : memref<10240x128xf32, #tpu.memory_space<hbm>> -> memref<10240x128xf32, #tpu.memory_space<hbm>>
      tpu.enqueue_indirect_dma source(%dma_start3A_255 : memref<10240x128xf32, #tpu.memory_space<hbm>>) target(%arg10 : memref<128x128xf32, #tpu.memory_space<vmem>>) offsets(%dma_start3A_252 : memref<128xi32, #tpu.memory_space<vmem>>) semaphore(%arg13 : memref<!tpu.dma_semaphore, #tpu.memory_space<semaphore_mem>>)
      %dma_wait3A_256 = arith.constant 14 : i32
      %dma_wait3A_257 = arith.constant 0 : i32
      %dma_wait3A_258 = tpu.memref_slice %arg7[%dma_wait3A_256, %dma_wait3A_257] : memref<16x128xi32, #tpu.memory_space<vmem>> -> memref<1x128xi32, #tpu.memory_space<vmem>>
      %dma_wait3A_259 = tpu.memref_squeeze %dma_wait3A_258 : memref<1x128xi32, #tpu.memory_space<vmem>> -> memref<128xi32, #tpu.memory_space<vmem>>
      %dma_wait3A_260 = arith.constant 0 : i32
      %dma_wait3A_261 = arith.constant 0 : i32
      %dma_wait3A_262 = tpu.memref_slice %arg4[%dma_wait3A_260, %dma_wait3A_261] : memref<10240x128xf32, #tpu.memory_space<hbm>> -> memref<10240x128xf32, #tpu.memory_space<hbm>>
      tpu.wait_indirect_dma semaphore(%arg12 : memref<!tpu.dma_semaphore, #tpu.memory_space<semaphore_mem>>) src(%dma_wait3A_262 : memref<10240x128xf32, #tpu.memory_space<hbm>>) dst(%arg9 : memref<128x128xf32, #tpu.memory_space<vmem>>)
      %run_scoped3A_263 = arith.constant 14 : i32
      "tpu.region"() ({
        %run_scoped3A_273 = tpu.sem_alloc : memref<!tpu.dma_semaphore, #tpu.memory_space<semaphore_mem>>
        %dma_start3A_274 = arith.constant 0 : i32
        %dma_start3A_275 = tpu.memref_slice %arg8[%run_scoped3A_263, %dma_start3A_274] : memref<16x128xi32, #tpu.memory_space<vmem>> -> memref<1x128xi32, #tpu.memory_space<vmem>>
        %dma_start3A_276 = tpu.memref_squeeze %dma_start3A_275 : memref<1x128xi32, #tpu.memory_space<vmem>> -> memref<128xi32, #tpu.memory_space<vmem>>
        %dma_start3A_277 = arith.constant 0 : i32
        %dma_start3A_278 = arith.constant 0 : i32
        %dma_start3A_279 = tpu.memref_slice %arg11[%dma_start3A_277, %dma_start3A_278] : memref<10240x128xf32, #tpu.memory_space<vmem_shared>> -> memref<10240x128xf32, #tpu.memory_space<vmem_shared>>
        tpu.enqueue_indirect_dma source(%arg9 : memref<128x128xf32, #tpu.memory_space<vmem>>) target(%dma_start3A_279 : memref<10240x128xf32, #tpu.memory_space<vmem_shared>>) offsets(%dma_start3A_276 : memref<128xi32, #tpu.memory_space<vmem>>) semaphore(%run_scoped3A_273 : memref<!tpu.dma_semaphore, #tpu.memory_space<semaphore_mem>>) {add = true}
        %dma_wait3A_280 = arith.constant 0 : i32
        %dma_wait3A_281 = tpu.memref_slice %arg8[%run_scoped3A_263, %dma_wait3A_280] : memref<16x128xi32, #tpu.memory_space<vmem>> -> memref<1x128xi32, #tpu.memory_space<vmem>>
        %dma_wait3A_282 = tpu.memref_squeeze %dma_wait3A_281 : memref<1x128xi32, #tpu.memory_space<vmem>> -> memref<128xi32, #tpu.memory_space<vmem>>
        %dma_wait3A_283 = arith.constant 0 : i32
        %dma_wait3A_284 = arith.constant 0 : i32
        %dma_wait3A_285 = tpu.memref_slice %arg11[%dma_wait3A_283, %dma_wait3A_284] : memref<10240x128xf32, #tpu.memory_space<vmem_shared>> -> memref<10240x128xf32, #tpu.memory_space<vmem_shared>>
        tpu.wait_indirect_dma semaphore(%run_scoped3A_273 : memref<!tpu.dma_semaphore, #tpu.memory_space<semaphore_mem>>) src(%arg9 : memref<128x128xf32, #tpu.memory_space<vmem>>) dst(%dma_wait3A_285 : memref<10240x128xf32, #tpu.memory_space<vmem_shared>>)
        tpu.yield
      }) : () -> ()
      %dma_wait3A_264 = arith.constant 15 : i32
      %dma_wait3A_265 = arith.constant 0 : i32
      %dma_wait3A_266 = tpu.memref_slice %arg7[%dma_wait3A_264, %dma_wait3A_265] : memref<16x128xi32, #tpu.memory_space<vmem>> -> memref<1x128xi32, #tpu.memory_space<vmem>>
      %dma_wait3A_267 = tpu.memref_squeeze %dma_wait3A_266 : memref<1x128xi32, #tpu.memory_space<vmem>> -> memref<128xi32, #tpu.memory_space<vmem>>
      %dma_wait3A_268 = arith.constant 0 : i32
      %dma_wait3A_269 = arith.constant 0 : i32
      %dma_wait3A_270 = tpu.memref_slice %arg4[%dma_wait3A_268, %dma_wait3A_269] : memref<10240x128xf32, #tpu.memory_space<hbm>> -> memref<10240x128xf32, #tpu.memory_space<hbm>>
      tpu.wait_indirect_dma semaphore(%arg13 : memref<!tpu.dma_semaphore, #tpu.memory_space<semaphore_mem>>) src(%dma_wait3A_270 : memref<10240x128xf32, #tpu.memory_space<hbm>>) dst(%arg10 : memref<128x128xf32, #tpu.memory_space<vmem>>)
      %run_scoped3A_271 = arith.constant 15 : i32
      "tpu.region"() ({
        %run_scoped3A_273 = tpu.sem_alloc : memref<!tpu.dma_semaphore, #tpu.memory_space<semaphore_mem>>
        %dma_start3A_274 = arith.constant 0 : i32
        %dma_start3A_275 = tpu.memref_slice %arg8[%run_scoped3A_271, %dma_start3A_274] : memref<16x128xi32, #tpu.memory_space<vmem>> -> memref<1x128xi32, #tpu.memory_space<vmem>>
        %dma_start3A_276 = tpu.memref_squeeze %dma_start3A_275 : memref<1x128xi32, #tpu.memory_space<vmem>> -> memref<128xi32, #tpu.memory_space<vmem>>
        %dma_start3A_277 = arith.constant 0 : i32
        %dma_start3A_278 = arith.constant 0 : i32
        %dma_start3A_279 = tpu.memref_slice %arg11[%dma_start3A_277, %dma_start3A_278] : memref<10240x128xf32, #tpu.memory_space<vmem_shared>> -> memref<10240x128xf32, #tpu.memory_space<vmem_shared>>
        tpu.enqueue_indirect_dma source(%arg10 : memref<128x128xf32, #tpu.memory_space<vmem>>) target(%dma_start3A_279 : memref<10240x128xf32, #tpu.memory_space<vmem_shared>>) offsets(%dma_start3A_276 : memref<128xi32, #tpu.memory_space<vmem>>) semaphore(%run_scoped3A_273 : memref<!tpu.dma_semaphore, #tpu.memory_space<semaphore_mem>>) {add = true}
        %dma_wait3A_280 = arith.constant 0 : i32
        %dma_wait3A_281 = tpu.memref_slice %arg8[%run_scoped3A_271, %dma_wait3A_280] : memref<16x128xi32, #tpu.memory_space<vmem>> -> memref<1x128xi32, #tpu.memory_space<vmem>>
        %dma_wait3A_282 = tpu.memref_squeeze %dma_wait3A_281 : memref<1x128xi32, #tpu.memory_space<vmem>> -> memref<128xi32, #tpu.memory_space<vmem>>
        %dma_wait3A_283 = arith.constant 0 : i32
        %dma_wait3A_284 = arith.constant 0 : i32
        %dma_wait3A_285 = tpu.memref_slice %arg11[%dma_wait3A_283, %dma_wait3A_284] : memref<10240x128xf32, #tpu.memory_space<vmem_shared>> -> memref<10240x128xf32, #tpu.memory_space<vmem_shared>>
        tpu.wait_indirect_dma semaphore(%run_scoped3A_273 : memref<!tpu.dma_semaphore, #tpu.memory_space<semaphore_mem>>) src(%arg10 : memref<128x128xf32, #tpu.memory_space<vmem>>) dst(%dma_wait3A_285 : memref<10240x128xf32, #tpu.memory_space<vmem_shared>>)
        tpu.yield
      }) : () -> ()
      %while3A_272 = arith.constant 0 : i32
      scf.yield %while3A_272 : i32
    }
    %while3A_20 = arith.constant 1 : i32
    %while3A_21 = scf.for %while3A_27 = %while3A_17 to %while3A_13 step %while3A_20 iter_args(%while3A_28 = %while3A_19) -> (i32)  : i32 {
      %mul3A_29 = arith.constant 16 : i32
      %mul3A_30 = arith.muli %while3A_27, %mul3A_29 : i32
      %add3A_31 = arith.addi %select_n3A, %mul3A_30 : i32
      "tpu.region"() ({
        %run_scoped3A_273 = tpu.sem_alloc : memref<!tpu.dma_semaphore, #tpu.memory_space<semaphore_mem>>
        %dma_start3A_274 = arith.constant 0 : i32
        %dma_start3A_275 = tpu.memref_slice %arg2[%add3A_31, %dma_start3A_274] : memref<5120x128xi32, #tpu.memory_space<hbm>> -> memref<16x128xi32, #tpu.memory_space<hbm>>
        %dma_start3A_276 = arith.constant 0 : i32
        %dma_start3A_277 = tpu.memref_slice %arg2[%add3A_31, %dma_start3A_276] : memref<5120x128xi32, #tpu.memory_space<hbm>> -> memref<16x128xi32, #tpu.memory_space<hbm>>
        tpu.enqueue_dma source(%dma_start3A_277 : memref<16x128xi32, #tpu.memory_space<hbm>>) target(%arg7 : memref<16x128xi32, #tpu.memory_space<vmem>>) target_semaphore(%run_scoped3A_273 : memref<!tpu.dma_semaphore, #tpu.memory_space<semaphore_mem>>)
        %dma_wait3A_278 = arith.constant 0 : i32
        %dma_wait3A_279 = tpu.memref_slice %arg2[%add3A_31, %dma_wait3A_278] : memref<5120x128xi32, #tpu.memory_space<hbm>> -> memref<16x128xi32, #tpu.memory_space<hbm>>
        %dma_wait3A_280 = arith.constant 0 : i32
        %dma_wait3A_281 = tpu.memref_slice %arg2[%add3A_31, %dma_wait3A_280] : memref<5120x128xi32, #tpu.memory_space<hbm>> -> memref<16x128xi32, #tpu.memory_space<hbm>>
        tpu.wait_dma2 semaphore(%run_scoped3A_273 : memref<!tpu.dma_semaphore, #tpu.memory_space<semaphore_mem>>) src(%dma_wait3A_281 : memref<16x128xi32, #tpu.memory_space<hbm>>) dst(%arg7 : memref<16x128xi32, #tpu.memory_space<vmem>>)
        tpu.yield
      }) : () -> ()
      %mul3A_32 = arith.constant 16 : i32
      %mul3A_33 = arith.muli %while3A_27, %mul3A_32 : i32
      %add3A_34 = arith.addi %select_n3A, %mul3A_33 : i32
      "tpu.region"() ({
        %run_scoped3A_273 = tpu.sem_alloc : memref<!tpu.dma_semaphore, #tpu.memory_space<semaphore_mem>>
        %dma_start3A_274 = arith.constant 0 : i32
        %dma_start3A_275 = tpu.memref_slice %arg3[%add3A_34, %dma_start3A_274] : memref<5120x128xi32, #tpu.memory_space<hbm>> -> memref<16x128xi32, #tpu.memory_space<hbm>>
        %dma_start3A_276 = arith.constant 0 : i32
        %dma_start3A_277 = tpu.memref_slice %arg3[%add3A_34, %dma_start3A_276] : memref<5120x128xi32, #tpu.memory_space<hbm>> -> memref<16x128xi32, #tpu.memory_space<hbm>>
        tpu.enqueue_dma source(%dma_start3A_277 : memref<16x128xi32, #tpu.memory_space<hbm>>) target(%arg8 : memref<16x128xi32, #tpu.memory_space<vmem>>) target_semaphore(%run_scoped3A_273 : memref<!tpu.dma_semaphore, #tpu.memory_space<semaphore_mem>>)
        %dma_wait3A_278 = arith.constant 0 : i32
        %dma_wait3A_279 = tpu.memref_slice %arg3[%add3A_34, %dma_wait3A_278] : memref<5120x128xi32, #tpu.memory_space<hbm>> -> memref<16x128xi32, #tpu.memory_space<hbm>>
        %dma_wait3A_280 = arith.constant 0 : i32
        %dma_wait3A_281 = tpu.memref_slice %arg3[%add3A_34, %dma_wait3A_280] : memref<5120x128xi32, #tpu.memory_space<hbm>> -> memref<16x128xi32, #tpu.memory_space<hbm>>
        tpu.wait_dma2 semaphore(%run_scoped3A_273 : memref<!tpu.dma_semaphore, #tpu.memory_space<semaphore_mem>>) src(%dma_wait3A_281 : memref<16x128xi32, #tpu.memory_space<hbm>>) dst(%arg8 : memref<16x128xi32, #tpu.memory_space<vmem>>)
        tpu.yield
      }) : () -> ()
      %dma_start3A = arith.constant 0 : i32
      %dma_start3A_35 = arith.constant 0 : i32
      %dma_start3A_36 = tpu.memref_slice %arg7[%dma_start3A, %dma_start3A_35] : memref<16x128xi32, #tpu.memory_space<vmem>> -> memref<1x128xi32, #tpu.memory_space<vmem>>
      %dma_start3A_37 = tpu.memref_squeeze %dma_start3A_36 : memref<1x128xi32, #tpu.memory_space<vmem>> -> memref<128xi32, #tpu.memory_space<vmem>>
      %dma_start3A_38 = arith.constant 0 : i32
      %dma_start3A_39 = arith.constant 0 : i32
      %dma_start3A_40 = tpu.memref_slice %arg4[%dma_start3A_38, %dma_start3A_39] : memref<10240x128xf32, #tpu.memory_space<hbm>> -> memref<10240x128xf32, #tpu.memory_space<hbm>>
      tpu.enqueue_indirect_dma source(%dma_start3A_40 : memref<10240x128xf32, #tpu.memory_space<hbm>>) target(%arg9 : memref<128x128xf32, #tpu.memory_space<vmem>>) offsets(%dma_start3A_37 : memref<128xi32, #tpu.memory_space<vmem>>) semaphore(%arg12 : memref<!tpu.dma_semaphore, #tpu.memory_space<semaphore_mem>>)
      %dma_start3A_41 = arith.constant 1 : i32
      %dma_start3A_42 = arith.constant 0 : i32
      %dma_start3A_43 = tpu.memref_slice %arg7[%dma_start3A_41, %dma_start3A_42] : memref<16x128xi32, #tpu.memory_space<vmem>> -> memref<1x128xi32, #tpu.memory_space<vmem>>
      %dma_start3A_44 = tpu.memref_squeeze %dma_start3A_43 : memref<1x128xi32, #tpu.memory_space<vmem>> -> memref<128xi32, #tpu.memory_space<vmem>>
      %dma_start3A_45 = arith.constant 0 : i32
      %dma_start3A_46 = arith.constant 0 : i32
      %dma_start3A_47 = tpu.memref_slice %arg4[%dma_start3A_45, %dma_start3A_46] : memref<10240x128xf32, #tpu.memory_space<hbm>> -> memref<10240x128xf32, #tpu.memory_space<hbm>>
      tpu.enqueue_indirect_dma source(%dma_start3A_47 : memref<10240x128xf32, #tpu.memory_space<hbm>>) target(%arg10 : memref<128x128xf32, #tpu.memory_space<vmem>>) offsets(%dma_start3A_44 : memref<128xi32, #tpu.memory_space<vmem>>) semaphore(%arg13 : memref<!tpu.dma_semaphore, #tpu.memory_space<semaphore_mem>>)
      %dma_wait3A = arith.constant 0 : i32
      %dma_wait3A_48 = arith.constant 0 : i32
      %dma_wait3A_49 = tpu.memref_slice %arg7[%dma_wait3A, %dma_wait3A_48] : memref<16x128xi32, #tpu.memory_space<vmem>> -> memref<1x128xi32, #tpu.memory_space<vmem>>
      %dma_wait3A_50 = tpu.memref_squeeze %dma_wait3A_49 : memref<1x128xi32, #tpu.memory_space<vmem>> -> memref<128xi32, #tpu.memory_space<vmem>>
      %dma_wait3A_51 = arith.constant 0 : i32
      %dma_wait3A_52 = arith.constant 0 : i32
      %dma_wait3A_53 = tpu.memref_slice %arg4[%dma_wait3A_51, %dma_wait3A_52] : memref<10240x128xf32, #tpu.memory_space<hbm>> -> memref<10240x128xf32, #tpu.memory_space<hbm>>
      tpu.wait_indirect_dma semaphore(%arg12 : memref<!tpu.dma_semaphore, #tpu.memory_space<semaphore_mem>>) src(%dma_wait3A_53 : memref<10240x128xf32, #tpu.memory_space<hbm>>) dst(%arg9 : memref<128x128xf32, #tpu.memory_space<vmem>>)
      %run_scoped3A = arith.constant 0 : i32
      "tpu.region"() ({
        %run_scoped3A_273 = tpu.sem_alloc : memref<!tpu.dma_semaphore, #tpu.memory_space<semaphore_mem>>
        %dma_start3A_274 = arith.constant 0 : i32
        %dma_start3A_275 = tpu.memref_slice %arg8[%run_scoped3A, %dma_start3A_274] : memref<16x128xi32, #tpu.memory_space<vmem>> -> memref<1x128xi32, #tpu.memory_space<vmem>>
        %dma_start3A_276 = tpu.memref_squeeze %dma_start3A_275 : memref<1x128xi32, #tpu.memory_space<vmem>> -> memref<128xi32, #tpu.memory_space<vmem>>
        %dma_start3A_277 = arith.constant 0 : i32
        %dma_start3A_278 = arith.constant 0 : i32
        %dma_start3A_279 = tpu.memref_slice %arg11[%dma_start3A_277, %dma_start3A_278] : memref<10240x128xf32, #tpu.memory_space<vmem_shared>> -> memref<10240x128xf32, #tpu.memory_space<vmem_shared>>
        tpu.enqueue_indirect_dma source(%arg9 : memref<128x128xf32, #tpu.memory_space<vmem>>) target(%dma_start3A_279 : memref<10240x128xf32, #tpu.memory_space<vmem_shared>>) offsets(%dma_start3A_276 : memref<128xi32, #tpu.memory_space<vmem>>) semaphore(%run_scoped3A_273 : memref<!tpu.dma_semaphore, #tpu.memory_space<semaphore_mem>>) {add = true}
        %dma_wait3A_280 = arith.constant 0 : i32
        %dma_wait3A_281 = tpu.memref_slice %arg8[%run_scoped3A, %dma_wait3A_280] : memref<16x128xi32, #tpu.memory_space<vmem>> -> memref<1x128xi32, #tpu.memory_space<vmem>>
        %dma_wait3A_282 = tpu.memref_squeeze %dma_wait3A_281 : memref<1x128xi32, #tpu.memory_space<vmem>> -> memref<128xi32, #tpu.memory_space<vmem>>
        %dma_wait3A_283 = arith.constant 0 : i32
        %dma_wait3A_284 = arith.constant 0 : i32
        %dma_wait3A_285 = tpu.memref_slice %arg11[%dma_wait3A_283, %dma_wait3A_284] : memref<10240x128xf32, #tpu.memory_space<vmem_shared>> -> memref<10240x128xf32, #tpu.memory_space<vmem_shared>>
        tpu.wait_indirect_dma semaphore(%run_scoped3A_273 : memref<!tpu.dma_semaphore, #tpu.memory_space<semaphore_mem>>) src(%arg9 : memref<128x128xf32, #tpu.memory_space<vmem>>) dst(%dma_wait3A_285 : memref<10240x128xf32, #tpu.memory_space<vmem_shared>>)
        tpu.yield
      }) : () -> ()
      %dma_start3A_54 = arith.constant 2 : i32
      %dma_start3A_55 = arith.constant 0 : i32
      %dma_start3A_56 = tpu.memref_slice %arg7[%dma_start3A_54, %dma_start3A_55] : memref<16x128xi32, #tpu.memory_space<vmem>> -> memref<1x128xi32, #tpu.memory_space<vmem>>
      %dma_start3A_57 = tpu.memref_squeeze %dma_start3A_56 : memref<1x128xi32, #tpu.memory_space<vmem>> -> memref<128xi32, #tpu.memory_space<vmem>>
      %dma_start3A_58 = arith.constant 0 : i32
      %dma_start3A_59 = arith.constant 0 : i32
      %dma_start3A_60 = tpu.memref_slice %arg4[%dma_start3A_58, %dma_start3A_59] : memref<10240x128xf32, #tpu.memory_space<hbm>> -> memref<10240x128xf32, #tpu.memory_space<hbm>>
      tpu.enqueue_indirect_dma source(%dma_start3A_60 : memref<10240x128xf32, #tpu.memory_space<hbm>>) target(%arg9 : memref<128x128xf32, #tpu.memory_space<vmem>>) offsets(%dma_start3A_57 : memref<128xi32, #tpu.memory_space<vmem>>) semaphore(%arg12 : memref<!tpu.dma_semaphore, #tpu.memory_space<semaphore_mem>>)
      %dma_wait3A_61 = arith.constant 1 : i32
      %dma_wait3A_62 = arith.constant 0 : i32
      %dma_wait3A_63 = tpu.memref_slice %arg7[%dma_wait3A_61, %dma_wait3A_62] : memref<16x128xi32, #tpu.memory_space<vmem>> -> memref<1x128xi32, #tpu.memory_space<vmem>>
      %dma_wait3A_64 = tpu.memref_squeeze %dma_wait3A_63 : memref<1x128xi32, #tpu.memory_space<vmem>> -> memref<128xi32, #tpu.memory_space<vmem>>
      %dma_wait3A_65 = arith.constant 0 : i32
      %dma_wait3A_66 = arith.constant 0 : i32
      %dma_wait3A_67 = tpu.memref_slice %arg4[%dma_wait3A_65, %dma_wait3A_66] : memref<10240x128xf32, #tpu.memory_space<hbm>> -> memref<10240x128xf32, #tpu.memory_space<hbm>>
      tpu.wait_indirect_dma semaphore(%arg13 : memref<!tpu.dma_semaphore, #tpu.memory_space<semaphore_mem>>) src(%dma_wait3A_67 : memref<10240x128xf32, #tpu.memory_space<hbm>>) dst(%arg10 : memref<128x128xf32, #tpu.memory_space<vmem>>)
      %run_scoped3A_68 = arith.constant 1 : i32
      "tpu.region"() ({
        %run_scoped3A_273 = tpu.sem_alloc : memref<!tpu.dma_semaphore, #tpu.memory_space<semaphore_mem>>
        %dma_start3A_274 = arith.constant 0 : i32
        %dma_start3A_275 = tpu.memref_slice %arg8[%run_scoped3A_68, %dma_start3A_274] : memref<16x128xi32, #tpu.memory_space<vmem>> -> memref<1x128xi32, #tpu.memory_space<vmem>>
        %dma_start3A_276 = tpu.memref_squeeze %dma_start3A_275 : memref<1x128xi32, #tpu.memory_space<vmem>> -> memref<128xi32, #tpu.memory_space<vmem>>
        %dma_start3A_277 = arith.constant 0 : i32
        %dma_start3A_278 = arith.constant 0 : i32
        %dma_start3A_279 = tpu.memref_slice %arg11[%dma_start3A_277, %dma_start3A_278] : memref<10240x128xf32, #tpu.memory_space<vmem_shared>> -> memref<10240x128xf32, #tpu.memory_space<vmem_shared>>
        tpu.enqueue_indirect_dma source(%arg10 : memref<128x128xf32, #tpu.memory_space<vmem>>) target(%dma_start3A_279 : memref<10240x128xf32, #tpu.memory_space<vmem_shared>>) offsets(%dma_start3A_276 : memref<128xi32, #tpu.memory_space<vmem>>) semaphore(%run_scoped3A_273 : memref<!tpu.dma_semaphore, #tpu.memory_space<semaphore_mem>>) {add = true}
        %dma_wait3A_280 = arith.constant 0 : i32
        %dma_wait3A_281 = tpu.memref_slice %arg8[%run_scoped3A_68, %dma_wait3A_280] : memref<16x128xi32, #tpu.memory_space<vmem>> -> memref<1x128xi32, #tpu.memory_space<vmem>>
        %dma_wait3A_282 = tpu.memref_squeeze %dma_wait3A_281 : memref<1x128xi32, #tpu.memory_space<vmem>> -> memref<128xi32, #tpu.memory_space<vmem>>
        %dma_wait3A_283 = arith.constant 0 : i32
        %dma_wait3A_284 = arith.constant 0 : i32
        %dma_wait3A_285 = tpu.memref_slice %arg11[%dma_wait3A_283, %dma_wait3A_284] : memref<10240x128xf32, #tpu.memory_space<vmem_shared>> -> memref<10240x128xf32, #tpu.memory_space<vmem_shared>>
        tpu.wait_indirect_dma semaphore(%run_scoped3A_273 : memref<!tpu.dma_semaphore, #tpu.memory_space<semaphore_mem>>) src(%arg10 : memref<128x128xf32, #tpu.memory_space<vmem>>) dst(%dma_wait3A_285 : memref<10240x128xf32, #tpu.memory_space<vmem_shared>>)
        tpu.yield
      }) : () -> ()
      %dma_start3A_69 = arith.constant 3 : i32
      %dma_start3A_70 = arith.constant 0 : i32
      %dma_start3A_71 = tpu.memref_slice %arg7[%dma_start3A_69, %dma_start3A_70] : memref<16x128xi32, #tpu.memory_space<vmem>> -> memref<1x128xi32, #tpu.memory_space<vmem>>
      %dma_start3A_72 = tpu.memref_squeeze %dma_start3A_71 : memref<1x128xi32, #tpu.memory_space<vmem>> -> memref<128xi32, #tpu.memory_space<vmem>>
      %dma_start3A_73 = arith.constant 0 : i32
      %dma_start3A_74 = arith.constant 0 : i32
      %dma_start3A_75 = tpu.memref_slice %arg4[%dma_start3A_73, %dma_start3A_74] : memref<10240x128xf32, #tpu.memory_space<hbm>> -> memref<10240x128xf32, #tpu.memory_space<hbm>>
      tpu.enqueue_indirect_dma source(%dma_start3A_75 : memref<10240x128xf32, #tpu.memory_space<hbm>>) target(%arg10 : memref<128x128xf32, #tpu.memory_space<vmem>>) offsets(%dma_start3A_72 : memref<128xi32, #tpu.memory_space<vmem>>) semaphore(%arg13 : memref<!tpu.dma_semaphore, #tpu.memory_space<semaphore_mem>>)
      %dma_wait3A_76 = arith.constant 2 : i32
      %dma_wait3A_77 = arith.constant 0 : i32
      %dma_wait3A_78 = tpu.memref_slice %arg7[%dma_wait3A_76, %dma_wait3A_77] : memref<16x128xi32, #tpu.memory_space<vmem>> -> memref<1x128xi32, #tpu.memory_space<vmem>>
      %dma_wait3A_79 = tpu.memref_squeeze %dma_wait3A_78 : memref<1x128xi32, #tpu.memory_space<vmem>> -> memref<128xi32, #tpu.memory_space<vmem>>
      %dma_wait3A_80 = arith.constant 0 : i32
      %dma_wait3A_81 = arith.constant 0 : i32
      %dma_wait3A_82 = tpu.memref_slice %arg4[%dma_wait3A_80, %dma_wait3A_81] : memref<10240x128xf32, #tpu.memory_space<hbm>> -> memref<10240x128xf32, #tpu.memory_space<hbm>>
      tpu.wait_indirect_dma semaphore(%arg12 : memref<!tpu.dma_semaphore, #tpu.memory_space<semaphore_mem>>) src(%dma_wait3A_82 : memref<10240x128xf32, #tpu.memory_space<hbm>>) dst(%arg9 : memref<128x128xf32, #tpu.memory_space<vmem>>)
      %run_scoped3A_83 = arith.constant 2 : i32
      "tpu.region"() ({
        %run_scoped3A_273 = tpu.sem_alloc : memref<!tpu.dma_semaphore, #tpu.memory_space<semaphore_mem>>
        %dma_start3A_274 = arith.constant 0 : i32
        %dma_start3A_275 = tpu.memref_slice %arg8[%run_scoped3A_83, %dma_start3A_274] : memref<16x128xi32, #tpu.memory_space<vmem>> -> memref<1x128xi32, #tpu.memory_space<vmem>>
        %dma_start3A_276 = tpu.memref_squeeze %dma_start3A_275 : memref<1x128xi32, #tpu.memory_space<vmem>> -> memref<128xi32, #tpu.memory_space<vmem>>
        %dma_start3A_277 = arith.constant 0 : i32
        %dma_start3A_278 = arith.constant 0 : i32
        %dma_start3A_279 = tpu.memref_slice %arg11[%dma_start3A_277, %dma_start3A_278] : memref<10240x128xf32, #tpu.memory_space<vmem_shared>> -> memref<10240x128xf32, #tpu.memory_space<vmem_shared>>
        tpu.enqueue_indirect_dma source(%arg9 : memref<128x128xf32, #tpu.memory_space<vmem>>) target(%dma_start3A_279 : memref<10240x128xf32, #tpu.memory_space<vmem_shared>>) offsets(%dma_start3A_276 : memref<128xi32, #tpu.memory_space<vmem>>) semaphore(%run_scoped3A_273 : memref<!tpu.dma_semaphore, #tpu.memory_space<semaphore_mem>>) {add = true}
        %dma_wait3A_280 = arith.constant 0 : i32
        %dma_wait3A_281 = tpu.memref_slice %arg8[%run_scoped3A_83, %dma_wait3A_280] : memref<16x128xi32, #tpu.memory_space<vmem>> -> memref<1x128xi32, #tpu.memory_space<vmem>>
        %dma_wait3A_282 = tpu.memref_squeeze %dma_wait3A_281 : memref<1x128xi32, #tpu.memory_space<vmem>> -> memref<128xi32, #tpu.memory_space<vmem>>
        %dma_wait3A_283 = arith.constant 0 : i32
        %dma_wait3A_284 = arith.constant 0 : i32
        %dma_wait3A_285 = tpu.memref_slice %arg11[%dma_wait3A_283, %dma_wait3A_284] : memref<10240x128xf32, #tpu.memory_space<vmem_shared>> -> memref<10240x128xf32, #tpu.memory_space<vmem_shared>>
        tpu.wait_indirect_dma semaphore(%run_scoped3A_273 : memref<!tpu.dma_semaphore, #tpu.memory_space<semaphore_mem>>) src(%arg9 : memref<128x128xf32, #tpu.memory_space<vmem>>) dst(%dma_wait3A_285 : memref<10240x128xf32, #tpu.memory_space<vmem_shared>>)
        tpu.yield
      }) : () -> ()
      %dma_start3A_84 = arith.constant 4 : i32
      %dma_start3A_85 = arith.constant 0 : i32
      %dma_start3A_86 = tpu.memref_slice %arg7[%dma_start3A_84, %dma_start3A_85] : memref<16x128xi32, #tpu.memory_space<vmem>> -> memref<1x128xi32, #tpu.memory_space<vmem>>
      %dma_start3A_87 = tpu.memref_squeeze %dma_start3A_86 : memref<1x128xi32, #tpu.memory_space<vmem>> -> memref<128xi32, #tpu.memory_space<vmem>>
      %dma_start3A_88 = arith.constant 0 : i32
      %dma_start3A_89 = arith.constant 0 : i32
      %dma_start3A_90 = tpu.memref_slice %arg4[%dma_start3A_88, %dma_start3A_89] : memref<10240x128xf32, #tpu.memory_space<hbm>> -> memref<10240x128xf32, #tpu.memory_space<hbm>>
      tpu.enqueue_indirect_dma source(%dma_start3A_90 : memref<10240x128xf32, #tpu.memory_space<hbm>>) target(%arg9 : memref<128x128xf32, #tpu.memory_space<vmem>>) offsets(%dma_start3A_87 : memref<128xi32, #tpu.memory_space<vmem>>) semaphore(%arg12 : memref<!tpu.dma_semaphore, #tpu.memory_space<semaphore_mem>>)
      %dma_wait3A_91 = arith.constant 3 : i32
      %dma_wait3A_92 = arith.constant 0 : i32
      %dma_wait3A_93 = tpu.memref_slice %arg7[%dma_wait3A_91, %dma_wait3A_92] : memref<16x128xi32, #tpu.memory_space<vmem>> -> memref<1x128xi32, #tpu.memory_space<vmem>>
      %dma_wait3A_94 = tpu.memref_squeeze %dma_wait3A_93 : memref<1x128xi32, #tpu.memory_space<vmem>> -> memref<128xi32, #tpu.memory_space<vmem>>
      %dma_wait3A_95 = arith.constant 0 : i32
      %dma_wait3A_96 = arith.constant 0 : i32
      %dma_wait3A_97 = tpu.memref_slice %arg4[%dma_wait3A_95, %dma_wait3A_96] : memref<10240x128xf32, #tpu.memory_space<hbm>> -> memref<10240x128xf32, #tpu.memory_space<hbm>>
      tpu.wait_indirect_dma semaphore(%arg13 : memref<!tpu.dma_semaphore, #tpu.memory_space<semaphore_mem>>) src(%dma_wait3A_97 : memref<10240x128xf32, #tpu.memory_space<hbm>>) dst(%arg10 : memref<128x128xf32, #tpu.memory_space<vmem>>)
      %run_scoped3A_98 = arith.constant 3 : i32
      "tpu.region"() ({
        %run_scoped3A_273 = tpu.sem_alloc : memref<!tpu.dma_semaphore, #tpu.memory_space<semaphore_mem>>
        %dma_start3A_274 = arith.constant 0 : i32
        %dma_start3A_275 = tpu.memref_slice %arg8[%run_scoped3A_98, %dma_start3A_274] : memref<16x128xi32, #tpu.memory_space<vmem>> -> memref<1x128xi32, #tpu.memory_space<vmem>>
        %dma_start3A_276 = tpu.memref_squeeze %dma_start3A_275 : memref<1x128xi32, #tpu.memory_space<vmem>> -> memref<128xi32, #tpu.memory_space<vmem>>
        %dma_start3A_277 = arith.constant 0 : i32
        %dma_start3A_278 = arith.constant 0 : i32
        %dma_start3A_279 = tpu.memref_slice %arg11[%dma_start3A_277, %dma_start3A_278] : memref<10240x128xf32, #tpu.memory_space<vmem_shared>> -> memref<10240x128xf32, #tpu.memory_space<vmem_shared>>
        tpu.enqueue_indirect_dma source(%arg10 : memref<128x128xf32, #tpu.memory_space<vmem>>) target(%dma_start3A_279 : memref<10240x128xf32, #tpu.memory_space<vmem_shared>>) offsets(%dma_start3A_276 : memref<128xi32, #tpu.memory_space<vmem>>) semaphore(%run_scoped3A_273 : memref<!tpu.dma_semaphore, #tpu.memory_space<semaphore_mem>>) {add = true}
        %dma_wait3A_280 = arith.constant 0 : i32
        %dma_wait3A_281 = tpu.memref_slice %arg8[%run_scoped3A_98, %dma_wait3A_280] : memref<16x128xi32, #tpu.memory_space<vmem>> -> memref<1x128xi32, #tpu.memory_space<vmem>>
        %dma_wait3A_282 = tpu.memref_squeeze %dma_wait3A_281 : memref<1x128xi32, #tpu.memory_space<vmem>> -> memref<128xi32, #tpu.memory_space<vmem>>
        %dma_wait3A_283 = arith.constant 0 : i32
        %dma_wait3A_284 = arith.constant 0 : i32
        %dma_wait3A_285 = tpu.memref_slice %arg11[%dma_wait3A_283, %dma_wait3A_284] : memref<10240x128xf32, #tpu.memory_space<vmem_shared>> -> memref<10240x128xf32, #tpu.memory_space<vmem_shared>>
        tpu.wait_indirect_dma semaphore(%run_scoped3A_273 : memref<!tpu.dma_semaphore, #tpu.memory_space<semaphore_mem>>) src(%arg10 : memref<128x128xf32, #tpu.memory_space<vmem>>) dst(%dma_wait3A_285 : memref<10240x128xf32, #tpu.memory_space<vmem_shared>>)
        tpu.yield
      }) : () -> ()
      %dma_start3A_99 = arith.constant 5 : i32
      %dma_start3A_100 = arith.constant 0 : i32
      %dma_start3A_101 = tpu.memref_slice %arg7[%dma_start3A_99, %dma_start3A_100] : memref<16x128xi32, #tpu.memory_space<vmem>> -> memref<1x128xi32, #tpu.memory_space<vmem>>
      %dma_start3A_102 = tpu.memref_squeeze %dma_start3A_101 : memref<1x128xi32, #tpu.memory_space<vmem>> -> memref<128xi32, #tpu.memory_space<vmem>>
      %dma_start3A_103 = arith.constant 0 : i32
      %dma_start3A_104 = arith.constant 0 : i32
      %dma_start3A_105 = tpu.memref_slice %arg4[%dma_start3A_103, %dma_start3A_104] : memref<10240x128xf32, #tpu.memory_space<hbm>> -> memref<10240x128xf32, #tpu.memory_space<hbm>>
      tpu.enqueue_indirect_dma source(%dma_start3A_105 : memref<10240x128xf32, #tpu.memory_space<hbm>>) target(%arg10 : memref<128x128xf32, #tpu.memory_space<vmem>>) offsets(%dma_start3A_102 : memref<128xi32, #tpu.memory_space<vmem>>) semaphore(%arg13 : memref<!tpu.dma_semaphore, #tpu.memory_space<semaphore_mem>>)
      %dma_wait3A_106 = arith.constant 4 : i32
      %dma_wait3A_107 = arith.constant 0 : i32
      %dma_wait3A_108 = tpu.memref_slice %arg7[%dma_wait3A_106, %dma_wait3A_107] : memref<16x128xi32, #tpu.memory_space<vmem>> -> memref<1x128xi32, #tpu.memory_space<vmem>>
      %dma_wait3A_109 = tpu.memref_squeeze %dma_wait3A_108 : memref<1x128xi32, #tpu.memory_space<vmem>> -> memref<128xi32, #tpu.memory_space<vmem>>
      %dma_wait3A_110 = arith.constant 0 : i32
      %dma_wait3A_111 = arith.constant 0 : i32
      %dma_wait3A_112 = tpu.memref_slice %arg4[%dma_wait3A_110, %dma_wait3A_111] : memref<10240x128xf32, #tpu.memory_space<hbm>> -> memref<10240x128xf32, #tpu.memory_space<hbm>>
      tpu.wait_indirect_dma semaphore(%arg12 : memref<!tpu.dma_semaphore, #tpu.memory_space<semaphore_mem>>) src(%dma_wait3A_112 : memref<10240x128xf32, #tpu.memory_space<hbm>>) dst(%arg9 : memref<128x128xf32, #tpu.memory_space<vmem>>)
      %run_scoped3A_113 = arith.constant 4 : i32
      "tpu.region"() ({
        %run_scoped3A_273 = tpu.sem_alloc : memref<!tpu.dma_semaphore, #tpu.memory_space<semaphore_mem>>
        %dma_start3A_274 = arith.constant 0 : i32
        %dma_start3A_275 = tpu.memref_slice %arg8[%run_scoped3A_113, %dma_start3A_274] : memref<16x128xi32, #tpu.memory_space<vmem>> -> memref<1x128xi32, #tpu.memory_space<vmem>>
        %dma_start3A_276 = tpu.memref_squeeze %dma_start3A_275 : memref<1x128xi32, #tpu.memory_space<vmem>> -> memref<128xi32, #tpu.memory_space<vmem>>
        %dma_start3A_277 = arith.constant 0 : i32
        %dma_start3A_278 = arith.constant 0 : i32
        %dma_start3A_279 = tpu.memref_slice %arg11[%dma_start3A_277, %dma_start3A_278] : memref<10240x128xf32, #tpu.memory_space<vmem_shared>> -> memref<10240x128xf32, #tpu.memory_space<vmem_shared>>
        tpu.enqueue_indirect_dma source(%arg9 : memref<128x128xf32, #tpu.memory_space<vmem>>) target(%dma_start3A_279 : memref<10240x128xf32, #tpu.memory_space<vmem_shared>>) offsets(%dma_start3A_276 : memref<128xi32, #tpu.memory_space<vmem>>) semaphore(%run_scoped3A_273 : memref<!tpu.dma_semaphore, #tpu.memory_space<semaphore_mem>>) {add = true}
        %dma_wait3A_280 = arith.constant 0 : i32
        %dma_wait3A_281 = tpu.memref_slice %arg8[%run_scoped3A_113, %dma_wait3A_280] : memref<16x128xi32, #tpu.memory_space<vmem>> -> memref<1x128xi32, #tpu.memory_space<vmem>>
        %dma_wait3A_282 = tpu.memref_squeeze %dma_wait3A_281 : memref<1x128xi32, #tpu.memory_space<vmem>> -> memref<128xi32, #tpu.memory_space<vmem>>
        %dma_wait3A_283 = arith.constant 0 : i32
        %dma_wait3A_284 = arith.constant 0 : i32
        %dma_wait3A_285 = tpu.memref_slice %arg11[%dma_wait3A_283, %dma_wait3A_284] : memref<10240x128xf32, #tpu.memory_space<vmem_shared>> -> memref<10240x128xf32, #tpu.memory_space<vmem_shared>>
        tpu.wait_indirect_dma semaphore(%run_scoped3A_273 : memref<!tpu.dma_semaphore, #tpu.memory_space<semaphore_mem>>) src(%arg9 : memref<128x128xf32, #tpu.memory_space<vmem>>) dst(%dma_wait3A_285 : memref<10240x128xf32, #tpu.memory_space<vmem_shared>>)
        tpu.yield
      }) : () -> ()
      %dma_start3A_114 = arith.constant 6 : i32
      %dma_start3A_115 = arith.constant 0 : i32
      %dma_start3A_116 = tpu.memref_slice %arg7[%dma_start3A_114, %dma_start3A_115] : memref<16x128xi32, #tpu.memory_space<vmem>> -> memref<1x128xi32, #tpu.memory_space<vmem>>
      %dma_start3A_117 = tpu.memref_squeeze %dma_start3A_116 : memref<1x128xi32, #tpu.memory_space<vmem>> -> memref<128xi32, #tpu.memory_space<vmem>>
      %dma_start3A_118 = arith.constant 0 : i32
      %dma_start3A_119 = arith.constant 0 : i32
      %dma_start3A_120 = tpu.memref_slice %arg4[%dma_start3A_118, %dma_start3A_119] : memref<10240x128xf32, #tpu.memory_space<hbm>> -> memref<10240x128xf32, #tpu.memory_space<hbm>>
      tpu.enqueue_indirect_dma source(%dma_start3A_120 : memref<10240x128xf32, #tpu.memory_space<hbm>>) target(%arg9 : memref<128x128xf32, #tpu.memory_space<vmem>>) offsets(%dma_start3A_117 : memref<128xi32, #tpu.memory_space<vmem>>) semaphore(%arg12 : memref<!tpu.dma_semaphore, #tpu.memory_space<semaphore_mem>>)
      %dma_wait3A_121 = arith.constant 5 : i32
      %dma_wait3A_122 = arith.constant 0 : i32
      %dma_wait3A_123 = tpu.memref_slice %arg7[%dma_wait3A_121, %dma_wait3A_122] : memref<16x128xi32, #tpu.memory_space<vmem>> -> memref<1x128xi32, #tpu.memory_space<vmem>>
      %dma_wait3A_124 = tpu.memref_squeeze %dma_wait3A_123 : memref<1x128xi32, #tpu.memory_space<vmem>> -> memref<128xi32, #tpu.memory_space<vmem>>
      %dma_wait3A_125 = arith.constant 0 : i32
      %dma_wait3A_126 = arith.constant 0 : i32
      %dma_wait3A_127 = tpu.memref_slice %arg4[%dma_wait3A_125, %dma_wait3A_126] : memref<10240x128xf32, #tpu.memory_space<hbm>> -> memref<10240x128xf32, #tpu.memory_space<hbm>>
      tpu.wait_indirect_dma semaphore(%arg13 : memref<!tpu.dma_semaphore, #tpu.memory_space<semaphore_mem>>) src(%dma_wait3A_127 : memref<10240x128xf32, #tpu.memory_space<hbm>>) dst(%arg10 : memref<128x128xf32, #tpu.memory_space<vmem>>)
      %run_scoped3A_128 = arith.constant 5 : i32
      "tpu.region"() ({
        %run_scoped3A_273 = tpu.sem_alloc : memref<!tpu.dma_semaphore, #tpu.memory_space<semaphore_mem>>
        %dma_start3A_274 = arith.constant 0 : i32
        %dma_start3A_275 = tpu.memref_slice %arg8[%run_scoped3A_128, %dma_start3A_274] : memref<16x128xi32, #tpu.memory_space<vmem>> -> memref<1x128xi32, #tpu.memory_space<vmem>>
        %dma_start3A_276 = tpu.memref_squeeze %dma_start3A_275 : memref<1x128xi32, #tpu.memory_space<vmem>> -> memref<128xi32, #tpu.memory_space<vmem>>
        %dma_start3A_277 = arith.constant 0 : i32
        %dma_start3A_278 = arith.constant 0 : i32
        %dma_start3A_279 = tpu.memref_slice %arg11[%dma_start3A_277, %dma_start3A_278] : memref<10240x128xf32, #tpu.memory_space<vmem_shared>> -> memref<10240x128xf32, #tpu.memory_space<vmem_shared>>
        tpu.enqueue_indirect_dma source(%arg10 : memref<128x128xf32, #tpu.memory_space<vmem>>) target(%dma_start3A_279 : memref<10240x128xf32, #tpu.memory_space<vmem_shared>>) offsets(%dma_start3A_276 : memref<128xi32, #tpu.memory_space<vmem>>) semaphore(%run_scoped3A_273 : memref<!tpu.dma_semaphore, #tpu.memory_space<semaphore_mem>>) {add = true}
        %dma_wait3A_280 = arith.constant 0 : i32
        %dma_wait3A_281 = tpu.memref_slice %arg8[%run_scoped3A_128, %dma_wait3A_280] : memref<16x128xi32, #tpu.memory_space<vmem>> -> memref<1x128xi32, #tpu.memory_space<vmem>>
        %dma_wait3A_282 = tpu.memref_squeeze %dma_wait3A_281 : memref<1x128xi32, #tpu.memory_space<vmem>> -> memref<128xi32, #tpu.memory_space<vmem>>
        %dma_wait3A_283 = arith.constant 0 : i32
        %dma_wait3A_284 = arith.constant 0 : i32
        %dma_wait3A_285 = tpu.memref_slice %arg11[%dma_wait3A_283, %dma_wait3A_284] : memref<10240x128xf32, #tpu.memory_space<vmem_shared>> -> memref<10240x128xf32, #tpu.memory_space<vmem_shared>>
        tpu.wait_indirect_dma semaphore(%run_scoped3A_273 : memref<!tpu.dma_semaphore, #tpu.memory_space<semaphore_mem>>) src(%arg10 : memref<128x128xf32, #tpu.memory_space<vmem>>) dst(%dma_wait3A_285 : memref<10240x128xf32, #tpu.memory_space<vmem_shared>>)
        tpu.yield
      }) : () -> ()
      %dma_start3A_129 = arith.constant 7 : i32
      %dma_start3A_130 = arith.constant 0 : i32
      %dma_start3A_131 = tpu.memref_slice %arg7[%dma_start3A_129, %dma_start3A_130] : memref<16x128xi32, #tpu.memory_space<vmem>> -> memref<1x128xi32, #tpu.memory_space<vmem>>
      %dma_start3A_132 = tpu.memref_squeeze %dma_start3A_131 : memref<1x128xi32, #tpu.memory_space<vmem>> -> memref<128xi32, #tpu.memory_space<vmem>>
      %dma_start3A_133 = arith.constant 0 : i32
      %dma_start3A_134 = arith.constant 0 : i32
      %dma_start3A_135 = tpu.memref_slice %arg4[%dma_start3A_133, %dma_start3A_134] : memref<10240x128xf32, #tpu.memory_space<hbm>> -> memref<10240x128xf32, #tpu.memory_space<hbm>>
      tpu.enqueue_indirect_dma source(%dma_start3A_135 : memref<10240x128xf32, #tpu.memory_space<hbm>>) target(%arg10 : memref<128x128xf32, #tpu.memory_space<vmem>>) offsets(%dma_start3A_132 : memref<128xi32, #tpu.memory_space<vmem>>) semaphore(%arg13 : memref<!tpu.dma_semaphore, #tpu.memory_space<semaphore_mem>>)
      %dma_wait3A_136 = arith.constant 6 : i32
      %dma_wait3A_137 = arith.constant 0 : i32
      %dma_wait3A_138 = tpu.memref_slice %arg7[%dma_wait3A_136, %dma_wait3A_137] : memref<16x128xi32, #tpu.memory_space<vmem>> -> memref<1x128xi32, #tpu.memory_space<vmem>>
      %dma_wait3A_139 = tpu.memref_squeeze %dma_wait3A_138 : memref<1x128xi32, #tpu.memory_space<vmem>> -> memref<128xi32, #tpu.memory_space<vmem>>
      %dma_wait3A_140 = arith.constant 0 : i32
      %dma_wait3A_141 = arith.constant 0 : i32
      %dma_wait3A_142 = tpu.memref_slice %arg4[%dma_wait3A_140, %dma_wait3A_141] : memref<10240x128xf32, #tpu.memory_space<hbm>> -> memref<10240x128xf32, #tpu.memory_space<hbm>>
      tpu.wait_indirect_dma semaphore(%arg12 : memref<!tpu.dma_semaphore, #tpu.memory_space<semaphore_mem>>) src(%dma_wait3A_142 : memref<10240x128xf32, #tpu.memory_space<hbm>>) dst(%arg9 : memref<128x128xf32, #tpu.memory_space<vmem>>)
      %run_scoped3A_143 = arith.constant 6 : i32
      "tpu.region"() ({
        %run_scoped3A_273 = tpu.sem_alloc : memref<!tpu.dma_semaphore, #tpu.memory_space<semaphore_mem>>
        %dma_start3A_274 = arith.constant 0 : i32
        %dma_start3A_275 = tpu.memref_slice %arg8[%run_scoped3A_143, %dma_start3A_274] : memref<16x128xi32, #tpu.memory_space<vmem>> -> memref<1x128xi32, #tpu.memory_space<vmem>>
        %dma_start3A_276 = tpu.memref_squeeze %dma_start3A_275 : memref<1x128xi32, #tpu.memory_space<vmem>> -> memref<128xi32, #tpu.memory_space<vmem>>
        %dma_start3A_277 = arith.constant 0 : i32
        %dma_start3A_278 = arith.constant 0 : i32
        %dma_start3A_279 = tpu.memref_slice %arg11[%dma_start3A_277, %dma_start3A_278] : memref<10240x128xf32, #tpu.memory_space<vmem_shared>> -> memref<10240x128xf32, #tpu.memory_space<vmem_shared>>
        tpu.enqueue_indirect_dma source(%arg9 : memref<128x128xf32, #tpu.memory_space<vmem>>) target(%dma_start3A_279 : memref<10240x128xf32, #tpu.memory_space<vmem_shared>>) offsets(%dma_start3A_276 : memref<128xi32, #tpu.memory_space<vmem>>) semaphore(%run_scoped3A_273 : memref<!tpu.dma_semaphore, #tpu.memory_space<semaphore_mem>>) {add = true}
        %dma_wait3A_280 = arith.constant 0 : i32
        %dma_wait3A_281 = tpu.memref_slice %arg8[%run_scoped3A_143, %dma_wait3A_280] : memref<16x128xi32, #tpu.memory_space<vmem>> -> memref<1x128xi32, #tpu.memory_space<vmem>>
        %dma_wait3A_282 = tpu.memref_squeeze %dma_wait3A_281 : memref<1x128xi32, #tpu.memory_space<vmem>> -> memref<128xi32, #tpu.memory_space<vmem>>
        %dma_wait3A_283 = arith.constant 0 : i32
        %dma_wait3A_284 = arith.constant 0 : i32
        %dma_wait3A_285 = tpu.memref_slice %arg11[%dma_wait3A_283, %dma_wait3A_284] : memref<10240x128xf32, #tpu.memory_space<vmem_shared>> -> memref<10240x128xf32, #tpu.memory_space<vmem_shared>>
        tpu.wait_indirect_dma semaphore(%run_scoped3A_273 : memref<!tpu.dma_semaphore, #tpu.memory_space<semaphore_mem>>) src(%arg9 : memref<128x128xf32, #tpu.memory_space<vmem>>) dst(%dma_wait3A_285 : memref<10240x128xf32, #tpu.memory_space<vmem_shared>>)
        tpu.yield
      }) : () -> ()
      %dma_start3A_144 = arith.constant 8 : i32
      %dma_start3A_145 = arith.constant 0 : i32
      %dma_start3A_146 = tpu.memref_slice %arg7[%dma_start3A_144, %dma_start3A_145] : memref<16x128xi32, #tpu.memory_space<vmem>> -> memref<1x128xi32, #tpu.memory_space<vmem>>
      %dma_start3A_147 = tpu.memref_squeeze %dma_start3A_146 : memref<1x128xi32, #tpu.memory_space<vmem>> -> memref<128xi32, #tpu.memory_space<vmem>>
      %dma_start3A_148 = arith.constant 0 : i32
      %dma_start3A_149 = arith.constant 0 : i32
      %dma_start3A_150 = tpu.memref_slice %arg4[%dma_start3A_148, %dma_start3A_149] : memref<10240x128xf32, #tpu.memory_space<hbm>> -> memref<10240x128xf32, #tpu.memory_space<hbm>>
      tpu.enqueue_indirect_dma source(%dma_start3A_150 : memref<10240x128xf32, #tpu.memory_space<hbm>>) target(%arg9 : memref<128x128xf32, #tpu.memory_space<vmem>>) offsets(%dma_start3A_147 : memref<128xi32, #tpu.memory_space<vmem>>) semaphore(%arg12 : memref<!tpu.dma_semaphore, #tpu.memory_space<semaphore_mem>>)
      %dma_wait3A_151 = arith.constant 7 : i32
      %dma_wait3A_152 = arith.constant 0 : i32
      %dma_wait3A_153 = tpu.memref_slice %arg7[%dma_wait3A_151, %dma_wait3A_152] : memref<16x128xi32, #tpu.memory_space<vmem>> -> memref<1x128xi32, #tpu.memory_space<vmem>>
      %dma_wait3A_154 = tpu.memref_squeeze %dma_wait3A_153 : memref<1x128xi32, #tpu.memory_space<vmem>> -> memref<128xi32, #tpu.memory_space<vmem>>
      %dma_wait3A_155 = arith.constant 0 : i32
      %dma_wait3A_156 = arith.constant 0 : i32
      %dma_wait3A_157 = tpu.memref_slice %arg4[%dma_wait3A_155, %dma_wait3A_156] : memref<10240x128xf32, #tpu.memory_space<hbm>> -> memref<10240x128xf32, #tpu.memory_space<hbm>>
      tpu.wait_indirect_dma semaphore(%arg13 : memref<!tpu.dma_semaphore, #tpu.memory_space<semaphore_mem>>) src(%dma_wait3A_157 : memref<10240x128xf32, #tpu.memory_space<hbm>>) dst(%arg10 : memref<128x128xf32, #tpu.memory_space<vmem>>)
      %run_scoped3A_158 = arith.constant 7 : i32
      "tpu.region"() ({
        %run_scoped3A_273 = tpu.sem_alloc : memref<!tpu.dma_semaphore, #tpu.memory_space<semaphore_mem>>
        %dma_start3A_274 = arith.constant 0 : i32
        %dma_start3A_275 = tpu.memref_slice %arg8[%run_scoped3A_158, %dma_start3A_274] : memref<16x128xi32, #tpu.memory_space<vmem>> -> memref<1x128xi32, #tpu.memory_space<vmem>>
        %dma_start3A_276 = tpu.memref_squeeze %dma_start3A_275 : memref<1x128xi32, #tpu.memory_space<vmem>> -> memref<128xi32, #tpu.memory_space<vmem>>
        %dma_start3A_277 = arith.constant 0 : i32
        %dma_start3A_278 = arith.constant 0 : i32
        %dma_start3A_279 = tpu.memref_slice %arg11[%dma_start3A_277, %dma_start3A_278] : memref<10240x128xf32, #tpu.memory_space<vmem_shared>> -> memref<10240x128xf32, #tpu.memory_space<vmem_shared>>
        tpu.enqueue_indirect_dma source(%arg10 : memref<128x128xf32, #tpu.memory_space<vmem>>) target(%dma_start3A_279 : memref<10240x128xf32, #tpu.memory_space<vmem_shared>>) offsets(%dma_start3A_276 : memref<128xi32, #tpu.memory_space<vmem>>) semaphore(%run_scoped3A_273 : memref<!tpu.dma_semaphore, #tpu.memory_space<semaphore_mem>>) {add = true}
        %dma_wait3A_280 = arith.constant 0 : i32
        %dma_wait3A_281 = tpu.memref_slice %arg8[%run_scoped3A_158, %dma_wait3A_280] : memref<16x128xi32, #tpu.memory_space<vmem>> -> memref<1x128xi32, #tpu.memory_space<vmem>>
        %dma_wait3A_282 = tpu.memref_squeeze %dma_wait3A_281 : memref<1x128xi32, #tpu.memory_space<vmem>> -> memref<128xi32, #tpu.memory_space<vmem>>
        %dma_wait3A_283 = arith.constant 0 : i32
        %dma_wait3A_284 = arith.constant 0 : i32
        %dma_wait3A_285 = tpu.memref_slice %arg11[%dma_wait3A_283, %dma_wait3A_284] : memref<10240x128xf32, #tpu.memory_space<vmem_shared>> -> memref<10240x128xf32, #tpu.memory_space<vmem_shared>>
        tpu.wait_indirect_dma semaphore(%run_scoped3A_273 : memref<!tpu.dma_semaphore, #tpu.memory_space<semaphore_mem>>) src(%arg10 : memref<128x128xf32, #tpu.memory_space<vmem>>) dst(%dma_wait3A_285 : memref<10240x128xf32, #tpu.memory_space<vmem_shared>>)
        tpu.yield
      }) : () -> ()
      %dma_start3A_159 = arith.constant 9 : i32
      %dma_start3A_160 = arith.constant 0 : i32
      %dma_start3A_161 = tpu.memref_slice %arg7[%dma_start3A_159, %dma_start3A_160] : memref<16x128xi32, #tpu.memory_space<vmem>> -> memref<1x128xi32, #tpu.memory_space<vmem>>
      %dma_start3A_162 = tpu.memref_squeeze %dma_start3A_161 : memref<1x128xi32, #tpu.memory_space<vmem>> -> memref<128xi32, #tpu.memory_space<vmem>>
      %dma_start3A_163 = arith.constant 0 : i32
      %dma_start3A_164 = arith.constant 0 : i32
      %dma_start3A_165 = tpu.memref_slice %arg4[%dma_start3A_163, %dma_start3A_164] : memref<10240x128xf32, #tpu.memory_space<hbm>> -> memref<10240x128xf32, #tpu.memory_space<hbm>>
      tpu.enqueue_indirect_dma source(%dma_start3A_165 : memref<10240x128xf32, #tpu.memory_space<hbm>>) target(%arg10 : memref<128x128xf32, #tpu.memory_space<vmem>>) offsets(%dma_start3A_162 : memref<128xi32, #tpu.memory_space<vmem>>) semaphore(%arg13 : memref<!tpu.dma_semaphore, #tpu.memory_space<semaphore_mem>>)
      %dma_wait3A_166 = arith.constant 8 : i32
      %dma_wait3A_167 = arith.constant 0 : i32
      %dma_wait3A_168 = tpu.memref_slice %arg7[%dma_wait3A_166, %dma_wait3A_167] : memref<16x128xi32, #tpu.memory_space<vmem>> -> memref<1x128xi32, #tpu.memory_space<vmem>>
      %dma_wait3A_169 = tpu.memref_squeeze %dma_wait3A_168 : memref<1x128xi32, #tpu.memory_space<vmem>> -> memref<128xi32, #tpu.memory_space<vmem>>
      %dma_wait3A_170 = arith.constant 0 : i32
      %dma_wait3A_171 = arith.constant 0 : i32
      %dma_wait3A_172 = tpu.memref_slice %arg4[%dma_wait3A_170, %dma_wait3A_171] : memref<10240x128xf32, #tpu.memory_space<hbm>> -> memref<10240x128xf32, #tpu.memory_space<hbm>>
      tpu.wait_indirect_dma semaphore(%arg12 : memref<!tpu.dma_semaphore, #tpu.memory_space<semaphore_mem>>) src(%dma_wait3A_172 : memref<10240x128xf32, #tpu.memory_space<hbm>>) dst(%arg9 : memref<128x128xf32, #tpu.memory_space<vmem>>)
      %run_scoped3A_173 = arith.constant 8 : i32
      "tpu.region"() ({
        %run_scoped3A_273 = tpu.sem_alloc : memref<!tpu.dma_semaphore, #tpu.memory_space<semaphore_mem>>
        %dma_start3A_274 = arith.constant 0 : i32
        %dma_start3A_275 = tpu.memref_slice %arg8[%run_scoped3A_173, %dma_start3A_274] : memref<16x128xi32, #tpu.memory_space<vmem>> -> memref<1x128xi32, #tpu.memory_space<vmem>>
        %dma_start3A_276 = tpu.memref_squeeze %dma_start3A_275 : memref<1x128xi32, #tpu.memory_space<vmem>> -> memref<128xi32, #tpu.memory_space<vmem>>
        %dma_start3A_277 = arith.constant 0 : i32
        %dma_start3A_278 = arith.constant 0 : i32
        %dma_start3A_279 = tpu.memref_slice %arg11[%dma_start3A_277, %dma_start3A_278] : memref<10240x128xf32, #tpu.memory_space<vmem_shared>> -> memref<10240x128xf32, #tpu.memory_space<vmem_shared>>
        tpu.enqueue_indirect_dma source(%arg9 : memref<128x128xf32, #tpu.memory_space<vmem>>) target(%dma_start3A_279 : memref<10240x128xf32, #tpu.memory_space<vmem_shared>>) offsets(%dma_start3A_276 : memref<128xi32, #tpu.memory_space<vmem>>) semaphore(%run_scoped3A_273 : memref<!tpu.dma_semaphore, #tpu.memory_space<semaphore_mem>>) {add = true}
        %dma_wait3A_280 = arith.constant 0 : i32
        %dma_wait3A_281 = tpu.memref_slice %arg8[%run_scoped3A_173, %dma_wait3A_280] : memref<16x128xi32, #tpu.memory_space<vmem>> -> memref<1x128xi32, #tpu.memory_space<vmem>>
        %dma_wait3A_282 = tpu.memref_squeeze %dma_wait3A_281 : memref<1x128xi32, #tpu.memory_space<vmem>> -> memref<128xi32, #tpu.memory_space<vmem>>
        %dma_wait3A_283 = arith.constant 0 : i32
        %dma_wait3A_284 = arith.constant 0 : i32
        %dma_wait3A_285 = tpu.memref_slice %arg11[%dma_wait3A_283, %dma_wait3A_284] : memref<10240x128xf32, #tpu.memory_space<vmem_shared>> -> memref<10240x128xf32, #tpu.memory_space<vmem_shared>>
        tpu.wait_indirect_dma semaphore(%run_scoped3A_273 : memref<!tpu.dma_semaphore, #tpu.memory_space<semaphore_mem>>) src(%arg9 : memref<128x128xf32, #tpu.memory_space<vmem>>) dst(%dma_wait3A_285 : memref<10240x128xf32, #tpu.memory_space<vmem_shared>>)
        tpu.yield
      }) : () -> ()
      %dma_start3A_174 = arith.constant 10 : i32
      %dma_start3A_175 = arith.constant 0 : i32
      %dma_start3A_176 = tpu.memref_slice %arg7[%dma_start3A_174, %dma_start3A_175] : memref<16x128xi32, #tpu.memory_space<vmem>> -> memref<1x128xi32, #tpu.memory_space<vmem>>
      %dma_start3A_177 = tpu.memref_squeeze %dma_start3A_176 : memref<1x128xi32, #tpu.memory_space<vmem>> -> memref<128xi32, #tpu.memory_space<vmem>>
      %dma_start3A_178 = arith.constant 0 : i32
      %dma_start3A_179 = arith.constant 0 : i32
      %dma_start3A_180 = tpu.memref_slice %arg4[%dma_start3A_178, %dma_start3A_179] : memref<10240x128xf32, #tpu.memory_space<hbm>> -> memref<10240x128xf32, #tpu.memory_space<hbm>>
      tpu.enqueue_indirect_dma source(%dma_start3A_180 : memref<10240x128xf32, #tpu.memory_space<hbm>>) target(%arg9 : memref<128x128xf32, #tpu.memory_space<vmem>>) offsets(%dma_start3A_177 : memref<128xi32, #tpu.memory_space<vmem>>) semaphore(%arg12 : memref<!tpu.dma_semaphore, #tpu.memory_space<semaphore_mem>>)
      %dma_wait3A_181 = arith.constant 9 : i32
      %dma_wait3A_182 = arith.constant 0 : i32
      %dma_wait3A_183 = tpu.memref_slice %arg7[%dma_wait3A_181, %dma_wait3A_182] : memref<16x128xi32, #tpu.memory_space<vmem>> -> memref<1x128xi32, #tpu.memory_space<vmem>>
      %dma_wait3A_184 = tpu.memref_squeeze %dma_wait3A_183 : memref<1x128xi32, #tpu.memory_space<vmem>> -> memref<128xi32, #tpu.memory_space<vmem>>
      %dma_wait3A_185 = arith.constant 0 : i32
      %dma_wait3A_186 = arith.constant 0 : i32
      %dma_wait3A_187 = tpu.memref_slice %arg4[%dma_wait3A_185, %dma_wait3A_186] : memref<10240x128xf32, #tpu.memory_space<hbm>> -> memref<10240x128xf32, #tpu.memory_space<hbm>>
      tpu.wait_indirect_dma semaphore(%arg13 : memref<!tpu.dma_semaphore, #tpu.memory_space<semaphore_mem>>) src(%dma_wait3A_187 : memref<10240x128xf32, #tpu.memory_space<hbm>>) dst(%arg10 : memref<128x128xf32, #tpu.memory_space<vmem>>)
      %run_scoped3A_188 = arith.constant 9 : i32
      "tpu.region"() ({
        %run_scoped3A_273 = tpu.sem_alloc : memref<!tpu.dma_semaphore, #tpu.memory_space<semaphore_mem>>
        %dma_start3A_274 = arith.constant 0 : i32
        %dma_start3A_275 = tpu.memref_slice %arg8[%run_scoped3A_188, %dma_start3A_274] : memref<16x128xi32, #tpu.memory_space<vmem>> -> memref<1x128xi32, #tpu.memory_space<vmem>>
        %dma_start3A_276 = tpu.memref_squeeze %dma_start3A_275 : memref<1x128xi32, #tpu.memory_space<vmem>> -> memref<128xi32, #tpu.memory_space<vmem>>
        %dma_start3A_277 = arith.constant 0 : i32
        %dma_start3A_278 = arith.constant 0 : i32
        %dma_start3A_279 = tpu.memref_slice %arg11[%dma_start3A_277, %dma_start3A_278] : memref<10240x128xf32, #tpu.memory_space<vmem_shared>> -> memref<10240x128xf32, #tpu.memory_space<vmem_shared>>
        tpu.enqueue_indirect_dma source(%arg10 : memref<128x128xf32, #tpu.memory_space<vmem>>) target(%dma_start3A_279 : memref<10240x128xf32, #tpu.memory_space<vmem_shared>>) offsets(%dma_start3A_276 : memref<128xi32, #tpu.memory_space<vmem>>) semaphore(%run_scoped3A_273 : memref<!tpu.dma_semaphore, #tpu.memory_space<semaphore_mem>>) {add = true}
        %dma_wait3A_280 = arith.constant 0 : i32
        %dma_wait3A_281 = tpu.memref_slice %arg8[%run_scoped3A_188, %dma_wait3A_280] : memref<16x128xi32, #tpu.memory_space<vmem>> -> memref<1x128xi32, #tpu.memory_space<vmem>>
        %dma_wait3A_282 = tpu.memref_squeeze %dma_wait3A_281 : memref<1x128xi32, #tpu.memory_space<vmem>> -> memref<128xi32, #tpu.memory_space<vmem>>
        %dma_wait3A_283 = arith.constant 0 : i32
        %dma_wait3A_284 = arith.constant 0 : i32
        %dma_wait3A_285 = tpu.memref_slice %arg11[%dma_wait3A_283, %dma_wait3A_284] : memref<10240x128xf32, #tpu.memory_space<vmem_shared>> -> memref<10240x128xf32, #tpu.memory_space<vmem_shared>>
        tpu.wait_indirect_dma semaphore(%run_scoped3A_273 : memref<!tpu.dma_semaphore, #tpu.memory_space<semaphore_mem>>) src(%arg10 : memref<128x128xf32, #tpu.memory_space<vmem>>) dst(%dma_wait3A_285 : memref<10240x128xf32, #tpu.memory_space<vmem_shared>>)
        tpu.yield
      }) : () -> ()
      %dma_start3A_189 = arith.constant 11 : i32
      %dma_start3A_190 = arith.constant 0 : i32
      %dma_start3A_191 = tpu.memref_slice %arg7[%dma_start3A_189, %dma_start3A_190] : memref<16x128xi32, #tpu.memory_space<vmem>> -> memref<1x128xi32, #tpu.memory_space<vmem>>
      %dma_start3A_192 = tpu.memref_squeeze %dma_start3A_191 : memref<1x128xi32, #tpu.memory_space<vmem>> -> memref<128xi32, #tpu.memory_space<vmem>>
      %dma_start3A_193 = arith.constant 0 : i32
      %dma_start3A_194 = arith.constant 0 : i32
      %dma_start3A_195 = tpu.memref_slice %arg4[%dma_start3A_193, %dma_start3A_194] : memref<10240x128xf32, #tpu.memory_space<hbm>> -> memref<10240x128xf32, #tpu.memory_space<hbm>>
      tpu.enqueue_indirect_dma source(%dma_start3A_195 : memref<10240x128xf32, #tpu.memory_space<hbm>>) target(%arg10 : memref<128x128xf32, #tpu.memory_space<vmem>>) offsets(%dma_start3A_192 : memref<128xi32, #tpu.memory_space<vmem>>) semaphore(%arg13 : memref<!tpu.dma_semaphore, #tpu.memory_space<semaphore_mem>>)
      %dma_wait3A_196 = arith.constant 10 : i32
      %dma_wait3A_197 = arith.constant 0 : i32
      %dma_wait3A_198 = tpu.memref_slice %arg7[%dma_wait3A_196, %dma_wait3A_197] : memref<16x128xi32, #tpu.memory_space<vmem>> -> memref<1x128xi32, #tpu.memory_space<vmem>>
      %dma_wait3A_199 = tpu.memref_squeeze %dma_wait3A_198 : memref<1x128xi32, #tpu.memory_space<vmem>> -> memref<128xi32, #tpu.memory_space<vmem>>
      %dma_wait3A_200 = arith.constant 0 : i32
      %dma_wait3A_201 = arith.constant 0 : i32
      %dma_wait3A_202 = tpu.memref_slice %arg4[%dma_wait3A_200, %dma_wait3A_201] : memref<10240x128xf32, #tpu.memory_space<hbm>> -> memref<10240x128xf32, #tpu.memory_space<hbm>>
      tpu.wait_indirect_dma semaphore(%arg12 : memref<!tpu.dma_semaphore, #tpu.memory_space<semaphore_mem>>) src(%dma_wait3A_202 : memref<10240x128xf32, #tpu.memory_space<hbm>>) dst(%arg9 : memref<128x128xf32, #tpu.memory_space<vmem>>)
      %run_scoped3A_203 = arith.constant 10 : i32
      "tpu.region"() ({
        %run_scoped3A_273 = tpu.sem_alloc : memref<!tpu.dma_semaphore, #tpu.memory_space<semaphore_mem>>
        %dma_start3A_274 = arith.constant 0 : i32
        %dma_start3A_275 = tpu.memref_slice %arg8[%run_scoped3A_203, %dma_start3A_274] : memref<16x128xi32, #tpu.memory_space<vmem>> -> memref<1x128xi32, #tpu.memory_space<vmem>>
        %dma_start3A_276 = tpu.memref_squeeze %dma_start3A_275 : memref<1x128xi32, #tpu.memory_space<vmem>> -> memref<128xi32, #tpu.memory_space<vmem>>
        %dma_start3A_277 = arith.constant 0 : i32
        %dma_start3A_278 = arith.constant 0 : i32
        %dma_start3A_279 = tpu.memref_slice %arg11[%dma_start3A_277, %dma_start3A_278] : memref<10240x128xf32, #tpu.memory_space<vmem_shared>> -> memref<10240x128xf32, #tpu.memory_space<vmem_shared>>
        tpu.enqueue_indirect_dma source(%arg9 : memref<128x128xf32, #tpu.memory_space<vmem>>) target(%dma_start3A_279 : memref<10240x128xf32, #tpu.memory_space<vmem_shared>>) offsets(%dma_start3A_276 : memref<128xi32, #tpu.memory_space<vmem>>) semaphore(%run_scoped3A_273 : memref<!tpu.dma_semaphore, #tpu.memory_space<semaphore_mem>>) {add = true}
        %dma_wait3A_280 = arith.constant 0 : i32
        %dma_wait3A_281 = tpu.memref_slice %arg8[%run_scoped3A_203, %dma_wait3A_280] : memref<16x128xi32, #tpu.memory_space<vmem>> -> memref<1x128xi32, #tpu.memory_space<vmem>>
        %dma_wait3A_282 = tpu.memref_squeeze %dma_wait3A_281 : memref<1x128xi32, #tpu.memory_space<vmem>> -> memref<128xi32, #tpu.memory_space<vmem>>
        %dma_wait3A_283 = arith.constant 0 : i32
        %dma_wait3A_284 = arith.constant 0 : i32
        %dma_wait3A_285 = tpu.memref_slice %arg11[%dma_wait3A_283, %dma_wait3A_284] : memref<10240x128xf32, #tpu.memory_space<vmem_shared>> -> memref<10240x128xf32, #tpu.memory_space<vmem_shared>>
        tpu.wait_indirect_dma semaphore(%run_scoped3A_273 : memref<!tpu.dma_semaphore, #tpu.memory_space<semaphore_mem>>) src(%arg9 : memref<128x128xf32, #tpu.memory_space<vmem>>) dst(%dma_wait3A_285 : memref<10240x128xf32, #tpu.memory_space<vmem_shared>>)
        tpu.yield
      }) : () -> ()
      %dma_start3A_204 = arith.constant 12 : i32
      %dma_start3A_205 = arith.constant 0 : i32
      %dma_start3A_206 = tpu.memref_slice %arg7[%dma_start3A_204, %dma_start3A_205] : memref<16x128xi32, #tpu.memory_space<vmem>> -> memref<1x128xi32, #tpu.memory_space<vmem>>
      %dma_start3A_207 = tpu.memref_squeeze %dma_start3A_206 : memref<1x128xi32, #tpu.memory_space<vmem>> -> memref<128xi32, #tpu.memory_space<vmem>>
      %dma_start3A_208 = arith.constant 0 : i32
      %dma_start3A_209 = arith.constant 0 : i32
      %dma_start3A_210 = tpu.memref_slice %arg4[%dma_start3A_208, %dma_start3A_209] : memref<10240x128xf32, #tpu.memory_space<hbm>> -> memref<10240x128xf32, #tpu.memory_space<hbm>>
      tpu.enqueue_indirect_dma source(%dma_start3A_210 : memref<10240x128xf32, #tpu.memory_space<hbm>>) target(%arg9 : memref<128x128xf32, #tpu.memory_space<vmem>>) offsets(%dma_start3A_207 : memref<128xi32, #tpu.memory_space<vmem>>) semaphore(%arg12 : memref<!tpu.dma_semaphore, #tpu.memory_space<semaphore_mem>>)
      %dma_wait3A_211 = arith.constant 11 : i32
      %dma_wait3A_212 = arith.constant 0 : i32
      %dma_wait3A_213 = tpu.memref_slice %arg7[%dma_wait3A_211, %dma_wait3A_212] : memref<16x128xi32, #tpu.memory_space<vmem>> -> memref<1x128xi32, #tpu.memory_space<vmem>>
      %dma_wait3A_214 = tpu.memref_squeeze %dma_wait3A_213 : memref<1x128xi32, #tpu.memory_space<vmem>> -> memref<128xi32, #tpu.memory_space<vmem>>
      %dma_wait3A_215 = arith.constant 0 : i32
      %dma_wait3A_216 = arith.constant 0 : i32
      %dma_wait3A_217 = tpu.memref_slice %arg4[%dma_wait3A_215, %dma_wait3A_216] : memref<10240x128xf32, #tpu.memory_space<hbm>> -> memref<10240x128xf32, #tpu.memory_space<hbm>>
      tpu.wait_indirect_dma semaphore(%arg13 : memref<!tpu.dma_semaphore, #tpu.memory_space<semaphore_mem>>) src(%dma_wait3A_217 : memref<10240x128xf32, #tpu.memory_space<hbm>>) dst(%arg10 : memref<128x128xf32, #tpu.memory_space<vmem>>)
      %run_scoped3A_218 = arith.constant 11 : i32
      "tpu.region"() ({
        %run_scoped3A_273 = tpu.sem_alloc : memref<!tpu.dma_semaphore, #tpu.memory_space<semaphore_mem>>
        %dma_start3A_274 = arith.constant 0 : i32
        %dma_start3A_275 = tpu.memref_slice %arg8[%run_scoped3A_218, %dma_start3A_274] : memref<16x128xi32, #tpu.memory_space<vmem>> -> memref<1x128xi32, #tpu.memory_space<vmem>>
        %dma_start3A_276 = tpu.memref_squeeze %dma_start3A_275 : memref<1x128xi32, #tpu.memory_space<vmem>> -> memref<128xi32, #tpu.memory_space<vmem>>
        %dma_start3A_277 = arith.constant 0 : i32
        %dma_start3A_278 = arith.constant 0 : i32
        %dma_start3A_279 = tpu.memref_slice %arg11[%dma_start3A_277, %dma_start3A_278] : memref<10240x128xf32, #tpu.memory_space<vmem_shared>> -> memref<10240x128xf32, #tpu.memory_space<vmem_shared>>
        tpu.enqueue_indirect_dma source(%arg10 : memref<128x128xf32, #tpu.memory_space<vmem>>) target(%dma_start3A_279 : memref<10240x128xf32, #tpu.memory_space<vmem_shared>>) offsets(%dma_start3A_276 : memref<128xi32, #tpu.memory_space<vmem>>) semaphore(%run_scoped3A_273 : memref<!tpu.dma_semaphore, #tpu.memory_space<semaphore_mem>>) {add = true}
        %dma_wait3A_280 = arith.constant 0 : i32
        %dma_wait3A_281 = tpu.memref_slice %arg8[%run_scoped3A_218, %dma_wait3A_280] : memref<16x128xi32, #tpu.memory_space<vmem>> -> memref<1x128xi32, #tpu.memory_space<vmem>>
        %dma_wait3A_282 = tpu.memref_squeeze %dma_wait3A_281 : memref<1x128xi32, #tpu.memory_space<vmem>> -> memref<128xi32, #tpu.memory_space<vmem>>
        %dma_wait3A_283 = arith.constant 0 : i32
        %dma_wait3A_284 = arith.constant 0 : i32
        %dma_wait3A_285 = tpu.memref_slice %arg11[%dma_wait3A_283, %dma_wait3A_284] : memref<10240x128xf32, #tpu.memory_space<vmem_shared>> -> memref<10240x128xf32, #tpu.memory_space<vmem_shared>>
        tpu.wait_indirect_dma semaphore(%run_scoped3A_273 : memref<!tpu.dma_semaphore, #tpu.memory_space<semaphore_mem>>) src(%arg10 : memref<128x128xf32, #tpu.memory_space<vmem>>) dst(%dma_wait3A_285 : memref<10240x128xf32, #tpu.memory_space<vmem_shared>>)
        tpu.yield
      }) : () -> ()
      %dma_start3A_219 = arith.constant 13 : i32
      %dma_start3A_220 = arith.constant 0 : i32
      %dma_start3A_221 = tpu.memref_slice %arg7[%dma_start3A_219, %dma_start3A_220] : memref<16x128xi32, #tpu.memory_space<vmem>> -> memref<1x128xi32, #tpu.memory_space<vmem>>
      %dma_start3A_222 = tpu.memref_squeeze %dma_start3A_221 : memref<1x128xi32, #tpu.memory_space<vmem>> -> memref<128xi32, #tpu.memory_space<vmem>>
      %dma_start3A_223 = arith.constant 0 : i32
      %dma_start3A_224 = arith.constant 0 : i32
      %dma_start3A_225 = tpu.memref_slice %arg4[%dma_start3A_223, %dma_start3A_224] : memref<10240x128xf32, #tpu.memory_space<hbm>> -> memref<10240x128xf32, #tpu.memory_space<hbm>>
      tpu.enqueue_indirect_dma source(%dma_start3A_225 : memref<10240x128xf32, #tpu.memory_space<hbm>>) target(%arg10 : memref<128x128xf32, #tpu.memory_space<vmem>>) offsets(%dma_start3A_222 : memref<128xi32, #tpu.memory_space<vmem>>) semaphore(%arg13 : memref<!tpu.dma_semaphore, #tpu.memory_space<semaphore_mem>>)
      %dma_wait3A_226 = arith.constant 12 : i32
      %dma_wait3A_227 = arith.constant 0 : i32
      %dma_wait3A_228 = tpu.memref_slice %arg7[%dma_wait3A_226, %dma_wait3A_227] : memref<16x128xi32, #tpu.memory_space<vmem>> -> memref<1x128xi32, #tpu.memory_space<vmem>>
      %dma_wait3A_229 = tpu.memref_squeeze %dma_wait3A_228 : memref<1x128xi32, #tpu.memory_space<vmem>> -> memref<128xi32, #tpu.memory_space<vmem>>
      %dma_wait3A_230 = arith.constant 0 : i32
      %dma_wait3A_231 = arith.constant 0 : i32
      %dma_wait3A_232 = tpu.memref_slice %arg4[%dma_wait3A_230, %dma_wait3A_231] : memref<10240x128xf32, #tpu.memory_space<hbm>> -> memref<10240x128xf32, #tpu.memory_space<hbm>>
      tpu.wait_indirect_dma semaphore(%arg12 : memref<!tpu.dma_semaphore, #tpu.memory_space<semaphore_mem>>) src(%dma_wait3A_232 : memref<10240x128xf32, #tpu.memory_space<hbm>>) dst(%arg9 : memref<128x128xf32, #tpu.memory_space<vmem>>)
      %run_scoped3A_233 = arith.constant 12 : i32
      "tpu.region"() ({
        %run_scoped3A_273 = tpu.sem_alloc : memref<!tpu.dma_semaphore, #tpu.memory_space<semaphore_mem>>
        %dma_start3A_274 = arith.constant 0 : i32
        %dma_start3A_275 = tpu.memref_slice %arg8[%run_scoped3A_233, %dma_start3A_274] : memref<16x128xi32, #tpu.memory_space<vmem>> -> memref<1x128xi32, #tpu.memory_space<vmem>>
        %dma_start3A_276 = tpu.memref_squeeze %dma_start3A_275 : memref<1x128xi32, #tpu.memory_space<vmem>> -> memref<128xi32, #tpu.memory_space<vmem>>
        %dma_start3A_277 = arith.constant 0 : i32
        %dma_start3A_278 = arith.constant 0 : i32
        %dma_start3A_279 = tpu.memref_slice %arg11[%dma_start3A_277, %dma_start3A_278] : memref<10240x128xf32, #tpu.memory_space<vmem_shared>> -> memref<10240x128xf32, #tpu.memory_space<vmem_shared>>
        tpu.enqueue_indirect_dma source(%arg9 : memref<128x128xf32, #tpu.memory_space<vmem>>) target(%dma_start3A_279 : memref<10240x128xf32, #tpu.memory_space<vmem_shared>>) offsets(%dma_start3A_276 : memref<128xi32, #tpu.memory_space<vmem>>) semaphore(%run_scoped3A_273 : memref<!tpu.dma_semaphore, #tpu.memory_space<semaphore_mem>>) {add = true}
        %dma_wait3A_280 = arith.constant 0 : i32
        %dma_wait3A_281 = tpu.memref_slice %arg8[%run_scoped3A_233, %dma_wait3A_280] : memref<16x128xi32, #tpu.memory_space<vmem>> -> memref<1x128xi32, #tpu.memory_space<vmem>>
        %dma_wait3A_282 = tpu.memref_squeeze %dma_wait3A_281 : memref<1x128xi32, #tpu.memory_space<vmem>> -> memref<128xi32, #tpu.memory_space<vmem>>
        %dma_wait3A_283 = arith.constant 0 : i32
        %dma_wait3A_284 = arith.constant 0 : i32
        %dma_wait3A_285 = tpu.memref_slice %arg11[%dma_wait3A_283, %dma_wait3A_284] : memref<10240x128xf32, #tpu.memory_space<vmem_shared>> -> memref<10240x128xf32, #tpu.memory_space<vmem_shared>>
        tpu.wait_indirect_dma semaphore(%run_scoped3A_273 : memref<!tpu.dma_semaphore, #tpu.memory_space<semaphore_mem>>) src(%arg9 : memref<128x128xf32, #tpu.memory_space<vmem>>) dst(%dma_wait3A_285 : memref<10240x128xf32, #tpu.memory_space<vmem_shared>>)
        tpu.yield
      }) : () -> ()
      %dma_start3A_234 = arith.constant 14 : i32
      %dma_start3A_235 = arith.constant 0 : i32
      %dma_start3A_236 = tpu.memref_slice %arg7[%dma_start3A_234, %dma_start3A_235] : memref<16x128xi32, #tpu.memory_space<vmem>> -> memref<1x128xi32, #tpu.memory_space<vmem>>
      %dma_start3A_237 = tpu.memref_squeeze %dma_start3A_236 : memref<1x128xi32, #tpu.memory_space<vmem>> -> memref<128xi32, #tpu.memory_space<vmem>>
      %dma_start3A_238 = arith.constant 0 : i32
      %dma_start3A_239 = arith.constant 0 : i32
      %dma_start3A_240 = tpu.memref_slice %arg4[%dma_start3A_238, %dma_start3A_239] : memref<10240x128xf32, #tpu.memory_space<hbm>> -> memref<10240x128xf32, #tpu.memory_space<hbm>>
      tpu.enqueue_indirect_dma source(%dma_start3A_240 : memref<10240x128xf32, #tpu.memory_space<hbm>>) target(%arg9 : memref<128x128xf32, #tpu.memory_space<vmem>>) offsets(%dma_start3A_237 : memref<128xi32, #tpu.memory_space<vmem>>) semaphore(%arg12 : memref<!tpu.dma_semaphore, #tpu.memory_space<semaphore_mem>>)
      %dma_wait3A_241 = arith.constant 13 : i32
      %dma_wait3A_242 = arith.constant 0 : i32
      %dma_wait3A_243 = tpu.memref_slice %arg7[%dma_wait3A_241, %dma_wait3A_242] : memref<16x128xi32, #tpu.memory_space<vmem>> -> memref<1x128xi32, #tpu.memory_space<vmem>>
      %dma_wait3A_244 = tpu.memref_squeeze %dma_wait3A_243 : memref<1x128xi32, #tpu.memory_space<vmem>> -> memref<128xi32, #tpu.memory_space<vmem>>
      %dma_wait3A_245 = arith.constant 0 : i32
      %dma_wait3A_246 = arith.constant 0 : i32
      %dma_wait3A_247 = tpu.memref_slice %arg4[%dma_wait3A_245, %dma_wait3A_246] : memref<10240x128xf32, #tpu.memory_space<hbm>> -> memref<10240x128xf32, #tpu.memory_space<hbm>>
      tpu.wait_indirect_dma semaphore(%arg13 : memref<!tpu.dma_semaphore, #tpu.memory_space<semaphore_mem>>) src(%dma_wait3A_247 : memref<10240x128xf32, #tpu.memory_space<hbm>>) dst(%arg10 : memref<128x128xf32, #tpu.memory_space<vmem>>)
      %run_scoped3A_248 = arith.constant 13 : i32
      "tpu.region"() ({
        %run_scoped3A_273 = tpu.sem_alloc : memref<!tpu.dma_semaphore, #tpu.memory_space<semaphore_mem>>
        %dma_start3A_274 = arith.constant 0 : i32
        %dma_start3A_275 = tpu.memref_slice %arg8[%run_scoped3A_248, %dma_start3A_274] : memref<16x128xi32, #tpu.memory_space<vmem>> -> memref<1x128xi32, #tpu.memory_space<vmem>>
        %dma_start3A_276 = tpu.memref_squeeze %dma_start3A_275 : memref<1x128xi32, #tpu.memory_space<vmem>> -> memref<128xi32, #tpu.memory_space<vmem>>
        %dma_start3A_277 = arith.constant 0 : i32
        %dma_start3A_278 = arith.constant 0 : i32
        %dma_start3A_279 = tpu.memref_slice %arg11[%dma_start3A_277, %dma_start3A_278] : memref<10240x128xf32, #tpu.memory_space<vmem_shared>> -> memref<10240x128xf32, #tpu.memory_space<vmem_shared>>
        tpu.enqueue_indirect_dma source(%arg10 : memref<128x128xf32, #tpu.memory_space<vmem>>) target(%dma_start3A_279 : memref<10240x128xf32, #tpu.memory_space<vmem_shared>>) offsets(%dma_start3A_276 : memref<128xi32, #tpu.memory_space<vmem>>) semaphore(%run_scoped3A_273 : memref<!tpu.dma_semaphore, #tpu.memory_space<semaphore_mem>>) {add = true}
        %dma_wait3A_280 = arith.constant 0 : i32
        %dma_wait3A_281 = tpu.memref_slice %arg8[%run_scoped3A_248, %dma_wait3A_280] : memref<16x128xi32, #tpu.memory_space<vmem>> -> memref<1x128xi32, #tpu.memory_space<vmem>>
        %dma_wait3A_282 = tpu.memref_squeeze %dma_wait3A_281 : memref<1x128xi32, #tpu.memory_space<vmem>> -> memref<128xi32, #tpu.memory_space<vmem>>
        %dma_wait3A_283 = arith.constant 0 : i32
        %dma_wait3A_284 = arith.constant 0 : i32
        %dma_wait3A_285 = tpu.memref_slice %arg11[%dma_wait3A_283, %dma_wait3A_284] : memref<10240x128xf32, #tpu.memory_space<vmem_shared>> -> memref<10240x128xf32, #tpu.memory_space<vmem_shared>>
        tpu.wait_indirect_dma semaphore(%run_scoped3A_273 : memref<!tpu.dma_semaphore, #tpu.memory_space<semaphore_mem>>) src(%arg10 : memref<128x128xf32, #tpu.memory_space<vmem>>) dst(%dma_wait3A_285 : memref<10240x128xf32, #tpu.memory_space<vmem_shared>>)
        tpu.yield
      }) : () -> ()
      %dma_start3A_249 = arith.constant 15 : i32
      %dma_start3A_250 = arith.constant 0 : i32
      %dma_start3A_251 = tpu.memref_slice %arg7[%dma_start3A_249, %dma_start3A_250] : memref<16x128xi32, #tpu.memory_space<vmem>> -> memref<1x128xi32, #tpu.memory_space<vmem>>
      %dma_start3A_252 = tpu.memref_squeeze %dma_start3A_251 : memref<1x128xi32, #tpu.memory_space<vmem>> -> memref<128xi32, #tpu.memory_space<vmem>>
      %dma_start3A_253 = arith.constant 0 : i32
      %dma_start3A_254 = arith.constant 0 : i32
      %dma_start3A_255 = tpu.memref_slice %arg4[%dma_start3A_253, %dma_start3A_254] : memref<10240x128xf32, #tpu.memory_space<hbm>> -> memref<10240x128xf32, #tpu.memory_space<hbm>>
      tpu.enqueue_indirect_dma source(%dma_start3A_255 : memref<10240x128xf32, #tpu.memory_space<hbm>>) target(%arg10 : memref<128x128xf32, #tpu.memory_space<vmem>>) offsets(%dma_start3A_252 : memref<128xi32, #tpu.memory_space<vmem>>) semaphore(%arg13 : memref<!tpu.dma_semaphore, #tpu.memory_space<semaphore_mem>>)
      %dma_wait3A_256 = arith.constant 14 : i32
      %dma_wait3A_257 = arith.constant 0 : i32
      %dma_wait3A_258 = tpu.memref_slice %arg7[%dma_wait3A_256, %dma_wait3A_257] : memref<16x128xi32, #tpu.memory_space<vmem>> -> memref<1x128xi32, #tpu.memory_space<vmem>>
      %dma_wait3A_259 = tpu.memref_squeeze %dma_wait3A_258 : memref<1x128xi32, #tpu.memory_space<vmem>> -> memref<128xi32, #tpu.memory_space<vmem>>
      %dma_wait3A_260 = arith.constant 0 : i32
      %dma_wait3A_261 = arith.constant 0 : i32
      %dma_wait3A_262 = tpu.memref_slice %arg4[%dma_wait3A_260, %dma_wait3A_261] : memref<10240x128xf32, #tpu.memory_space<hbm>> -> memref<10240x128xf32, #tpu.memory_space<hbm>>
      tpu.wait_indirect_dma semaphore(%arg12 : memref<!tpu.dma_semaphore, #tpu.memory_space<semaphore_mem>>) src(%dma_wait3A_262 : memref<10240x128xf32, #tpu.memory_space<hbm>>) dst(%arg9 : memref<128x128xf32, #tpu.memory_space<vmem>>)
      %run_scoped3A_263 = arith.constant 14 : i32
      "tpu.region"() ({
        %run_scoped3A_273 = tpu.sem_alloc : memref<!tpu.dma_semaphore, #tpu.memory_space<semaphore_mem>>
        %dma_start3A_274 = arith.constant 0 : i32
        %dma_start3A_275 = tpu.memref_slice %arg8[%run_scoped3A_263, %dma_start3A_274] : memref<16x128xi32, #tpu.memory_space<vmem>> -> memref<1x128xi32, #tpu.memory_space<vmem>>
        %dma_start3A_276 = tpu.memref_squeeze %dma_start3A_275 : memref<1x128xi32, #tpu.memory_space<vmem>> -> memref<128xi32, #tpu.memory_space<vmem>>
        %dma_start3A_277 = arith.constant 0 : i32
        %dma_start3A_278 = arith.constant 0 : i32
        %dma_start3A_279 = tpu.memref_slice %arg11[%dma_start3A_277, %dma_start3A_278] : memref<10240x128xf32, #tpu.memory_space<vmem_shared>> -> memref<10240x128xf32, #tpu.memory_space<vmem_shared>>
        tpu.enqueue_indirect_dma source(%arg9 : memref<128x128xf32, #tpu.memory_space<vmem>>) target(%dma_start3A_279 : memref<10240x128xf32, #tpu.memory_space<vmem_shared>>) offsets(%dma_start3A_276 : memref<128xi32, #tpu.memory_space<vmem>>) semaphore(%run_scoped3A_273 : memref<!tpu.dma_semaphore, #tpu.memory_space<semaphore_mem>>) {add = true}
        %dma_wait3A_280 = arith.constant 0 : i32
        %dma_wait3A_281 = tpu.memref_slice %arg8[%run_scoped3A_263, %dma_wait3A_280] : memref<16x128xi32, #tpu.memory_space<vmem>> -> memref<1x128xi32, #tpu.memory_space<vmem>>
        %dma_wait3A_282 = tpu.memref_squeeze %dma_wait3A_281 : memref<1x128xi32, #tpu.memory_space<vmem>> -> memref<128xi32, #tpu.memory_space<vmem>>
        %dma_wait3A_283 = arith.constant 0 : i32
        %dma_wait3A_284 = arith.constant 0 : i32
        %dma_wait3A_285 = tpu.memref_slice %arg11[%dma_wait3A_283, %dma_wait3A_284] : memref<10240x128xf32, #tpu.memory_space<vmem_shared>> -> memref<10240x128xf32, #tpu.memory_space<vmem_shared>>
        tpu.wait_indirect_dma semaphore(%run_scoped3A_273 : memref<!tpu.dma_semaphore, #tpu.memory_space<semaphore_mem>>) src(%arg9 : memref<128x128xf32, #tpu.memory_space<vmem>>) dst(%dma_wait3A_285 : memref<10240x128xf32, #tpu.memory_space<vmem_shared>>)
        tpu.yield
      }) : () -> ()
      %dma_wait3A_264 = arith.constant 15 : i32
      %dma_wait3A_265 = arith.constant 0 : i32
      %dma_wait3A_266 = tpu.memref_slice %arg7[%dma_wait3A_264, %dma_wait3A_265] : memref<16x128xi32, #tpu.memory_space<vmem>> -> memref<1x128xi32, #tpu.memory_space<vmem>>
      %dma_wait3A_267 = tpu.memref_squeeze %dma_wait3A_266 : memref<1x128xi32, #tpu.memory_space<vmem>> -> memref<128xi32, #tpu.memory_space<vmem>>
      %dma_wait3A_268 = arith.constant 0 : i32
      %dma_wait3A_269 = arith.constant 0 : i32
      %dma_wait3A_270 = tpu.memref_slice %arg4[%dma_wait3A_268, %dma_wait3A_269] : memref<10240x128xf32, #tpu.memory_space<hbm>> -> memref<10240x128xf32, #tpu.memory_space<hbm>>
      tpu.wait_indirect_dma semaphore(%arg13 : memref<!tpu.dma_semaphore, #tpu.memory_space<semaphore_mem>>) src(%dma_wait3A_270 : memref<10240x128xf32, #tpu.memory_space<hbm>>) dst(%arg10 : memref<128x128xf32, #tpu.memory_space<vmem>>)
      %run_scoped3A_271 = arith.constant 15 : i32
      "tpu.region"() ({
        %run_scoped3A_273 = tpu.sem_alloc : memref<!tpu.dma_semaphore, #tpu.memory_space<semaphore_mem>>
        %dma_start3A_274 = arith.constant 0 : i32
        %dma_start3A_275 = tpu.memref_slice %arg8[%run_scoped3A_271, %dma_start3A_274] : memref<16x128xi32, #tpu.memory_space<vmem>> -> memref<1x128xi32, #tpu.memory_space<vmem>>
        %dma_start3A_276 = tpu.memref_squeeze %dma_start3A_275 : memref<1x128xi32, #tpu.memory_space<vmem>> -> memref<128xi32, #tpu.memory_space<vmem>>
        %dma_start3A_277 = arith.constant 0 : i32
        %dma_start3A_278 = arith.constant 0 : i32
        %dma_start3A_279 = tpu.memref_slice %arg11[%dma_start3A_277, %dma_start3A_278] : memref<10240x128xf32, #tpu.memory_space<vmem_shared>> -> memref<10240x128xf32, #tpu.memory_space<vmem_shared>>
        tpu.enqueue_indirect_dma source(%arg10 : memref<128x128xf32, #tpu.memory_space<vmem>>) target(%dma_start3A_279 : memref<10240x128xf32, #tpu.memory_space<vmem_shared>>) offsets(%dma_start3A_276 : memref<128xi32, #tpu.memory_space<vmem>>) semaphore(%run_scoped3A_273 : memref<!tpu.dma_semaphore, #tpu.memory_space<semaphore_mem>>) {add = true}
        %dma_wait3A_280 = arith.constant 0 : i32
        %dma_wait3A_281 = tpu.memref_slice %arg8[%run_scoped3A_271, %dma_wait3A_280] : memref<16x128xi32, #tpu.memory_space<vmem>> -> memref<1x128xi32, #tpu.memory_space<vmem>>
        %dma_wait3A_282 = tpu.memref_squeeze %dma_wait3A_281 : memref<1x128xi32, #tpu.memory_space<vmem>> -> memref<128xi32, #tpu.memory_space<vmem>>
        %dma_wait3A_283 = arith.constant 0 : i32
        %dma_wait3A_284 = arith.constant 0 : i32
        %dma_wait3A_285 = tpu.memref_slice %arg11[%dma_wait3A_283, %dma_wait3A_284] : memref<10240x128xf32, #tpu.memory_space<vmem_shared>> -> memref<10240x128xf32, #tpu.memory_space<vmem_shared>>
        tpu.wait_indirect_dma semaphore(%run_scoped3A_273 : memref<!tpu.dma_semaphore, #tpu.memory_space<semaphore_mem>>) src(%arg10 : memref<128x128xf32, #tpu.memory_space<vmem>>) dst(%dma_wait3A_285 : memref<10240x128xf32, #tpu.memory_space<vmem_shared>>)
        tpu.yield
      }) : () -> ()
      %while3A_272 = arith.constant 0 : i32
      scf.yield %while3A_272 : i32
    }
    %barrier3A_22 = arith.constant 0 : index
    tpu.barrier barrier_id(%barrier3A_22)
    %mul3A_23 = arith.constant 640 : i32
    %mul3A_24 = arith.muli %arg1, %mul3A_23 : i32
    %mul3A_25 = arith.constant 640 : i32
    %mul3A_26 = arith.muli %arg1, %mul3A_25 : i32
    "tpu.region"() ({
      %run_scoped3A = tpu.sem_alloc : memref<!tpu.dma_semaphore, #tpu.memory_space<semaphore_mem>>
      %dma_start3A = arith.constant 0 : i32
      %dma_start3A_27 = tpu.memref_slice %arg6[%arg0, %mul3A_26, %dma_start3A] : memref<2x10240x128xf32, #tpu.memory_space<hbm>> -> memref<1x640x128xf32, #tpu.memory_space<hbm>>
      %dma_start3A_28 = tpu.memref_squeeze %dma_start3A_27 : memref<1x640x128xf32, #tpu.memory_space<hbm>> -> memref<640x128xf32, #tpu.memory_space<hbm>>
      %dma_start3A_29 = arith.constant 0 : i32
      %dma_start3A_30 = tpu.memref_slice %arg11[%mul3A_24, %dma_start3A_29] : memref<10240x128xf32, #tpu.memory_space<vmem_shared>> -> memref<640x128xf32, #tpu.memory_space<vmem_shared>>
      tpu.enqueue_dma source(%dma_start3A_30 : memref<640x128xf32, #tpu.memory_space<vmem_shared>>) target(%dma_start3A_28 : memref<640x128xf32, #tpu.memory_space<hbm>>) target_semaphore(%run_scoped3A : memref<!tpu.dma_semaphore, #tpu.memory_space<semaphore_mem>>)
      %dma_wait3A = arith.constant 0 : i32
      %dma_wait3A_31 = tpu.memref_slice %arg6[%arg0, %mul3A_26, %dma_wait3A] : memref<2x10240x128xf32, #tpu.memory_space<hbm>> -> memref<1x640x128xf32, #tpu.memory_space<hbm>>
      %dma_wait3A_32 = tpu.memref_squeeze %dma_wait3A_31 : memref<1x640x128xf32, #tpu.memory_space<hbm>> -> memref<640x128xf32, #tpu.memory_space<hbm>>
      %dma_wait3A_33 = arith.constant 0 : i32
      %dma_wait3A_34 = tpu.memref_slice %arg11[%mul3A_24, %dma_wait3A_33] : memref<10240x128xf32, #tpu.memory_space<vmem_shared>> -> memref<640x128xf32, #tpu.memory_space<vmem_shared>>
      tpu.wait_dma2 semaphore(%run_scoped3A : memref<!tpu.dma_semaphore, #tpu.memory_space<semaphore_mem>>) src(%dma_wait3A_34 : memref<640x128xf32, #tpu.memory_space<vmem_shared>>) dst(%dma_wait3A_32 : memref<640x128xf32, #tpu.memory_space<hbm>>)
      tpu.yield
    }) : () -> ()
    return
  }
}

module attributes {stable_mosaic.version = 14 : i64} {
  func.func @body(%arg0: memref<32x10240xf32, #tpu.memory_space<vmem>>, %arg1: memref<1x10240xf32, #tpu.memory_space<vmem>>, %arg2: memref<1x10240xf32, #tpu.memory_space<vmem>>, %arg3: memref<1x10240xf32, #tpu.memory_space<vmem>>) attributes {dimension_semantics = [], scalar_prefetch = 0 : i64, scratch_operands = 0 : i64, tpu.core_type = #tpu.core_type<tc>} {
    %get3A = arith.constant 0 : index
    %get3A_0 = arith.constant 0 : index
    %get3A_1 = vector.load %arg0[%get3A, %get3A_0] : memref<32x10240xf32, #tpu.memory_space<vmem>>, vector<32x10240xf32>
    %reduce_sum3A = arith.constant dense<0.000000e+00> : vector<10240xf32>
    %reduce_sum3A_2 = vector.multi_reduction <add>, %get3A_1, %reduce_sum3A [0] : vector<32x10240xf32> to vector<10240xf32>
    %broadcast_in_dim3A = vector.shape_cast %reduce_sum3A_2 : vector<10240xf32> to vector<1x10240xf32>
    %add3A = arith.constant 1.000000e+00 : f32
    %add3A_3 = vector.broadcast %add3A : f32 to vector<1x10240xf32>
    %add3A_4 = arith.addf %broadcast_in_dim3A, %add3A_3 : vector<1x10240xf32>
    %iota3A = tpu.iota {dimensions = array<i32: 1>} : vector<1x10240xi32>
    %lt3A = arith.constant 10000 : i32
    %lt3A_5 = vector.broadcast %lt3A : i32 to vector<1x10240xi32>
    %lt3A_6 = arith.cmpi slt, %iota3A, %lt3A_5 : vector<1x10240xi32>
    %rsqrt3A = math.rsqrt %add3A_4 : vector<1x10240xf32>
    %jit3A = arith.constant 0.000000e+00 : f32
    %broadcast_in_dim3A_7 = vector.broadcast %jit3A : f32 to vector<1x10240xf32>
    %select_n3A = arith.select %lt3A_6, %rsqrt3A, %broadcast_in_dim3A_7 : vector<1x10240xi1>, vector<1x10240xf32>
    %swap3A = arith.constant 0 : index
    %swap3A_8 = arith.constant 0 : index
    %swap3A_9 = vector.load %arg2[%swap3A, %swap3A_8] : memref<1x10240xf32, #tpu.memory_space<vmem>>, vector<1x10240xf32>
    tpu.vector_store %arg2[%swap3A, %swap3A_8], %select_n3A {strides = array<i32>} : memref<1x10240xf32, #tpu.memory_space<vmem>>, vector<1x10240xf32>,
    %get3A_10 = arith.constant 0 : index
    %get3A_11 = arith.constant 0 : index
    %get3A_12 = vector.load %arg1[%get3A_10, %get3A_11] : memref<1x10240xf32, #tpu.memory_space<vmem>>, vector<1x10240xf32>
    %mul3A = arith.mulf %select_n3A, %get3A_12 : vector<1x10240xf32>
    %swap3A_13 = arith.constant 0 : index
    %swap3A_14 = arith.constant 0 : index
    %swap3A_15 = vector.load %arg3[%swap3A_13, %swap3A_14] : memref<1x10240xf32, #tpu.memory_space<vmem>>, vector<1x10240xf32>
    tpu.vector_store %arg3[%swap3A_13, %swap3A_14], %mul3A {strides = array<i32>} : memref<1x10240xf32, #tpu.memory_space<vmem>>, vector<1x10240xf32>,
    return
  }
}

module attributes {stable_mosaic.version = 14 : i64} {
  func.func @body(%arg0: i32, %arg1: memref<32x2048xf32, #tpu.memory_space<vmem>>, %arg2: memref<32x2048xf32, #tpu.memory_space<vmem>>, %arg3: memref<1x2048xf32, #tpu.memory_space<vmem>>, %arg4: memref<1x2048xf32, #tpu.memory_space<vmem>>, %arg5: memref<1x256xf32, #tpu.memory_space<vmem>>, %arg6: memref<256xf32, #tpu.memory_space<vmem>>, %arg7: memref<256x128xf32, #tpu.memory_space<vmem>>, %arg8: memref<2048x128xf32, #tpu.memory_space<vmem>>, %arg9: memref<1x2048xf32, #tpu.memory_space<vmem>>) attributes {dimension_semantics = [#tpu.dimension_semantics<arbitrary>], iteration_bounds = array<i64: 5>, scalar_prefetch = 0 : i64, scratch_operands = 0 : i64, tpu.core_type = #tpu.core_type<tc>, window_params = [{transform_indices = @transform_0, window_bounds = array<i64: 32, 2048>}, {transform_indices = @transform_1, window_bounds = array<i64: 32, 2048>}, {transform_indices = @transform_2, window_bounds = array<i64: 1, 2048>}, {transform_indices = @transform_3, window_bounds = array<i64: 1, 2048>}, {pipeline_mode = #tpu.pipeline_mode<synchronous>, transform_indices = @transform_4, window_bounds = array<i64: 1, 256>}, {pipeline_mode = #tpu.pipeline_mode<synchronous>, transform_indices = @transform_5, window_bounds = array<i64: 256>}, {pipeline_mode = #tpu.pipeline_mode<synchronous>, transform_indices = @transform_6, window_bounds = array<i64: 256, 128>}, {transform_indices = @transform_7, window_bounds = array<i64: 2048, 128>}, {transform_indices = @transform_8, window_bounds = array<i64: 1, 2048>}]} {
    %get3A = arith.constant 0 : index
    %get3A_0 = arith.constant 0 : index
    %get3A_1 = vector.load %arg4[%get3A, %get3A_0] : memref<1x2048xf32, #tpu.memory_space<vmem>>, vector<1x2048xf32>
    %get3A_2 = vector.shape_cast %get3A_1 : vector<1x2048xf32> to vector<2048xf32>
    %get3A_3 = arith.constant 0 : index
    %get3A_4 = arith.constant 0 : index
    %get3A_5 = vector.load %arg1[%get3A_3, %get3A_4] : memref<32x2048xf32, #tpu.memory_space<vmem>>, vector<32x2048xf32>
    %reduce_sum3A = arith.constant dense<0.000000e+00> : vector<2048xf32>
    %reduce_sum3A_6 = vector.multi_reduction <add>, %get3A_5, %reduce_sum3A [0] : vector<32x2048xf32> to vector<2048xf32>
    %get3A_7 = arith.constant 0 : index
    %get3A_8 = arith.constant 0 : index
    %get3A_9 = vector.load %arg3[%get3A_7, %get3A_8] : memref<1x2048xf32, #tpu.memory_space<vmem>>, vector<1x2048xf32>
    %get3A_10 = vector.shape_cast %get3A_9 : vector<1x2048xf32> to vector<2048xf32>
    %add3A = arith.addf %reduce_sum3A_6, %get3A_10 : vector<2048xf32>
    %mul3A = arith.mulf %get3A_2, %add3A : vector<2048xf32>
    %get3A_11 = arith.constant 0 : index
    %get3A_12 = arith.constant 0 : index
    %get3A_13 = vector.load %arg2[%get3A_11, %get3A_12] : memref<32x2048xf32, #tpu.memory_space<vmem>>, vector<32x2048xf32>
    %reduce_sum3A_14 = arith.constant dense<0.000000e+00> : vector<2048xf32>
    %reduce_sum3A_15 = vector.multi_reduction <add>, %get3A_13, %reduce_sum3A_14 [0] : vector<32x2048xf32> to vector<2048xf32>
    %add3A_16 = arith.addf %reduce_sum3A_15, %get3A_2 : vector<2048xf32>
    %mul3A_17 = arith.mulf %get3A_2, %add3A_16 : vector<2048xf32>
    %broadcast_in_dim3A = vector.shape_cast %mul3A_17 : vector<2048xf32> to vector<1x2048xf32>
    %swap3A = arith.constant 0 : index
    %swap3A_18 = arith.constant 0 : index
    %swap3A_19 = vector.load %arg9[%swap3A, %swap3A_18] : memref<1x2048xf32, #tpu.memory_space<vmem>>, vector<1x2048xf32>
    tpu.vector_store %arg9[%swap3A, %swap3A_18], %broadcast_in_dim3A {strides = array<i32>} : memref<1x2048xf32, #tpu.memory_space<vmem>>, vector<1x2048xf32>,
    %broadcast_in_dim3A_20 = vector.shape_cast %mul3A : vector<2048xf32> to vector<2048x1xf32>
    %get3A_21 = arith.constant 0 : index
    %get3A_22 = arith.constant 0 : index
    %get3A_23 = vector.load %arg5[%get3A_21, %get3A_22] : memref<1x256xf32, #tpu.memory_space<vmem>>, vector<1x256xf32>
    %mul3A_24 = vector.broadcast %broadcast_in_dim3A_20 : vector<2048x1xf32> to vector<2048x256xf32>
    %mul3A_25 = vector.broadcast %get3A_23 : vector<1x256xf32> to vector<2048x256xf32>
    %mul3A_26 = arith.mulf %mul3A_24, %mul3A_25 : vector<2048x256xf32>
    %get3A_27 = arith.constant 0 : index
    %get3A_28 = vector.load %arg6[%get3A_27] : memref<256xf32, #tpu.memory_space<vmem>>, vector<256xf32>
    %broadcast_in_dim3A_29 = vector.shape_cast %get3A_28 : vector<256xf32> to vector<1x256xf32>
    %add3A_30 = vector.broadcast %broadcast_in_dim3A_29 : vector<1x256xf32> to vector<2048x256xf32>
    %add3A_31 = arith.addf %mul3A_26, %add3A_30 : vector<2048x256xf32>
    %gt3A = arith.constant 0.000000e+00 : f32
    %gt3A_32 = vector.broadcast %gt3A : f32 to vector<2048x256xf32>
    %gt3A_33 = arith.cmpf ogt, %add3A_31, %gt3A_32 : vector<2048x256xf32>
    %mul3A_34 = arith.constant 1.000000e-01 : f32
    %mul3A_35 = vector.broadcast %mul3A_34 : f32 to vector<2048x256xf32>
    %mul3A_36 = arith.mulf %mul3A_35, %add3A_31 : vector<2048x256xf32>
    %select_n3A = arith.select %gt3A_33, %add3A_31, %mul3A_36 : vector<2048x256xi1>, vector<2048x256xf32>
    %get3A_37 = arith.constant 0 : index
    %get3A_38 = arith.constant 0 : index
    %get3A_39 = vector.load %arg7[%get3A_37, %get3A_38] : memref<256x128xf32, #tpu.memory_space<vmem>>, vector<256x128xf32>
    %dot_general3A = arith.constant dense<0.000000e+00> : vector<2048x128xf32>
    %dot_general3A_40 = tpu.matmul %select_n3A, %get3A_39, %dot_general3A {dimension_numbers = #tpu.dot_dimension_numbers<[1], [0], [0], [1], [0, 0, 1, 1], [], []>, precision = #tpu.contract_precision<fp32>, transpose_lhs_hint = false} : vector<2048x256xf32>, vector<256x128xf32>, vector<2048x128xf32> -> vector<2048x128xf32>
    %broadcast_in_dim3A_41 = vector.shape_cast %get3A_2 : vector<2048xf32> to vector<2048x1xf32>
    %mul3A_42 = vector.broadcast %broadcast_in_dim3A_41 : vector<2048x1xf32> to vector<2048x128xf32>
    %mul3A_43 = arith.mulf %dot_general3A_40, %mul3A_42 : vector<2048x128xf32>
    %swap3A_44 = arith.constant 0 : index
    %swap3A_45 = arith.constant 0 : index
    %swap3A_46 = vector.load %arg8[%swap3A_44, %swap3A_45] : memref<2048x128xf32, #tpu.memory_space<vmem>>, vector<2048x128xf32>
    tpu.vector_store %arg8[%swap3A_44, %swap3A_45], %mul3A_43 {strides = array<i32>} : memref<2048x128xf32, #tpu.memory_space<vmem>>, vector<2048x128xf32>,
    return
  }
  func.func @transform_0(%arg0: i32) -> (i32, i32) {
    %c0_i32 = arith.constant 0 : i32
    %c0_i32_0 = arith.constant 0 : i32
    return %c0_i32, %arg0 : i32, i32
  }
  func.func @transform_1(%arg0: i32) -> (i32, i32) {
    %c0_i32 = arith.constant 0 : i32
    %c0_i32_0 = arith.constant 0 : i32
    return %c0_i32, %arg0 : i32, i32
  }
  func.func @transform_2(%arg0: i32) -> (i32, i32) {
    %c0_i32 = arith.constant 0 : i32
    %c0_i32_0 = arith.constant 0 : i32
    return %c0_i32, %arg0 : i32, i32
  }
  func.func @transform_3(%arg0: i32) -> (i32, i32) {
    %c0_i32 = arith.constant 0 : i32
    %c0_i32_0 = arith.constant 0 : i32
    return %c0_i32, %arg0 : i32, i32
  }
  func.func @transform_4(%arg0: i32) -> (i32, i32) {
    %c0_i32 = arith.constant 0 : i32
    %c0_i32_0 = arith.constant 0 : i32
    %c0_i32_1 = arith.constant 0 : i32
    return %c0_i32, %c0_i32_0 : i32, i32
  }
  func.func @transform_5(%arg0: i32) -> i32 {
    %c0_i32 = arith.constant 0 : i32
    %c0_i32_0 = arith.constant 0 : i32
    return %c0_i32 : i32
  }
  func.func @transform_6(%arg0: i32) -> (i32, i32) {
    %c0_i32 = arith.constant 0 : i32
    %c0_i32_0 = arith.constant 0 : i32
    %c0_i32_1 = arith.constant 0 : i32
    return %c0_i32, %c0_i32_0 : i32, i32
  }
  func.func @transform_7(%arg0: i32) -> (i32, i32) {
    %c0_i32 = arith.constant 0 : i32
    %c0_i32_0 = arith.constant 0 : i32
    return %arg0, %c0_i32 : i32, i32
  }
  func.func @transform_8(%arg0: i32) -> (i32, i32) {
    %c0_i32 = arith.constant 0 : i32
    %c0_i32_0 = arith.constant 0 : i32
    return %c0_i32, %arg0 : i32, i32
  }
}

module attributes {stable_mosaic.version = 14 : i64} {
  func.func @body(%arg0: i32, %arg1: memref<2x2048x128xf32, #tpu.memory_space<vmem>>, %arg2: memref<2048x128xf32, #tpu.memory_space<vmem>>, %arg3: memref<1x2048xf32, #tpu.memory_space<vmem>>, %arg4: memref<1x2048xf32, #tpu.memory_space<vmem>>, %arg5: memref<128xf32, #tpu.memory_space<vmem>>, %arg6: memref<128x20xf32, #tpu.memory_space<vmem>>, %arg7: memref<20xf32, #tpu.memory_space<vmem>>, %arg8: memref<20x256xf32, #tpu.memory_space<vmem>>, %arg9: memref<256xf32, #tpu.memory_space<vmem>>, %arg10: memref<256x128xf32, #tpu.memory_space<vmem>>, %arg11: memref<128xf32, #tpu.memory_space<vmem>>, %arg12: memref<128x1xf32, #tpu.memory_space<vmem>>, %arg13: memref<1xf32, #tpu.memory_space<vmem>>, %arg14: memref<1x1xf32, #tpu.memory_space<vmem>>, %arg15: memref<1x128xf32, #tpu.memory_space<vmem>>) attributes {dimension_semantics = [#tpu.dimension_semantics<arbitrary>], iteration_bounds = array<i64: 5>, scalar_prefetch = 0 : i64, scratch_operands = 1 : i64, tpu.core_type = #tpu.core_type<tc>, window_params = [{transform_indices = @transform_0, window_bounds = array<i64: 2, 2048, 128>}, {transform_indices = @transform_1, window_bounds = array<i64: 2048, 128>}, {transform_indices = @transform_2, window_bounds = array<i64: 1, 2048>}, {transform_indices = @transform_3, window_bounds = array<i64: 1, 2048>}, {pipeline_mode = #tpu.pipeline_mode<synchronous>, transform_indices = @transform_4, window_bounds = array<i64: 128>}, {pipeline_mode = #tpu.pipeline_mode<synchronous>, transform_indices = @transform_5, window_bounds = array<i64: 128, 20>}, {pipeline_mode = #tpu.pipeline_mode<synchronous>, transform_indices = @transform_6, window_bounds = array<i64: 20>}, {pipeline_mode = #tpu.pipeline_mode<synchronous>, transform_indices = @transform_7, window_bounds = array<i64: 20, 256>}, {pipeline_mode = #tpu.pipeline_mode<synchronous>, transform_indices = @transform_8, window_bounds = array<i64: 256>}, {pipeline_mode = #tpu.pipeline_mode<synchronous>, transform_indices = @transform_9, window_bounds = array<i64: 256, 128>}, {pipeline_mode = #tpu.pipeline_mode<synchronous>, transform_indices = @transform_10, window_bounds = array<i64: 128>}, {pipeline_mode = #tpu.pipeline_mode<synchronous>, transform_indices = @transform_11, window_bounds = array<i64: 128, 1>}, {pipeline_mode = #tpu.pipeline_mode<synchronous>, transform_indices = @transform_12, window_bounds = array<i64: 1>}, {pipeline_mode = #tpu.pipeline_mode<synchronous>, transform_indices = @transform_13, window_bounds = array<i64: 1, 1>}]} {
    %eq3A = arith.constant 0 : i32
    %eq3A_0 = arith.cmpi eq, %arg0, %eq3A : i32
    %convert_element_type3A = arith.extui %eq3A_0 : i1 to i32
    %cond3A = arith.constant 0 : i32
    %cond3A_1 = arith.cmpi ne, %convert_element_type3A, %cond3A : i32
    scf.if %cond3A_1 {
      %broadcast_in_dim3A_45 = arith.constant 0.000000e+00 : f32
      %broadcast_in_dim3A_46 = vector.broadcast %broadcast_in_dim3A_45 : f32 to vector<1x128xf32>
      %swap3A_47 = arith.constant 0 : index
      %swap3A_48 = arith.constant 0 : index
      %swap3A_49 = vector.load %arg15[%swap3A_47, %swap3A_48] : memref<1x128xf32, #tpu.memory_space<vmem>>, vector<1x128xf32>
      tpu.vector_store %arg15[%swap3A_47, %swap3A_48], %broadcast_in_dim3A_46 {strides = array<i32>} : memref<1x128xf32, #tpu.memory_space<vmem>>, vector<1x128xf32>,
    } else {
    }
    %get3A = arith.constant 0 : index
    %get3A_2 = arith.constant 0 : index
    %get3A_3 = vector.load %arg3[%get3A, %get3A_2] : memref<1x2048xf32, #tpu.memory_space<vmem>>, vector<1x2048xf32>
    %get3A_4 = vector.shape_cast %get3A_3 : vector<1x2048xf32> to vector<2048xf32>
    %broadcast_in_dim3A = vector.shape_cast %get3A_4 : vector<2048xf32> to vector<2048x1xf32>
    %get3A_5 = arith.constant 0 : index
    %get3A_6 = arith.constant 0 : index
    %get3A_7 = arith.constant 0 : index
    %get3A_8 = vector.load %arg1[%get3A_5, %get3A_6, %get3A_7] : memref<2x2048x128xf32, #tpu.memory_space<vmem>>, vector<1x2048x128xf32>
    %get3A_9 = vector.shape_cast %get3A_8 : vector<1x2048x128xf32> to vector<2048x128xf32>
    %get3A_10 = arith.constant 1 : index
    %get3A_11 = arith.constant 0 : index
    %get3A_12 = arith.constant 0 : index
    %get3A_13 = vector.load %arg1[%get3A_10, %get3A_11, %get3A_12] : memref<2x2048x128xf32, #tpu.memory_space<vmem>>, vector<1x2048x128xf32>
    %get3A_14 = vector.shape_cast %get3A_13 : vector<1x2048x128xf32> to vector<2048x128xf32>
    %add3A = arith.addf %get3A_9, %get3A_14 : vector<2048x128xf32>
    %get3A_15 = arith.constant 0 : index
    %get3A_16 = arith.constant 0 : index
    %get3A_17 = vector.load %arg2[%get3A_15, %get3A_16] : memref<2048x128xf32, #tpu.memory_space<vmem>>, vector<2048x128xf32>
    %add3A_18 = arith.addf %add3A, %get3A_17 : vector<2048x128xf32>
    %mul3A = vector.broadcast %broadcast_in_dim3A : vector<2048x1xf32> to vector<2048x128xf32>
    %mul3A_19 = arith.mulf %mul3A, %add3A_18 : vector<2048x128xf32>
    %get3A_20 = arith.constant 0 : index
    %get3A_21 = vector.load %arg5[%get3A_20] : memref<128xf32, #tpu.memory_space<vmem>>, vector<128xf32>
    %broadcast_in_dim3A_22 = vector.shape_cast %get3A_21 : vector<128xf32> to vector<1x128xf32>
    %add3A_23 = vector.broadcast %broadcast_in_dim3A_22 : vector<1x128xf32> to vector<2048x128xf32>
    %add3A_24 = arith.addf %mul3A_19, %add3A_23 : vector<2048x128xf32>
    %gt3A = arith.constant 0.000000e+00 : f32
    %gt3A_25 = vector.broadcast %gt3A : f32 to vector<2048x128xf32>
    %gt3A_26 = arith.cmpf ogt, %add3A_24, %gt3A_25 : vector<2048x128xf32>
    %mul3A_27 = arith.constant 1.000000e-01 : f32
    %mul3A_28 = vector.broadcast %mul3A_27 : f32 to vector<2048x128xf32>
    %mul3A_29 = arith.mulf %mul3A_28, %add3A_24 : vector<2048x128xf32>
    %select_n3A = arith.select %gt3A_26, %add3A_24, %mul3A_29 : vector<2048x128xi1>, vector<2048x128xf32>
    %get3A_30 = arith.constant 0 : index
    %get3A_31 = arith.constant 0 : index
    %get3A_32 = vector.load %arg15[%get3A_30, %get3A_31] : memref<1x128xf32, #tpu.memory_space<vmem>>, vector<1x128xf32>
    %get3A_33 = arith.constant 0 : index
    %get3A_34 = arith.constant 0 : index
    %get3A_35 = vector.load %arg4[%get3A_33, %get3A_34] : memref<1x2048xf32, #tpu.memory_space<vmem>>, vector<1x2048xf32>
    %dot_general3A = arith.constant dense<0.000000e+00> : vector<1x128xf32>
    %dot_general3A_36 = tpu.matmul %get3A_35, %select_n3A, %dot_general3A {dimension_numbers = #tpu.dot_dimension_numbers<[1], [0], [0], [1], [0, 0, 1, 1], [], []>, precision = #tpu.contract_precision<fp32>, transpose_lhs_hint = false} : vector<1x2048xf32>, vector<2048x128xf32>, vector<1x128xf32> -> vector<1x128xf32>
    %add3A_37 = arith.addf %get3A_32, %dot_general3A_36 : vector<1x128xf32>
    %swap3A = arith.constant 0 : index
    %swap3A_38 = arith.constant 0 : index
    %swap3A_39 = vector.load %arg15[%swap3A, %swap3A_38] : memref<1x128xf32, #tpu.memory_space<vmem>>, vector<1x128xf32>
    tpu.vector_store %arg15[%swap3A, %swap3A_38], %add3A_37 {strides = array<i32>} : memref<1x128xf32, #tpu.memory_space<vmem>>, vector<1x128xf32>,
    %eq3A_40 = arith.constant 4 : i32
    %eq3A_41 = arith.cmpi eq, %arg0, %eq3A_40 : i32
    %convert_element_type3A_42 = arith.extui %eq3A_41 : i1 to i32
    %cond3A_43 = arith.constant 0 : i32
    %cond3A_44 = arith.cmpi ne, %convert_element_type3A_42, %cond3A_43 : i32
    scf.if %cond3A_44 {
      %get3A_45 = arith.constant 0 : index
      %get3A_46 = arith.constant 0 : index
      %get3A_47 = vector.load %arg15[%get3A_45, %get3A_46] : memref<1x128xf32, #tpu.memory_space<vmem>>, vector<1x128xf32>
      %div3A = arith.constant 1.000000e+04 : f32
      %div3A_48 = vector.broadcast %div3A : f32 to vector<1x128xf32>
      %div3A_49 = arith.divf %get3A_47, %div3A_48 : vector<1x128xf32>
      %get3A_50 = arith.constant 0 : index
      %get3A_51 = arith.constant 0 : index
      %get3A_52 = vector.load %arg6[%get3A_50, %get3A_51] : memref<128x20xf32, #tpu.memory_space<vmem>>, vector<128x20xf32>
      %dot_general3A_53 = arith.constant dense<0.000000e+00> : vector<1x20xf32>
      %dot_general3A_54 = tpu.matmul %div3A_49, %get3A_52, %dot_general3A_53 {dimension_numbers = #tpu.dot_dimension_numbers<[1], [0], [0], [1], [0, 0, 1, 1], [], []>, precision = #tpu.contract_precision<fp32>, transpose_lhs_hint = false} : vector<1x128xf32>, vector<128x20xf32>, vector<1x20xf32> -> vector<1x20xf32>
      %get3A_55 = arith.constant 0 : index
      %get3A_56 = vector.load %arg7[%get3A_55] : memref<20xf32, #tpu.memory_space<vmem>>, vector<20xf32>
      %broadcast_in_dim3A_57 = vector.shape_cast %get3A_56 : vector<20xf32> to vector<1x20xf32>
      %add3A_58 = arith.addf %dot_general3A_54, %broadcast_in_dim3A_57 : vector<1x20xf32>
      %get3A_59 = arith.constant 0 : index
      %get3A_60 = arith.constant 0 : index
      %get3A_61 = vector.load %arg8[%get3A_59, %get3A_60] : memref<20x256xf32, #tpu.memory_space<vmem>>, vector<20x256xf32>
      %dot_general3A_62 = arith.constant dense<0.000000e+00> : vector<1x256xf32>
      %dot_general3A_63 = tpu.matmul %add3A_58, %get3A_61, %dot_general3A_62 {dimension_numbers = #tpu.dot_dimension_numbers<[1], [0], [0], [1], [0, 0, 1, 1], [], []>, precision = #tpu.contract_precision<fp32>, transpose_lhs_hint = false} : vector<1x20xf32>, vector<20x256xf32>, vector<1x256xf32> -> vector<1x256xf32>
      %get3A_64 = arith.constant 0 : index
      %get3A_65 = vector.load %arg9[%get3A_64] : memref<256xf32, #tpu.memory_space<vmem>>, vector<256xf32>
      %broadcast_in_dim3A_66 = vector.shape_cast %get3A_65 : vector<256xf32> to vector<1x256xf32>
      %add3A_67 = arith.addf %dot_general3A_63, %broadcast_in_dim3A_66 : vector<1x256xf32>
      %gt3A_68 = arith.constant 0.000000e+00 : f32
      %gt3A_69 = vector.broadcast %gt3A_68 : f32 to vector<1x256xf32>
      %gt3A_70 = arith.cmpf ogt, %add3A_67, %gt3A_69 : vector<1x256xf32>
      %mul3A_71 = arith.constant 1.000000e-01 : f32
      %mul3A_72 = vector.broadcast %mul3A_71 : f32 to vector<1x256xf32>
      %mul3A_73 = arith.mulf %mul3A_72, %add3A_67 : vector<1x256xf32>
      %select_n3A_74 = arith.select %gt3A_70, %add3A_67, %mul3A_73 : vector<1x256xi1>, vector<1x256xf32>
      %get3A_75 = arith.constant 0 : index
      %get3A_76 = arith.constant 0 : index
      %get3A_77 = vector.load %arg10[%get3A_75, %get3A_76] : memref<256x128xf32, #tpu.memory_space<vmem>>, vector<256x128xf32>
      %dot_general3A_78 = arith.constant dense<0.000000e+00> : vector<1x128xf32>
      %dot_general3A_79 = tpu.matmul %select_n3A_74, %get3A_77, %dot_general3A_78 {dimension_numbers = #tpu.dot_dimension_numbers<[1], [0], [0], [1], [0, 0, 1, 1], [], []>, precision = #tpu.contract_precision<fp32>, transpose_lhs_hint = false} : vector<1x256xf32>, vector<256x128xf32>, vector<1x128xf32> -> vector<1x128xf32>
      %get3A_80 = arith.constant 0 : index
      %get3A_81 = vector.load %arg11[%get3A_80] : memref<128xf32, #tpu.memory_space<vmem>>, vector<128xf32>
      %broadcast_in_dim3A_82 = vector.shape_cast %get3A_81 : vector<128xf32> to vector<1x128xf32>
      %add3A_83 = arith.addf %dot_general3A_79, %broadcast_in_dim3A_82 : vector<1x128xf32>
      %gt3A_84 = arith.constant 0.000000e+00 : f32
      %gt3A_85 = vector.broadcast %gt3A_84 : f32 to vector<1x128xf32>
      %gt3A_86 = arith.cmpf ogt, %add3A_83, %gt3A_85 : vector<1x128xf32>
      %mul3A_87 = arith.constant 1.000000e-01 : f32
      %mul3A_88 = vector.broadcast %mul3A_87 : f32 to vector<1x128xf32>
      %mul3A_89 = arith.mulf %mul3A_88, %add3A_83 : vector<1x128xf32>
      %select_n3A_90 = arith.select %gt3A_86, %add3A_83, %mul3A_89 : vector<1x128xi1>, vector<1x128xf32>
      %get3A_91 = arith.constant 0 : index
      %get3A_92 = arith.constant 0 : index
      %get3A_93 = vector.load %arg12[%get3A_91, %get3A_92] : memref<128x1xf32, #tpu.memory_space<vmem>>, vector<128x1xf32>
      %dot_general3A_94 = arith.constant dense<0.000000e+00> : vector<1x1xf32>
      %dot_general3A_95 = tpu.matmul %select_n3A_90, %get3A_93, %dot_general3A_94 {dimension_numbers = #tpu.dot_dimension_numbers<[1], [0], [0], [1], [0, 0, 1, 1], [], []>, precision = #tpu.contract_precision<fp32>, transpose_lhs_hint = false} : vector<1x128xf32>, vector<128x1xf32>, vector<1x1xf32> -> vector<1x1xf32>
      %get3A_96 = arith.constant 0 : index
      %get3A_97 = vector.load %arg13[%get3A_96] : memref<1xf32, #tpu.memory_space<vmem>>, vector<1xf32>
      %broadcast_in_dim3A_98 = vector.shape_cast %get3A_97 : vector<1xf32> to vector<1x1xf32>
      %add3A_99 = arith.addf %dot_general3A_95, %broadcast_in_dim3A_98 : vector<1x1xf32>
      %logistic3A = arith.negf %add3A_99 : vector<1x1xf32>
      %logistic3A_100 = math.exp %logistic3A : vector<1x1xf32>
      %logistic3A_101 = arith.constant 1.000000e+00 : f32
      %logistic3A_102 = vector.broadcast %logistic3A_101 : f32 to vector<1x1xf32>
      %logistic3A_103 = arith.addf %logistic3A_102, %logistic3A_100 : vector<1x1xf32>
      %logistic3A_104 = arith.divf %logistic3A_102, %logistic3A_103 : vector<1x1xf32>
      %swap3A_105 = arith.constant 0 : index
      %swap3A_106 = arith.constant 0 : index
      %swap3A_107 = vector.load %arg14[%swap3A_105, %swap3A_106] : memref<1x1xf32, #tpu.memory_space<vmem>>, vector<1x1xf32>
      tpu.vector_store %arg14[%swap3A_105, %swap3A_106], %logistic3A_104 {strides = array<i32>} : memref<1x1xf32, #tpu.memory_space<vmem>>, vector<1x1xf32>,
    } else {
    }
    return
  }
  func.func @transform_0(%arg0: i32) -> (i32, i32, i32) {
    %c0_i32 = arith.constant 0 : i32
    %c0_i32_0 = arith.constant 0 : i32
    %c0_i32_1 = arith.constant 0 : i32
    return %c0_i32, %arg0, %c0_i32_0 : i32, i32, i32
  }
  func.func @transform_1(%arg0: i32) -> (i32, i32) {
    %c0_i32 = arith.constant 0 : i32
    %c0_i32_0 = arith.constant 0 : i32
    return %arg0, %c0_i32 : i32, i32
  }
  func.func @transform_2(%arg0: i32) -> (i32, i32) {
    %c0_i32 = arith.constant 0 : i32
    %c0_i32_0 = arith.constant 0 : i32
    return %c0_i32, %arg0 : i32, i32
  }
  func.func @transform_3(%arg0: i32) -> (i32, i32) {
    %c0_i32 = arith.constant 0 : i32
    %c0_i32_0 = arith.constant 0 : i32
    return %c0_i32, %arg0 : i32, i32
  }
  func.func @transform_4(%arg0: i32) -> i32 {
    %c0_i32 = arith.constant 0 : i32
    %c0_i32_0 = arith.constant 0 : i32
    return %c0_i32 : i32
  }
  func.func @transform_5(%arg0: i32) -> (i32, i32) {
    %c0_i32 = arith.constant 0 : i32
    %c0_i32_0 = arith.constant 0 : i32
    %c0_i32_1 = arith.constant 0 : i32
    return %c0_i32, %c0_i32_0 : i32, i32
  }
  func.func @transform_6(%arg0: i32) -> i32 {
    %c0_i32 = arith.constant 0 : i32
    %c0_i32_0 = arith.constant 0 : i32
    return %c0_i32 : i32
  }
  func.func @transform_7(%arg0: i32) -> (i32, i32) {
    %c0_i32 = arith.constant 0 : i32
    %c0_i32_0 = arith.constant 0 : i32
    %c0_i32_1 = arith.constant 0 : i32
    return %c0_i32, %c0_i32_0 : i32, i32
  }
  func.func @transform_8(%arg0: i32) -> i32 {
    %c0_i32 = arith.constant 0 : i32
    %c0_i32_0 = arith.constant 0 : i32
    return %c0_i32 : i32
  }
  func.func @transform_9(%arg0: i32) -> (i32, i32) {
    %c0_i32 = arith.constant 0 : i32
    %c0_i32_0 = arith.constant 0 : i32
    %c0_i32_1 = arith.constant 0 : i32
    return %c0_i32, %c0_i32_0 : i32, i32
  }
  func.func @transform_10(%arg0: i32) -> i32 {
    %c0_i32 = arith.constant 0 : i32
    %c0_i32_0 = arith.constant 0 : i32
    return %c0_i32 : i32
  }
  func.func @transform_11(%arg0: i32) -> (i32, i32) {
    %c0_i32 = arith.constant 0 : i32
    %c0_i32_0 = arith.constant 0 : i32
    %c0_i32_1 = arith.constant 0 : i32
    return %c0_i32, %c0_i32_0 : i32, i32
  }
  func.func @transform_12(%arg0: i32) -> i32 {
    %c0_i32 = arith.constant 0 : i32
    %c0_i32_0 = arith.constant 0 : i32
    return %c0_i32 : i32
  }
  func.func @transform_13(%arg0: i32) -> (i32, i32) {
    %c0_i32 = arith.constant 0 : i32
    %c0_i32_0 = arith.constant 0 : i32
    %c0_i32_1 = arith.constant 0 : i32
    return %c0_i32, %c0_i32_0 : i32, i32
  }
}

</mosaic_0001>

<sc_bundles>
// kernel: kernel.11.cloned.1.call-start
scs
__scs_entry_jumppad:
0x0: {  	(pc) =	sbr.rel $0x88, $3  }
0x1: {  	(tag) =	ssettag $0x0;
	lr =	simm.s32 $0x1  }
0x2: {  	[smem:$0x3F93] =	sst lr;
	_ =	strace $0xD0000000  }
0x3: {  	_ = 	snop  }
0x4: {  	_ = 	snop  }
0x5: {  	_ = 	snop  }
0x6: {  	_ = 	snop  }
0x7: {  	_ = 	snop  }
__scs_overlays_trampoline_lowered:
0x8: {  	[smem:$0x3FA2] =	sst s0  }
0x9: {  	[smem:$0x3FA3] =	sst s1  }
0xa: {  	[smem:$0x3FA4] =	sst s2  }
0xb: {  	[smem:$0x3FA5] =	sst s3  }
0xc: {  	[smem:$0x3FA6] =	sst s4  }
0xd: {  	[smem:$0x3FA7] =	sst s5  }
0xe: {  	[smem:$0x3FA8] =	sst s6  }
0xf: {  	[smem:$0x3FA9] =	sst s7  }
0x10: {  	[smem:$0x3FAA] =	sst s8  }
0x11: {  	[smem:$0x3FAB] =	sst s9;
	s0 =	simm.s32 @!p0 $0x0  }
0x12: {  	s1 =	sld [smem:$0x3F91];
	s0 =	simm.s32 @p0 $0x1  }
0x13: {  	[smem:$0x3FAC] =	sst s0;
	s0 =	simm.s32 @!p1 $0x0  }
0x14: {  	s2 =	sld [smem:$0x3F90];
	s0 =	simm.s32 @p1 $0x1  }
0x15: {  	[smem:$0x3FAD] =	sst s0;
	s0 =	simm.s32 @!p2 $0x0  }
0x16: {  	s3 =	sld [smem:$0x3FDB];
	s0 =	simm.s32 @p2 $0x1  }
0x17: {  	s4 =	simm.s32 $0x1BF5;
	[smem:$0x3FAF] =	sst s0  }
0x18: {  	s0 =	sld [smem:$0x3F92];
	_ =	swait.ge [sflag:s4], $0x0  }
0x19: {  	s7 =	sld [smem:$0x3F93]  }
0x1a: {  	s8 =	sadd.s32 $0xFFFFE003, lr  }
0x1b: {  	s9 =	sadd.s32 $0xFFFFFEF7, lr;
	s5 =	simm.s32 $0xFFFFFFFF;
	p2 =	slt.u32 s8, $0xFFFFF086  }
0x1c: {  	p1 =	slt.u32 s9, $0xF7A;
	s5 =	simm.s32 @!p2 $0x0  }
0x1d: {  	s5 =	simm.s32 @p1 $0x1;
	p0 =	seq.s32 s7, s2  }
0x1e: {  	s7 =	smul.u32 @!p0 $0xF7A, s2;
	p2 =	seq.s32 @!p0 s5, $0x0  }
0x1f: {  	s9 =	smul.u32 $0xF7A, s1;
	s8 =	simm.s32 @!p0 $0x1BF5;
	p2 =	por !p2, p0  }
0x20: {  	[sflag:s8] =	ssyncset.s32 @!p0 $0xFFFFF086;
	s6 =	sadd.s32 @!p0 s3, s7;
	s7 =	simm.s32 @!p0 $0x108  }
0x21: {  	s3 =	sadd.s32 s3, s9;
	s6 =	sadd.s32 @!p0 $0x88, s6;
	s7 =	simm.s32 @p2 $0x1082  }
0x22: {  	[simem:s7], [sflag:s8] =	dma.local @!p0 [hbm:s6], $0xF7A  }
0x23: {  	s9 =	sor.u32 $0xD0000000, s2;
	s6 =	simm.s32 $0x108;
	_ =	swait.ge @!p0 [sflag:s8], $0x0  }
0x24: {  	s3 =	sadd.s32 $0x88, s3;
	s6 =	simm.s32 @!p1 $0x1082;
	[sflag:s4] =	ssyncset.s32 $0xFFFFF086  }
0x25: {  	[simem:s6], [sflag:s4] =	dma.local [hbm:s3], $0xF7A  }
0x26: {  	[smem:$0x3F93] =	sst s1;
	(tag) =	ssettag s2;
	_ =	strace s9  }
0x27: {  	s1 =	sld [smem:$0x3FA3]  }
0x28: {  	s2 =	sld [smem:$0x3FA4]  }
0x29: {  	s4 =	sld [smem:$0x3FA6]  }
0x2a: {  	p0 =	seq.s32 s5, $0x0;
	s5 =	sld [smem:$0x3FA7]  }
0x2b: {  	s6 =	sld [smem:$0x3FA8]  }
0x2c: {  	s7 =	sld [smem:$0x3FA9]  }
0x2d: {  	s3 =	simm.s32 $0x108;
	s8 =	sld [smem:$0x3FAA]  }
0x2e: {  	s3 =	simm.s32 @!p0 $0x1082;
	s9 =	sld [smem:$0x3FAB]  }
0x2f: {  	lr =	sadd.s32 s0, s3;
	s0 =	sld [smem:$0x3FA2]  }
0x30: {  	s3 =	sld [smem:$0x3FA5]  }
0x31: {  	[smem:$0x3FAE] =	sst s10  }
0x32: {  	s10 =	sld [smem:$0x3FAC];
	_ =	sdelay $0x3  }
0x33: {  	p0 =	seq.s32 s10, $0x1;
	s10 =	sld [smem:$0x3FAE];
	_ =	sdelay $0x3  }
0x34: {  	[smem:$0x3FAE] =	sst s10  }
0x35: {  	s10 =	sld [smem:$0x3FAD];
	_ =	sdelay $0x3  }
0x36: {  	p1 =	seq.s32 s10, $0x1;
	s10 =	sld [smem:$0x3FAE];
	_ =	sdelay $0x3  }
0x37: {  	[smem:$0x3FAE] =	sst s10  }
0x38: {  	s10 =	sld [smem:$0x3FAF]  }
0x39: {  	_ = 	snop;
	(pc) =	sbr.ind lr, $3  }
0x3a: {  	_ = 	snop  }
0x3b: {  	_ = 	snop  }
0x3c: {  	p2 =	seq.s32 s10, $0x1;
	s10 =	sld [smem:$0x3FAE]  }
0x3d: {  	_ =	shalt  }
0x3e: {  	_ =	shalt  }
0x3f: {  	_ =	shalt  }
0x40: {  	_ =	shalt  }
0x41: {  	_ =	shalt  }
0x42: {  	_ =	shalt  }
0x43: {  	_ =	shalt  }
0x44: {  	_ =	shalt  }
0x45: {  	_ =	shalt  }
0x46: {  	_ =	shalt  }
0x47: {  	_ =	shalt  }
0x48: {  	_ =	shalt  }
0x49: {  	_ =	shalt  }
0x4a: {  	_ =	shalt  }
0x4b: {  	_ =	shalt  }
0x4c: {  	_ =	shalt  }
0x4d: {  	_ =	shalt  }
0x4e: {  	_ =	shalt  }
0x4f: {  	_ =	shalt  }
0x50: {  	_ =	shalt  }
0x51: {  	_ =	shalt  }
0x52: {  	_ =	shalt  }
0x53: {  	_ =	shalt  }
0x54: {  	_ =	shalt  }
0x55: {  	_ =	shalt  }
0x56: {  	_ =	shalt  }
0x57: {  	_ =	shalt  }
0x58: {  	_ =	shalt  }
0x59: {  	_ =	shalt  }
0x5a: {  	_ =	shalt  }
0x5b: {  	_ =	shalt  }
0x5c: {  	_ =	shalt  }
0x5d: {  	_ =	shalt  }
0x5e: {  	_ =	shalt  }
0x5f: {  	_ =	shalt  }
0x60: {  	_ =	shalt  }
0x61: {  	_ =	shalt  }
0x62: {  	_ =	shalt  }
0x63: {  	_ =	shalt  }
0x64: {  	_ =	shalt  }
0x65: {  	_ =	shalt  }
0x66: {  	_ =	shalt  }
0x67: {  	_ =	shalt  }
0x68: {  	_ =	shalt  }
0x69: {  	_ =	shalt  }
0x6a: {  	_ =	shalt  }
0x6b: {  	_ =	shalt  }
0x6c: {  	_ =	shalt  }
0x6d: {  	_ =	shalt  }
0x6e: {  	_ =	shalt  }
0x6f: {  	_ =	shalt  }
0x70: {  	_ =	shalt  }
0x71: {  	_ =	shalt  }
0x72: {  	_ =	shalt  }
0x73: {  	_ =	shalt  }
0x74: {  	_ =	shalt  }
0x75: {  	_ =	shalt  }
0x76: {  	_ =	shalt  }
0x77: {  	_ =	shalt  }
0x78: {  	_ =	shalt  }
0x79: {  	_ =	shalt  }
0x7a: {  	_ =	shalt  }
0x7b: {  	_ =	shalt  }
0x7c: {  	_ =	shalt  }
0x7d: {  	_ =	shalt  }
0x7e: {  	_ =	shalt  }
0x7f: {  	_ =	shalt  }
0x80: {  	_ =	shalt  }
0x81: {  	_ =	shalt  }
0x82: {  	_ =	shalt  }
0x83: {  	_ =	shalt  }
0x84: {  	_ =	shalt  }
0x85: {  	_ =	shalt  }
0x86: {  	_ =	shalt  }
0x87: {  	_ =	shalt  }
.Lfunc_end0:
.L_simem_size_0:
called_computation.1_lowered:
.L_overlay_start_0:
0x88: {  	s2 =	sld [smem:$0x3FD9]  }
0x89: {  	s3 =	sld [smem:$0x3FFE];
	_ =	sdelay $0x1  }
0x8a: {  	s1 =	srdreg.scid  }
0x8b: {  	s0 =	sand.u32 $0x1, s1  }
0x8c: {  	s16 =	sshll.u32 s0, $0xA;
	s2 =	sadd.s32 s3, s2  }
0x8d: {  	s2 =	sadd.s32 s2, s16  }
0x8e: {  	[smem:$0x3FBA] =	sst s2  }
0x8f: {  	_ = 	snop  }
0x90: {  	(tm) =	ssettm $0x1  }
0x91: {  	s17 =	sld [smem:$0x3FFB];
	_ =	sdelay $0x3  }
0x92: {  	_ =	strace s17  }
0x93: {  	s2 =	sld [smem:$0x3FFC];
	_ =	sdelay $0x3  }
0x94: {  	_ =	strace s2  }
0x95: {  	s2 =	sld [smem:$0x3FFD];
	_ =	sdelay $0x3  }
0x96: {  	_ =	strace s2  }
0x97: {  	_ =	strace $0x8FFFFFFF  }
0x98: {  	s18 =	sld [smem:$0x3FDB];
	_ =	sdelay $0x1  }
0x99: {  	s19 =	simm.s32 $_scs_section_size  }
0x9a: {  	s4 =	simm.s32 $_size__tile_overlayer_lowered;
	s5 =	simm.s32 $_tile_overlayer_lowered  }
0x9b: {  	s22 =	simm.s32 $0x1BFF;
	s21 =	sshll.u32 s5, $0x1;
	s2 =	sadd.s32 s19, s18  }
0x9c: {  	s6 =	simm.s32 $0x0;
	s20 =	sshll.u32 s4, $0x1;
	s4 =	sadd.s32 s21, s2  }
0x9d: {  	[timem:s6], [sflag:s22] =	dma.local [hbm:s4], s20  }
0x9e: {  	_ =	swait.ge [sflag:s22], s20  }
0x9f: {  	s3 =	ssub.s32 $0x0, s20;
	[sflag:s22] =	ssyncset.done $0x0  }
0xa0: {  	[sflag:s22] =	ssyncadd.s32 s3;
	_ =	sdelay $0x1  }
0xa1: {  	s23 =	simm.s32 $0x1B8B  }
0xa2: {  	_ =	swait.ge [sflag:s23], $0x1  }
0xa3: {  	[sflag:s23] =	ssyncset.done $0x0  }
0xa4: {  	s25 =	simm.s32 $0x1B8E;
	s24 =	sld [smem:$0x3FFE];
	[sflag:s23] =	ssyncadd.s32 $0xFFFFFFFF  }
0xa5: {  	s26 =	simm.s32 $execute0_lowered;
	[smem:$0x3FD2] =	sst s25  }
0xa6: {  	s4 =	sshll.u32 s26, $0x1;
	_ =	strace $0x80000049;
	[dreg:$0x1] =	wrdreg $0xFFFFFFFF  }
0xa7: {  	s28 =	simm.s32 $_size_execute0_lowered;
	s2 =	sadd.s32 s2, s4;
	[dreg:$0x0] =	wrdreg $0x0  }
0xa8: {  	s4 =	sshll.u32 s28, $0x1;
	[dreg:$0x2] =	wrdreg s2  }
0xa9: {  	[dreg:$0x3] =	wrdreg s4  }
0xaa: {  	[dreg:$0x4] =	wrdreg $0xC0  }
0xab: {  	_ =	task [dreg:s6], $0x5FFFF  }
0xac: {  	[dreg:$0x1] =	wrdreg $0xFFFFFFFF  }
0xad: {  	[dreg:$0x0] =	wrdreg $0x60  }
0xae: {  	[dreg:$0x2] =	wrdreg s24  }
0xaf: {  	[dreg:$0x3] =	wrdreg $0x9  }
0xb0: {  	_ =	task.clear_ibuf [dreg:s6], $0x4FFFF;
	_ =	strace $0x90000049  }
0xb1: {  	s29 =	simm.s32 $0x9;
	_ =	strace $0x8000004B  }
0xb2: {  	_ =	swait.ge [sflag:s29], $0x1  }
0xb3: {  	[sflag:s29] =	ssyncadd.s32 $0xFFFFFFFF  }
0xb4: {  	_ =	strace $0x9000004B  }
0xb5: {  	_ =	sfence  }
0xb6: {  	s30 =	sld [smem:$0x0];
	_ =	sdelay $0x2  }
0xb7: {  	s31 =	sshll.u32 s1, $0xD;
	s1 =	sshrl.u32 s1, $0x2  }
0xb8: {  	s3 =	sand.u32 $0x4000, s31;
	s1 =	sadd.s32 s1, s30  }
0xb9: {  	s0 =	sor.u32 s3, s0;
	s1 =	sshll.u32 s1, $0x11  }
0xba: {  	s0 =	sor.u32 s1, s0  }
0xbb: {  	s0 =	sadd.s32 $0x8F2B, s0  }
0xbc: {  	[sflag:s0] =	ssyncadd.remote.s32 $0x1  }
0xbd: {  	_ =	sfence.sel $0xFFFF  }
0xbe: {  	[dreg:$0x0] =	wrdreg $0xFFFFFFFF;
	(pc) =	sbr.abs _section_cstart, $3  }
0xbf: {  	[dreg:$0x1] =	wrdreg $0xFFFFFFFF  }
0xc0: {  	_ =	task.clear_ibuf [dreg:s6], $0x2FFFF;
	_ =	strace $0x9FFFFFFF  }
0xc1: {  	(tm) =	ssettm $0x7FFFFFFF  }
tec
execute0_lowered:
.L_overlay_start_1:
0x0: {  	(tag) =	ssettag $0x1  }
0x1: {  	s7 =	rddreg [dreg:$0x0]  }
0x2: {  	s0 =	rddreg [dreg:$0x1]  }
0x3: {  	s3 =	srdreg.scid;
	s1 =	stileid.u32  }
0x4: {  	s2 =	simm.s32 $0x0;
	s12 =	simm.s32 $0x1;
	s13 =	simm.s32 $0x3800  }
0x5: {  	s14 =	simm.s32 $0x800;
	s15 =	simm.s32 $0x6000;
	s16 =	simm.s32 $0x8800  }
0x6: {  	s17 =	simm.s32 $0x80;
	s18 =	simm.s32 $0x400;
	s19 =	simm.s32 $0x0  }
0x7: {  	s6 =	sand.u32 $0x1, s3;
	s29 =	sshll.u32 s1, $0x1;
	[smem:$0x7FF] =	sst s2  }
0x8: {  	s30 =	sshrl.u32 s1, $0x2;
	s3 =	sadd.s32 $0x18600, s7;
	s8 =	sor.u32 s6, s29  }
0x9: {  	s4 =	sadd.s32 $0x4600, s7;
	s9 =	smul.u32 $0x14000, s30;
	s5 =	sshll.u32 s8, $0x7  }
0xa: {  	_ =	strace $0x8000004A;
	s31 =	ssub.s32 $0x2, s6;
	s10 =	sand.u32 $0x380, s5  }
0xb: {  	s6 =	sadd.s32 $0x54600, s7;
	s11 =	sshrl.u32 s31, $0x1;
	s9 =	sor.u32 s9, s10  }
0xc: {  	s5 =	sadd.s32 $0x54C00, s7;
	s10 =	ssub.s32 s31, s11;
	s9 =	sshrl.u32 s9, $0x3  }
0xd: {  	s11 =	simm.s32 $0x1000;
	s10 =	smax.u32 s10, $0x1;
	s9 =	sadd.s32 s9, s7  }
0xe: {  	v0 =	vimm.f32 $0.0e+00;
	s7 =	smul.u32 $0x5000, s8;
	s8 =	sadd.s32 $0x55200, s9;
	s9 =	sadd.s32 $0x5F200, s9  }
.LBB2_1:
0xf: {  	[tilespmem:s11], [sflag:$0x1] =	stream.linear.gather [hbm4b:s5+s2], $0x2800, $0x38;
	[tilespmem:$0xB000] =	vst v63  }
0x10: {  	_ =	swait.ge [sflag:s12], $0x2800  }
0x11: {  	[sflag:s12] =	ssyncset.done $0x0  }
0x12: {  	[sflag:s12] =	ssyncadd.s32 $0xFFFFD800  }
0x13: {  	[tilespmem:s13], [sflag:$0x1] =	stream.linear.gather [hbm4b:s6+s2], $0x2800, $0x38;
	[tilespmem:$0xB000] =	vst v63  }
0x14: {  	_ =	swait.ge [sflag:s12], $0x2800  }
0x15: {  	[sflag:s12] =	ssyncset.done $0x0  }
0x16: {  	s20 =	simm.s32 $0x40;
	s21 =	simm.s32 $0x0;
	[sflag:s12] =	ssyncadd.s32 $0xFFFFD800  }
.LBB2_2:
0x17: {  	p0 =	sne.s32 s20, $0x9FC0;
	[tilespmem:s21+$0x6000] =	vst v0;
	s22 =	smov.u32 s20;
	s20 =	sadd.s32 $0x40, s20  }
.Ltmp0:
0x18: {  	[tilespmem:s21+$0x8800] =	vst v0;
	(pc) =	sbr.rel @p0 .LBB2_2-.Ltmp0, $2  }
0x19: {  	_ =	sdelay $0x2  }
0x1a: {  	s21 =	sshra.s32 s22, $0x2  }
0x1b: {  	[tilespmem:s21+$0x6000] =	vst v0  }
0x1c: {  	s20 =	simm.s32 $0x0;
	[tilespmem:s21+$0x8800] =	vst v0;
	s21 =	simm.s32 $0x0  }
.LBB2_4:
0x1d: {  	s22 =	sshll.u32 s21, $0xB  }
0x1e: {  	s22 =	sadd.s32 s7, s22  }
0x1f: {  	s22 =	sshrl.u32 s22, $0x3  }
0x20: {  	s23 =	sadd.s32 s3, s22  }
0x21: {  	[tilespmem:s20], [sflag:$0x1] =	stream.linear.gather [hbm4b:s23+s20], $0x800, $0x38;
	[tilespmem:$0xB000] =	vst v63  }
0x22: {  	_ =	swait.ge [sflag:s12], $0x800  }
0x23: {  	[sflag:s12] =	ssyncset.done $0x0  }
0x24: {  	s22 =	sadd.s32 s4, s22;
	[sflag:s12] =	ssyncadd.s32 $0xFFFFF800  }
0x25: {  	[tilespmem:s14], [sflag:$0x1] =	stream.linear.gather [hbm4b:s22+s20], $0x800, $0x38;
	[tilespmem:$0xB000] =	vst v63  }
0x26: {  	_ =	swait.ge [sflag:s12], $0x800  }
0x27: {  	[sflag:s12] =	ssyncset.done $0x0  }
0x28: {  	s31 =	simm.s32 $0x0;
	[sflag:s12] =	ssyncadd.s32 $0xFFFFF800  }
0x29: {  	v1 =	vld [tilespmem:s31+$0x0];
	_ =	sdelay $0x4  }
0x2a: {  	v2 =	vld [tilespmem:s31+$0x800];
	_ =	sdelay $0x2  }
0x2b: {  	v3 =	vld.idx.msk [tilespmem:v1+s11+$0x0], $0xffff;
	_ =	sdelay $0x4  }
0x2c: {  	[tilespmem:v2+s15+$0x0] =	vst.idx.add.f32.msk $0xffff, v3  }
0x2d: {  	s23 =	simm.s32 $0x80;
	s22 =	simm.s32 $0x40;
	v2 =	vld.idx.msk [tilespmem:v2+s13+$0x0], $0xffff  }
.LBB2_5:
0x2e: {  	_ =	sdelay $0x2  }
0x2f: {  	p0 =	sne.s32 s23, $0x1FC0  }
0x30: {  	s24 =	sshra.s32 s22, $0x2;
	s22 =	smov.u32 s23;
	s23 =	sadd.s32 $0x40, s23;
	[tilespmem:v1+s16+$0x0] =	vst.idx.add.f32.msk $0xffff, v2  }
0x31: {  	v1 =	vld [tilespmem:s24+$0x0];
	_ =	sdelay $0x5  }
0x32: {  	v2 =	vld [tilespmem:s24+$0x800];
	_ =	sdelay $0x1  }
0x33: {  	v3 =	vld.idx.msk [tilespmem:v1+s11+$0x0], $0xffff;
	_ =	sdelay $0x2  }
.Ltmp1:
0x34: {  	(pc) =	sbr.rel @p0 .LBB2_5-.Ltmp1, $3  }
0x35: {  	_ =	sdelay $0x1  }
0x36: {  	[tilespmem:v2+s15+$0x0] =	vst.idx.add.f32.msk $0xffff, v3  }
0x37: {  	v2 =	vld.idx.msk [tilespmem:v2+s13+$0x0], $0xffff  }
0x38: {  	_ =	sdelay $0x3  }
0x39: {  	s22 =	sshra.s32 s22, $0x2;
	[tilespmem:v1+s16+$0x0] =	vst.idx.add.f32.msk $0xffff, v2  }
0x3a: {  	v1 =	vld [tilespmem:s22+$0x0];
	_ =	sdelay $0x4  }
0x3b: {  	v2 =	vld [tilespmem:s22+$0x800];
	_ =	sdelay $0x2  }
0x3c: {  	v3 =	vld.idx.msk [tilespmem:v1+s11+$0x0], $0xffff;
	_ =	sdelay $0x4  }
0x3d: {  	s21 =	sadd.s32 $0x1, s21;
	[tilespmem:v2+s15+$0x0] =	vst.idx.add.f32.msk $0xffff, v3  }
0x3e: {  	p0 =	sne.s32 s21, $0xA;
	v2 =	vld.idx.msk [tilespmem:v2+s13+$0x0], $0xffff  }
.Ltmp2:
0x3f: {  	_ = 	snop;
	(pc) =	sbr.rel @p0 .LBB2_4-.Ltmp2, $2  }
0x40: {  	_ =	sdelay $0x2  }
0x41: {  	[tilespmem:v1+s16+$0x0] =	vst.idx.add.f32.msk $0xffff, v2  }
0x42: {  	[hbm4b:s8+s17] =	stream.strided.scatter [tilespmem:s15], [sflag:$0x1], $0x2800, s18, s17, $0x38;
	[tilespmem:$0xB000] =	vst v63  }
0x43: {  	s19 =	sadd.s32 $0x1, s19;
	_ =	swait.ge [sflag:s12], $0x2800  }
0x44: {  	p0 =	sne.s32 s19, s10;
	[sflag:s12] =	ssyncset.done $0x0  }
.Ltmp3:
0x45: {  	[sflag:s12] =	ssyncadd.s32 $0xFFFFD800;
	(pc) =	sbr.rel @p0 .LBB2_1-.Ltmp3, $4  }
0x46: {  	[hbm4b:s9+s17] =	stream.strided.scatter [tilespmem:s16], [sflag:$0x1], $0x2800, s18, s17, $0x38;
	[tilespmem:$0xB000] =	vst v63  }
0x47: {  	_ =	swait.ge [sflag:s12], $0x2800  }
0x48: {  	[sflag:s12] =	ssyncset.done $0x0  }
0x49: {  	[sflag:s12] =	ssyncadd.s32 $0xFFFFD800  }
0x4a: {  	_ =	sfence.sel $0x180000  }
0x4b: {  	[bflag:$0x0] =	sbarrier.arrive $0xFFFF  }
0x4c: {  	p0 =	sne.s32 s1, $0x0;
	_ =	strace $0x9000004A  }
0x4d: {  	s0 =	sadd.s32 @!p0 $0x100000, s0;
	[bflag:$0x2] =	sbarrier.arrive $0xFFFF  }
0x4e: {  	[sflag:s0] =	ssyncadd.tile.s32 @!p0 $0x1;
	_ =	shalt  }
.Lfunc_end2:
_tile_overlayer_lowered:
.L_overlay_start_2:
0x4f: {  	(tag) =	ssettag $0x2  }
0x50: {  	s0 =	rddreg [dreg:$0x0];
	s2 =	stileid.u32  }
0x51: {  	s1 =	rddreg [dreg:$0x1];
	p0 =	sne.s32 s2, $0x0  }
0x52: {  	s3 =	rddreg [dreg:$0x2];
	[bflag:$0x3] =	sbarrier.arrive $0xFFFF;
	s2 =	simm.s32 @!p0 $0x1C01  }
0x53: {  	[timem:s3], [sflag:s2] =	dma.local @!p0 [hbm:s0], s1  }
0x54: {  	s0 =	simm.s32 @!p0 $0x1  }
0x55: {  	_ =	swait.ge @!p0 [sflag:s0], s1  }
0x56: {  	s1 =	ssub.s32 @!p0 $0x0, s1;
	[sflag:s0] =	ssyncset.done @!p0 $0x0  }
0x57: {  	[sflag:s0] =	ssyncadd.s32 @!p0 s1  }
0x58: {  	[bflag:$0x3] =	sbarrier.arrive $0xFFFF  }
0x59: {  	_ =	shalt  }

// kernel: kernel.14.cloned.1.call-start
scs
__scs_entry_jumppad:
0x0: {  	(pc) =	sbr.rel $0x88, $3  }
0x1: {  	(tag) =	ssettag $0x0;
	lr =	simm.s32 $0x1  }
0x2: {  	[smem:$0x3F93] =	sst lr;
	_ =	strace $0xD0000000  }
0x3: {  	_ = 	snop  }
0x4: {  	_ = 	snop  }
0x5: {  	_ = 	snop  }
0x6: {  	_ = 	snop  }
0x7: {  	_ = 	snop  }
__scs_overlays_trampoline_lowered:
0x8: {  	[smem:$0x3FA2] =	sst s0  }
0x9: {  	[smem:$0x3FA3] =	sst s1  }
0xa: {  	[smem:$0x3FA4] =	sst s2  }
0xb: {  	[smem:$0x3FA5] =	sst s3  }
0xc: {  	[smem:$0x3FA6] =	sst s4  }
0xd: {  	[smem:$0x3FA7] =	sst s5  }
0xe: {  	[smem:$0x3FA8] =	sst s6  }
0xf: {  	[smem:$0x3FA9] =	sst s7  }
0x10: {  	[smem:$0x3FAA] =	sst s8  }
0x11: {  	[smem:$0x3FAB] =	sst s9;
	s0 =	simm.s32 @!p0 $0x0  }
0x12: {  	s1 =	sld [smem:$0x3F91];
	s0 =	simm.s32 @p0 $0x1  }
0x13: {  	[smem:$0x3FAC] =	sst s0;
	s0 =	simm.s32 @!p1 $0x0  }
0x14: {  	s2 =	sld [smem:$0x3F90];
	s0 =	simm.s32 @p1 $0x1  }
0x15: {  	[smem:$0x3FAD] =	sst s0;
	s0 =	simm.s32 @!p2 $0x0  }
0x16: {  	s3 =	sld [smem:$0x3FDB];
	s0 =	simm.s32 @p2 $0x1  }
0x17: {  	s4 =	simm.s32 $0x1BF5;
	[smem:$0x3FAF] =	sst s0  }
0x18: {  	s0 =	sld [smem:$0x3F92];
	_ =	swait.ge [sflag:s4], $0x0  }
0x19: {  	s7 =	sld [smem:$0x3F93]  }
0x1a: {  	s8 =	sadd.s32 $0xFFFFE003, lr  }
0x1b: {  	s9 =	sadd.s32 $0xFFFFFEF7, lr;
	s5 =	simm.s32 $0xFFFFFFFF;
	p2 =	slt.u32 s8, $0xFFFFF086  }
0x1c: {  	p1 =	slt.u32 s9, $0xF7A;
	s5 =	simm.s32 @!p2 $0x0  }
0x1d: {  	s5 =	simm.s32 @p1 $0x1;
	p0 =	seq.s32 s7, s2  }
0x1e: {  	s7 =	smul.u32 @!p0 $0xF7A, s2;
	p2 =	seq.s32 @!p0 s5, $0x0  }
0x1f: {  	s9 =	smul.u32 $0xF7A, s1;
	s8 =	simm.s32 @!p0 $0x1BF5;
	p2 =	por !p2, p0  }
0x20: {  	[sflag:s8] =	ssyncset.s32 @!p0 $0xFFFFF086;
	s6 =	sadd.s32 @!p0 s3, s7;
	s7 =	simm.s32 @!p0 $0x108  }
0x21: {  	s3 =	sadd.s32 s3, s9;
	s6 =	sadd.s32 @!p0 $0x88, s6;
	s7 =	simm.s32 @p2 $0x1082  }
0x22: {  	[simem:s7], [sflag:s8] =	dma.local @!p0 [hbm:s6], $0xF7A  }
0x23: {  	s9 =	sor.u32 $0xD0000000, s2;
	s6 =	simm.s32 $0x108;
	_ =	swait.ge @!p0 [sflag:s8], $0x0  }
0x24: {  	s3 =	sadd.s32 $0x88, s3;
	s6 =	simm.s32 @!p1 $0x1082;
	[sflag:s4] =	ssyncset.s32 $0xFFFFF086  }
0x25: {  	[simem:s6], [sflag:s4] =	dma.local [hbm:s3], $0xF7A  }
0x26: {  	[smem:$0x3F93] =	sst s1;
	(tag) =	ssettag s2;
	_ =	strace s9  }
0x27: {  	s1 =	sld [smem:$0x3FA3]  }
0x28: {  	s2 =	sld [smem:$0x3FA4]  }
0x29: {  	s4 =	sld [smem:$0x3FA6]  }
0x2a: {  	p0 =	seq.s32 s5, $0x0;
	s5 =	sld [smem:$0x3FA7]  }
0x2b: {  	s6 =	sld [smem:$0x3FA8]  }
0x2c: {  	s7 =	sld [smem:$0x3FA9]  }
0x2d: {  	s3 =	simm.s32 $0x108;
	s8 =	sld [smem:$0x3FAA]  }
0x2e: {  	s3 =	simm.s32 @!p0 $0x1082;
	s9 =	sld [smem:$0x3FAB]  }
0x2f: {  	lr =	sadd.s32 s0, s3;
	s0 =	sld [smem:$0x3FA2]  }
0x30: {  	s3 =	sld [smem:$0x3FA5]  }
0x31: {  	[smem:$0x3FAE] =	sst s10  }
0x32: {  	s10 =	sld [smem:$0x3FAC];
	_ =	sdelay $0x3  }
0x33: {  	p0 =	seq.s32 s10, $0x1;
	s10 =	sld [smem:$0x3FAE];
	_ =	sdelay $0x3  }
0x34: {  	[smem:$0x3FAE] =	sst s10  }
0x35: {  	s10 =	sld [smem:$0x3FAD];
	_ =	sdelay $0x3  }
0x36: {  	p1 =	seq.s32 s10, $0x1;
	s10 =	sld [smem:$0x3FAE];
	_ =	sdelay $0x3  }
0x37: {  	[smem:$0x3FAE] =	sst s10  }
0x38: {  	s10 =	sld [smem:$0x3FAF]  }
0x39: {  	_ = 	snop;
	(pc) =	sbr.ind lr, $3  }
0x3a: {  	_ = 	snop  }
0x3b: {  	_ = 	snop  }
0x3c: {  	p2 =	seq.s32 s10, $0x1;
	s10 =	sld [smem:$0x3FAE]  }
0x3d: {  	_ =	shalt  }
0x3e: {  	_ =	shalt  }
0x3f: {  	_ =	shalt  }
0x40: {  	_ =	shalt  }
0x41: {  	_ =	shalt  }
0x42: {  	_ =	shalt  }
0x43: {  	_ =	shalt  }
0x44: {  	_ =	shalt  }
0x45: {  	_ =	shalt  }
0x46: {  	_ =	shalt  }
0x47: {  	_ =	shalt  }
0x48: {  	_ =	shalt  }
0x49: {  	_ =	shalt  }
0x4a: {  	_ =	shalt  }
0x4b: {  	_ =	shalt  }
0x4c: {  	_ =	shalt  }
0x4d: {  	_ =	shalt  }
0x4e: {  	_ =	shalt  }
0x4f: {  	_ =	shalt  }
0x50: {  	_ =	shalt  }
0x51: {  	_ =	shalt  }
0x52: {  	_ =	shalt  }
0x53: {  	_ =	shalt  }
0x54: {  	_ =	shalt  }
0x55: {  	_ =	shalt  }
0x56: {  	_ =	shalt  }
0x57: {  	_ =	shalt  }
0x58: {  	_ =	shalt  }
0x59: {  	_ =	shalt  }
0x5a: {  	_ =	shalt  }
0x5b: {  	_ =	shalt  }
0x5c: {  	_ =	shalt  }
0x5d: {  	_ =	shalt  }
0x5e: {  	_ =	shalt  }
0x5f: {  	_ =	shalt  }
0x60: {  	_ =	shalt  }
0x61: {  	_ =	shalt  }
0x62: {  	_ =	shalt  }
0x63: {  	_ =	shalt  }
0x64: {  	_ =	shalt  }
0x65: {  	_ =	shalt  }
0x66: {  	_ =	shalt  }
0x67: {  	_ =	shalt  }
0x68: {  	_ =	shalt  }
0x69: {  	_ =	shalt  }
0x6a: {  	_ =	shalt  }
0x6b: {  	_ =	shalt  }
0x6c: {  	_ =	shalt  }
0x6d: {  	_ =	shalt  }
0x6e: {  	_ =	shalt  }
0x6f: {  	_ =	shalt  }
0x70: {  	_ =	shalt  }
0x71: {  	_ =	shalt  }
0x72: {  	_ =	shalt  }
0x73: {  	_ =	shalt  }
0x74: {  	_ =	shalt  }
0x75: {  	_ =	shalt  }
0x76: {  	_ =	shalt  }
0x77: {  	_ =	shalt  }
0x78: {  	_ =	shalt  }
0x79: {  	_ =	shalt  }
0x7a: {  	_ =	shalt  }
0x7b: {  	_ =	shalt  }
0x7c: {  	_ =	shalt  }
0x7d: {  	_ =	shalt  }
0x7e: {  	_ =	shalt  }
0x7f: {  	_ =	shalt  }
0x80: {  	_ =	shalt  }
0x81: {  	_ =	shalt  }
0x82: {  	_ =	shalt  }
0x83: {  	_ =	shalt  }
0x84: {  	_ =	shalt  }
0x85: {  	_ =	shalt  }
0x86: {  	_ =	shalt  }
0x87: {  	_ =	shalt  }
.Lfunc_end0:
.L_simem_size_0:
called_computation.2_lowered:
.L_overlay_start_0:
0x88: {  	s2 =	sld [smem:$0x3FD9]  }
0x89: {  	s3 =	sld [smem:$0x3FFE];
	_ =	sdelay $0x1  }
0x8a: {  	s1 =	srdreg.scid  }
0x8b: {  	s0 =	sand.u32 $0x1, s1  }
0x8c: {  	s16 =	sshll.u32 s0, $0xA;
	s2 =	sadd.s32 s3, s2  }
0x8d: {  	s2 =	sadd.s32 s2, s16  }
0x8e: {  	[smem:$0x3FBA] =	sst s2  }
0x8f: {  	_ = 	snop  }
0x90: {  	(tm) =	ssettm $0x1  }
0x91: {  	s17 =	sld [smem:$0x3FFB];
	_ =	sdelay $0x3  }
0x92: {  	_ =	strace s17  }
0x93: {  	s2 =	sld [smem:$0x3FFC];
	_ =	sdelay $0x3  }
0x94: {  	_ =	strace s2  }
0x95: {  	s2 =	sld [smem:$0x3FFD];
	_ =	sdelay $0x3  }
0x96: {  	_ =	strace s2  }
0x97: {  	_ =	strace $0x8FFFFFFF  }
0x98: {  	s18 =	sld [smem:$0x3FDB];
	_ =	sdelay $0x1  }
0x99: {  	s19 =	simm.s32 $_scs_section_size  }
0x9a: {  	s4 =	simm.s32 $_size__tile_overlayer_lowered;
	s5 =	simm.s32 $_tile_overlayer_lowered  }
0x9b: {  	s22 =	simm.s32 $0x1BFF;
	s21 =	sshll.u32 s5, $0x1;
	s2 =	sadd.s32 s19, s18  }
0x9c: {  	s6 =	simm.s32 $0x0;
	s20 =	sshll.u32 s4, $0x1;
	s4 =	sadd.s32 s21, s2  }
0x9d: {  	[timem:s6], [sflag:s22] =	dma.local [hbm:s4], s20  }
0x9e: {  	_ =	swait.ge [sflag:s22], s20  }
0x9f: {  	s3 =	ssub.s32 $0x0, s20;
	[sflag:s22] =	ssyncset.done $0x0  }
0xa0: {  	[sflag:s22] =	ssyncadd.s32 s3;
	_ =	sdelay $0x1  }
0xa1: {  	s23 =	simm.s32 $0x1B8B  }
0xa2: {  	_ =	swait.ge [sflag:s23], $0x1  }
0xa3: {  	[sflag:s23] =	ssyncset.done $0x0  }
0xa4: {  	s25 =	simm.s32 $0x1B8E;
	s24 =	sld [smem:$0x3FFE];
	[sflag:s23] =	ssyncadd.s32 $0xFFFFFFFF  }
0xa5: {  	s26 =	simm.s32 $execute0_lowered;
	[smem:$0x3FD2] =	sst s25  }
0xa6: {  	s4 =	sshll.u32 s26, $0x1;
	_ =	strace $0x8000004C;
	[dreg:$0x1] =	wrdreg $0xFFFFFFFF  }
0xa7: {  	s28 =	simm.s32 $_size_execute0_lowered;
	s2 =	sadd.s32 s2, s4;
	[dreg:$0x0] =	wrdreg $0x0  }
0xa8: {  	s4 =	sshll.u32 s28, $0x1;
	[dreg:$0x2] =	wrdreg s2  }
0xa9: {  	[dreg:$0x3] =	wrdreg s4  }
0xaa: {  	[dreg:$0x4] =	wrdreg $0xC0  }
0xab: {  	_ =	task [dreg:s6], $0x5FFFF  }
0xac: {  	[dreg:$0x1] =	wrdreg $0xFFFFFFFF  }
0xad: {  	[dreg:$0x0] =	wrdreg $0x60  }
0xae: {  	[dreg:$0x2] =	wrdreg s24  }
0xaf: {  	[dreg:$0x3] =	wrdreg $0x90000  }
0xb0: {  	[dreg:$0x4] =	wrdreg $0x9  }
0xb1: {  	_ =	task.clear_ibuf [dreg:s6], $0x5FFFF;
	_ =	strace $0x9000004C  }
0xb2: {  	s29 =	simm.s32 $0x9;
	_ =	strace $0x8000004E  }
0xb3: {  	_ =	swait.ge [sflag:s29], $0x1  }
0xb4: {  	[sflag:s29] =	ssyncadd.s32 $0xFFFFFFFF  }
0xb5: {  	_ =	strace $0x9000004E  }
0xb6: {  	_ =	sfence  }
0xb7: {  	s30 =	sld [smem:$0x0];
	_ =	sdelay $0x2  }
0xb8: {  	s31 =	sshll.u32 s1, $0xD;
	s1 =	sshrl.u32 s1, $0x2  }
0xb9: {  	s3 =	sand.u32 $0x4000, s31;
	s1 =	sadd.s32 s1, s30  }
0xba: {  	s0 =	sor.u32 s3, s0;
	s1 =	sshll.u32 s1, $0x11  }
0xbb: {  	s0 =	sor.u32 s1, s0  }
0xbc: {  	s0 =	sadd.s32 $0x8F2B, s0  }
0xbd: {  	[sflag:s0] =	ssyncadd.remote.s32 $0x1  }
0xbe: {  	_ =	sfence.sel $0xFFFF  }
0xbf: {  	[dreg:$0x0] =	wrdreg $0xFFFFFFFF;
	(pc) =	sbr.abs _section_cstart, $3  }
0xc0: {  	[dreg:$0x1] =	wrdreg $0xFFFFFFFF  }
0xc1: {  	_ =	task.clear_ibuf [dreg:s6], $0x2FFFF;
	_ =	strace $0x9FFFFFFF  }
0xc2: {  	(tm) =	ssettm $0x7FFFFFFF  }
0xc3: {  	_ =	shalt  }
tec
execute0_lowered:
.L_overlay_start_1:
0x0: {  	(tag) =	ssettag $0x1  }
0x1: {  	s0 =	rddreg [dreg:$0x0]  }
0x2: {  	s2 =	rddreg [dreg:$0x1]  }
0x3: {  	s8 =	stileid.u32;
	s3 =	simm.s32 $0x0;
	s1 =	srdreg.scid  }
0x4: {  	s11 =	simm.s32 $0x100;
	s12 =	simm.s32 $0x880;
	s13 =	simm.s32 $0x180  }
0x5: {  	s14 =	simm.s32 $0x900;
	s15 =	simm.s32 $0x200;
	s17 =	simm.s32 $0x980  }
0x6: {  	s19 =	simm.s32 $0x280;
	[smem:$0x7FF] =	sst s3;
	s9 =	sadd.s32 $0x54600, s0  }
0x7: {  	s20 =	simm.s32 $0xA00;
	_ =	strace $0x8000004D;
	[dreg:$0x11] =	wrdreg s9  }
0x8: {  	s21 =	simm.s32 $0x300;
	s22 =	simm.s32 $0xA80;
	[dreg:$0x3] =	wrdreg s11  }
0x9: {  	s23 =	simm.s32 $0x380;
	s28 =	simm.s32 $0xD80;
	[dreg:$0x4] =	wrdreg s12  }
0xa: {  	s29 =	simm.s32 $0x680;
	s4 =	smul.u32 $0x30, s8;
	[dreg:$0x5] =	wrdreg s13  }
0xb: {  	s30 =	simm.s32 $0xE00;
	s5 =	smul.u32 $0x110, s8;
	[dreg:$0x6] =	wrdreg s14  }
0xc: {  	s31 =	simm.s32 $0x700;
	s24 =	smul.u32 $0x14000, s8;
	[dreg:$0x7] =	wrdreg s15  }
0xd: {  	s1 =	sand.u32 $0x1, s1;
	s25 =	smul.u32 $0x50000, s8;
	[dreg:$0x8] =	wrdreg s17  }
0xe: {  	s10 =	sshll.u32 s8, $0x6;
	s8 =	simm.s32 $0x11;
	[dreg:$0x9] =	wrdreg s19  }
0xf: {  	p0 =	seq.s32 s1, $0x0;
	s6 =	smul.u32 $0x140000, s1;
	[dreg:$0xa] =	wrdreg s20  }
0x10: {  	s1 =	ssub.s32 $0x2, s1;
	s10 =	sor.u32 $0x1C03, s10;
	[dreg:$0xb] =	wrdreg s21  }
0x11: {  	s13 =	simm.s32 $0x3;
	s14 =	simm.s32 $0x800;
	[dreg:$0xc] =	wrdreg s22  }
0x12: {  	s15 =	simm.s32 $0x80;
	[dreg:$0xd] =	wrdreg s23;
	s17 =	simm.s32 $0x5000  }
0x13: {  	s19 =	simm.s32 $0x2;
	s20 =	simm.s32 $0x480;
	s21 =	simm.s32 $0xC00  }
0x14: {  	s22 =	simm.s32 $0x500;
	s23 =	simm.s32 $0xC80;
	s4 =	sadd.s32 $0x1100, s4  }
0x15: {  	s26 =	sshrl.u32 s1, $0x1;
	s9 =	sshrl.u32 s25, $0x2;
	s8 =	simm.s32 @!p0 $0x3  }
0x16: {  	s25 =	simm.s32 $0x400;
	s4 =	smov.u32 @p0 s5;
	s5 =	sadd.s32 s24, s6  }
0x17: {  	s1 =	ssub.s32 s1, s26;
	[dreg:$0x12] =	wrdreg s8;
	s24 =	simm.s32 $0xB00  }
0x18: {  	[dreg:$0xf] =	wrdreg s25;
	s26 =	simm.s32 $0xB80;
	s25 =	simm.s32 $0xD00  }
0x19: {  	s8 =	simm.s32 $0xF80;
	s4 =	sshll.u32 s4, $0x4;
	[dreg:$0xe] =	wrdreg s24  }
0x1a: {  	s5 =	sshrl.u32 s5, $0x3;
	s1 =	smax.u32 s1, $0x1;
	[dreg:$0x10] =	wrdreg s26  }
0x1b: {  	s24 =	simm.s32 $0x580;
	s26 =	simm.s32 $0x600;
	s7 =	sadd.s32 s4, s0  }
0x1c: {  	s4 =	sadd.s32 $0x4600, s0;
	s0 =	sadd.s32 s5, s0;
	s5 =	sadd.s32 s9, s2  }
0x1d: {  	[dreg:$0x14] =	wrdreg s1;
	s1 =	simm.s32 $0x780;
	s0 =	sadd.s32 $0x56E00, s0  }
0x1e: {  	s9 =	simm.s32 $0x0;
	s16 =	sadd.s32 $0x2C600, s7;
	[dreg:$0x13] =	wrdreg s0  }
0x1f: {  	s18 =	sadd.s32 $0x40600, s7;
	s11 =	sshrl.u32 s5, $0x3;
	[dreg:$0x15] =	wrdreg s16  }
0x20: {  	s5 =	simm.s32 $0xF00;
	[dreg:$0x16] =	wrdreg s18;
	s16 =	simm.s32 $0x1000  }
0x21: {  	s18 =	simm.s32 $0x1;
	s0 =	simm.s32 $0xE80;
	[dreg:$0x17] =	wrdreg s11  }
.LBB2_1:
0x22: {  	s6 =	rddreg [dreg:$0x11]  }
0x23: {  	[spmem:s11], [sflag:s10] =	dma.local [hbm:s6], $0x2800  }
0x24: {  	_ =	swait.ge [sflag:s13], $0x2800  }
0x25: {  	[sflag:s13] =	ssyncset.done $0x0  }
0x26: {  	[sflag:s13] =	ssyncadd.s32 $0xFFFFD800  }
0x27: {  	[bflag:$0x0] =	sbarrier.arrive $0xFFFF  }
0x28: {  	s11 =	rddreg [dreg:$0x16]  }
0x29: {  	[tilespmem:s3], [sflag:$0x3] =	stream.linear.gather [hbm4b:s11+s3], $0x800, $0x38;
	[tilespmem:$0x1D000] =	vst v63  }
0x2a: {  	_ =	swait.ge [sflag:s13], $0x800  }
0x2b: {  	[sflag:s13] =	ssyncset.done $0x0  }
0x2c: {  	s7 =	smov.u32 s10;
	s10 =	rddreg [dreg:$0x15];
	[sflag:s13] =	ssyncadd.s32 $0xFFFFF800  }
0x2d: {  	[tilespmem:s14], [sflag:$0x3] =	stream.linear.gather [hbm4b:s10+s3], $0x800, $0x38;
	[tilespmem:$0x1D000] =	vst v63  }
0x2e: {  	_ =	swait.ge [sflag:s13], $0x800  }
0x2f: {  	[sflag:s13] =	ssyncset.done $0x0  }
0x30: {  	[sflag:s13] =	ssyncadd.s32 $0xFFFFF800  }
0x31: {  	[tilespmem:s16], [sflag:$0x1] =	stream.indirect.gather [hbm4b:s4+s15], $0x80, s3, s15, $0xb8;
	[tilespmem:$0x1D000] =	vst v63  }
0x32: {  	_ = 	snop  }
0x33: {  	[tilespmem:s17], [sflag:$0x2] =	stream.indirect.gather [hbm4b:s4+s15], $0x80, s15, s15, $0xb8;
	[tilespmem:$0x1D000] =	vst v63  }
0x34: {  	_ =	swait.ge [sflag:s18], $0x4000  }
0x35: {  	[sflag:s18] =	ssyncset.done $0x0  }
0x36: {  	[sflag:s18] =	ssyncadd.s32 $0xFFFFC000  }
0x37: {  	[spmem:s2] =	stream.indirect.scatter.add.f32 [tilespmem:s16], [sflag:$0x3], $0x80, s14, s15, $0xb8;
	[tilespmem:$0x1D000] =	vst v63  }
0x38: {  	_ =	swait.ge [sflag:s13], $0x4000  }
0x39: {  	[sflag:s13] =	ssyncset.done $0x0  }
0x3a: {  	s12 =	rddreg [dreg:$0x3];
	[sflag:s13] =	ssyncadd.s32 $0xFFFFC000  }
0x3b: {  	[tilespmem:s16], [sflag:$0x1] =	stream.indirect.gather [hbm4b:s4+s15], $0x80, s12, s15, $0xb8;
	[tilespmem:$0x1D000] =	vst v63  }
0x3c: {  	_ =	swait.ge [sflag:s19], $0x4000  }
0x3d: {  	[sflag:s19] =	ssyncset.done $0x0  }
0x3e: {  	s12 =	rddreg [dreg:$0x4];
	[sflag:s19] =	ssyncadd.s32 $0xFFFFC000  }
0x3f: {  	[spmem:s2] =	stream.indirect.scatter.add.f32 [tilespmem:s17], [sflag:$0x3], $0x80, s12, s15, $0xb8;
	[tilespmem:$0x1D000] =	vst v63  }
0x40: {  	_ =	swait.ge [sflag:s13], $0x4000  }
0x41: {  	[sflag:s13] =	ssyncset.done $0x0  }
0x42: {  	s12 =	rddreg [dreg:$0x5];
	[sflag:s13] =	ssyncadd.s32 $0xFFFFC000  }
0x43: {  	[tilespmem:s17], [sflag:$0x2] =	stream.indirect.gather [hbm4b:s4+s15], $0x80, s12, s15, $0xb8;
	[tilespmem:$0x1D000] =	vst v63  }
0x44: {  	_ =	swait.ge [sflag:s18], $0x4000  }
0x45: {  	[sflag:s18] =	ssyncset.done $0x0  }
0x46: {  	s12 =	rddreg [dreg:$0x6];
	[sflag:s18] =	ssyncadd.s32 $0xFFFFC000  }
0x47: {  	[spmem:s2] =	stream.indirect.scatter.add.f32 [tilespmem:s16], [sflag:$0x3], $0x80, s12, s15, $0xb8;
	[tilespmem:$0x1D000] =	vst v63  }
0x48: {  	_ =	swait.ge [sflag:s13], $0x4000  }
0x49: {  	[sflag:s13] =	ssyncset.done $0x0  }
0x4a: {  	s12 =	rddreg [dreg:$0x7];
	[sflag:s13] =	ssyncadd.s32 $0xFFFFC000  }
0x4b: {  	[tilespmem:s16], [sflag:$0x1] =	stream.indirect.gather [hbm4b:s4+s15], $0x80, s12, s15, $0xb8;
	[tilespmem:$0x1D000] =	vst v63  }
0x4c: {  	_ =	swait.ge [sflag:s19], $0x4000  }
0x4d: {  	[sflag:s19] =	ssyncset.done $0x0  }
0x4e: {  	s12 =	rddreg [dreg:$0x8];
	[sflag:s19] =	ssyncadd.s32 $0xFFFFC000  }
0x4f: {  	[spmem:s2] =	stream.indirect.scatter.add.f32 [tilespmem:s17], [sflag:$0x3], $0x80, s12, s15, $0xb8;
	[tilespmem:$0x1D000] =	vst v63  }
0x50: {  	_ =	swait.ge [sflag:s13], $0x4000  }
0x51: {  	[sflag:s13] =	ssyncset.done $0x0  }
0x52: {  	s12 =	rddreg [dreg:$0x9];
	[sflag:s13] =	ssyncadd.s32 $0xFFFFC000  }
0x53: {  	[tilespmem:s17], [sflag:$0x2] =	stream.indirect.gather [hbm4b:s4+s15], $0x80, s12, s15, $0xb8;
	[tilespmem:$0x1D000] =	vst v63  }
0x54: {  	_ =	swait.ge [sflag:s18], $0x4000  }
0x55: {  	[sflag:s18] =	ssyncset.done $0x0  }
0x56: {  	s12 =	rddreg [dreg:$0xa];
	[sflag:s18] =	ssyncadd.s32 $0xFFFFC000  }
0x57: {  	[spmem:s2] =	stream.indirect.scatter.add.f32 [tilespmem:s16], [sflag:$0x3], $0x80, s12, s15, $0xb8;
	[tilespmem:$0x1D000] =	vst v63  }
0x58: {  	_ =	swait.ge [sflag:s13], $0x4000  }
0x59: {  	[sflag:s13] =	ssyncset.done $0x0  }
0x5a: {  	s12 =	rddreg [dreg:$0xb];
	[sflag:s13] =	ssyncadd.s32 $0xFFFFC000  }
0x5b: {  	[tilespmem:s16], [sflag:$0x1] =	stream.indirect.gather [hbm4b:s4+s15], $0x80, s12, s15, $0xb8;
	[tilespmem:$0x1D000] =	vst v63  }
0x5c: {  	_ =	swait.ge [sflag:s19], $0x4000  }
0x5d: {  	[sflag:s19] =	ssyncset.done $0x0  }
0x5e: {  	s12 =	rddreg [dreg:$0xc];
	[sflag:s19] =	ssyncadd.s32 $0xFFFFC000  }
0x5f: {  	[spmem:s2] =	stream.indirect.scatter.add.f32 [tilespmem:s17], [sflag:$0x3], $0x80, s12, s15, $0xb8;
	[tilespmem:$0x1D000] =	vst v63  }
0x60: {  	_ =	swait.ge [sflag:s13], $0x4000  }
0x61: {  	[sflag:s13] =	ssyncset.done $0x0  }
0x62: {  	s12 =	rddreg [dreg:$0xd];
	[sflag:s13] =	ssyncadd.s32 $0xFFFFC000  }
0x63: {  	[tilespmem:s17], [sflag:$0x2] =	stream.indirect.gather [hbm4b:s4+s15], $0x80, s12, s15, $0xb8;
	[tilespmem:$0x1D000] =	vst v63  }
0x64: {  	_ =	swait.ge [sflag:s18], $0x4000  }
0x65: {  	[sflag:s18] =	ssyncset.done $0x0  }
0x66: {  	s12 =	rddreg [dreg:$0xe];
	[sflag:s18] =	ssyncadd.s32 $0xFFFFC000  }
0x67: {  	[spmem:s2] =	stream.indirect.scatter.add.f32 [tilespmem:s16], [sflag:$0x3], $0x80, s12, s15, $0xb8;
	[tilespmem:$0x1D000] =	vst v63  }
0x68: {  	_ =	swait.ge [sflag:s13], $0x4000  }
0x69: {  	[sflag:s13] =	ssyncset.done $0x0  }
0x6a: {  	s12 =	rddreg [dreg:$0xf];
	[sflag:s13] =	ssyncadd.s32 $0xFFFFC000  }
0x6b: {  	[tilespmem:s16], [sflag:$0x1] =	stream.indirect.gather [hbm4b:s4+s15], $0x80, s12, s15, $0xb8;
	[tilespmem:$0x1D000] =	vst v63  }
0x6c: {  	_ =	swait.ge [sflag:s19], $0x4000  }
0x6d: {  	[sflag:s19] =	ssyncset.done $0x0  }
0x6e: {  	s12 =	rddreg [dreg:$0x10];
	[sflag:s19] =	ssyncadd.s32 $0xFFFFC000  }
0x6f: {  	[spmem:s2] =	stream.indirect.scatter.add.f32 [tilespmem:s17], [sflag:$0x3], $0x80, s12, s15, $0xb8;
	[tilespmem:$0x1D000] =	vst v63  }
0x70: {  	_ =	swait.ge [sflag:s13], $0x4000  }
0x71: {  	[sflag:s13] =	ssyncset.done $0x0  }
0x72: {  	[sflag:s13] =	ssyncadd.s32 $0xFFFFC000  }
0x73: {  	[tilespmem:s17], [sflag:$0x2] =	stream.indirect.gather [hbm4b:s4+s15], $0x80, s20, s15, $0xb8;
	[tilespmem:$0x1D000] =	vst v63  }
0x74: {  	_ =	swait.ge [sflag:s18], $0x4000  }
0x75: {  	[sflag:s18] =	ssyncset.done $0x0  }
0x76: {  	[sflag:s18] =	ssyncadd.s32 $0xFFFFC000  }
0x77: {  	[spmem:s2] =	stream.indirect.scatter.add.f32 [tilespmem:s16], [sflag:$0x3], $0x80, s21, s15, $0xb8;
	[tilespmem:$0x1D000] =	vst v63  }
0x78: {  	_ =	swait.ge [sflag:s13], $0x4000  }
0x79: {  	[sflag:s13] =	ssyncset.done $0x0  }
0x7a: {  	[sflag:s13] =	ssyncadd.s32 $0xFFFFC000  }
0x7b: {  	[tilespmem:s16], [sflag:$0x1] =	stream.indirect.gather [hbm4b:s4+s15], $0x80, s22, s15, $0xb8;
	[tilespmem:$0x1D000] =	vst v63  }
0x7c: {  	_ =	swait.ge [sflag:s19], $0x4000  }
0x7d: {  	[sflag:s19] =	ssyncset.done $0x0  }
0x7e: {  	[sflag:s19] =	ssyncadd.s32 $0xFFFFC000  }
0x7f: {  	[spmem:s2] =	stream.indirect.scatter.add.f32 [tilespmem:s17], [sflag:$0x3], $0x80, s23, s15, $0xb8;
	[tilespmem:$0x1D000] =	vst v63  }
0x80: {  	_ =	swait.ge [sflag:s13], $0x4000  }
0x81: {  	[sflag:s13] =	ssyncset.done $0x0  }
0x82: {  	[sflag:s13] =	ssyncadd.s32 $0xFFFFC000  }
0x83: {  	[tilespmem:s17], [sflag:$0x2] =	stream.indirect.gather [hbm4b:s4+s15], $0x80, s24, s15, $0xb8;
	[tilespmem:$0x1D000] =	vst v63  }
0x84: {  	_ =	swait.ge [sflag:s18], $0x4000  }
0x85: {  	[sflag:s18] =	ssyncset.done $0x0  }
0x86: {  	[sflag:s18] =	ssyncadd.s32 $0xFFFFC000  }
0x87: {  	[spmem:s2] =	stream.indirect.scatter.add.f32 [tilespmem:s16], [sflag:$0x3], $0x80, s25, s15, $0xb8;
	[tilespmem:$0x1D000] =	vst v63  }
0x88: {  	_ =	swait.ge [sflag:s13], $0x4000  }
0x89: {  	[sflag:s13] =	ssyncset.done $0x0  }
0x8a: {  	[sflag:s13] =	ssyncadd.s32 $0xFFFFC000  }
0x8b: {  	[tilespmem:s16], [sflag:$0x1] =	stream.indirect.gather [hbm4b:s4+s15], $0x80, s26, s15, $0xb8;
	[tilespmem:$0x1D000] =	vst v63  }
0x8c: {  	_ =	swait.ge [sflag:s19], $0x4000  }
0x8d: {  	[sflag:s19] =	ssyncset.done $0x0  }
0x8e: {  	[sflag:s19] =	ssyncadd.s32 $0xFFFFC000  }
0x8f: {  	[spmem:s2] =	stream.indirect.scatter.add.f32 [tilespmem:s17], [sflag:$0x3], $0x80, s28, s15, $0xb8;
	[tilespmem:$0x1D000] =	vst v63  }
0x90: {  	_ =	swait.ge [sflag:s13], $0x4000  }
0x91: {  	[sflag:s13] =	ssyncset.done $0x0  }
0x92: {  	[sflag:s13] =	ssyncadd.s32 $0xFFFFC000  }
0x93: {  	[tilespmem:s17], [sflag:$0x2] =	stream.indirect.gather [hbm4b:s4+s15], $0x80, s29, s15, $0xb8;
	[tilespmem:$0x1D000] =	vst v63  }
0x94: {  	_ =	swait.ge [sflag:s18], $0x4000  }
0x95: {  	[sflag:s18] =	ssyncset.done $0x0  }
0x96: {  	[sflag:s18] =	ssyncadd.s32 $0xFFFFC000  }
0x97: {  	[spmem:s2] =	stream.indirect.scatter.add.f32 [tilespmem:s16], [sflag:$0x3], $0x80, s30, s15, $0xb8;
	[tilespmem:$0x1D000] =	vst v63  }
0x98: {  	_ =	swait.ge [sflag:s13], $0x4000  }
0x99: {  	[sflag:s13] =	ssyncset.done $0x0  }
0x9a: {  	[sflag:s13] =	ssyncadd.s32 $0xFFFFC000  }
0x9b: {  	[tilespmem:s16], [sflag:$0x1] =	stream.indirect.gather [hbm4b:s4+s15], $0x80, s31, s15, $0xb8;
	[tilespmem:$0x1D000] =	vst v63  }
0x9c: {  	_ =	swait.ge [sflag:s19], $0x4000  }
0x9d: {  	[sflag:s19] =	ssyncset.done $0x0  }
0x9e: {  	[sflag:s19] =	ssyncadd.s32 $0xFFFFC000  }
0x9f: {  	[spmem:s2] =	stream.indirect.scatter.add.f32 [tilespmem:s17], [sflag:$0x3], $0x80, s0, s15, $0xb8;
	[tilespmem:$0x1D000] =	vst v63  }
0xa0: {  	_ =	swait.ge [sflag:s13], $0x4000  }
0xa1: {  	[sflag:s13] =	ssyncset.done $0x0  }
0xa2: {  	[sflag:s13] =	ssyncadd.s32 $0xFFFFC000  }
0xa3: {  	[tilespmem:s17], [sflag:$0x2] =	stream.indirect.gather [hbm4b:s4+s15], $0x80, s1, s15, $0xb8;
	[tilespmem:$0x1D000] =	vst v63  }
0xa4: {  	_ =	swait.ge [sflag:s18], $0x4000  }
0xa5: {  	[sflag:s18] =	ssyncset.done $0x0  }
0xa6: {  	[sflag:s18] =	ssyncadd.s32 $0xFFFFC000  }
0xa7: {  	[spmem:s2] =	stream.indirect.scatter.add.f32 [tilespmem:s16], [sflag:$0x3], $0x80, s5, s15, $0xb8;
	[tilespmem:$0x1D000] =	vst v63  }
0xa8: {  	_ =	swait.ge [sflag:s13], $0x4000  }
0xa9: {  	[sflag:s13] =	ssyncset.done $0x0  }
0xaa: {  	[sflag:s13] =	ssyncadd.s32 $0xFFFFC000  }
0xab: {  	_ =	swait.ge [sflag:s19], $0x4000  }
0xac: {  	s12 =	rddreg [dreg:$0x12]  }
0xad: {  	p0 =	sne.s32 s12, $0x1  }
.Ltmp0:
0xae: {  	[sflag:s19] =	ssyncset.done $0x0;
	(pc) =	sbr.rel @!p0 .LBB2_3-.Ltmp0, $4  }
0xaf: {  	[sflag:s19] =	ssyncadd.s32 $0xFFFFC000  }
0xb0: {  	[spmem:s2] =	stream.indirect.scatter.add.f32 [tilespmem:s17], [sflag:$0x3], $0x80, s8, s15, $0xb8;
	[tilespmem:$0x1D000] =	vst v63  }
0xb1: {  	_ =	swait.ge [sflag:s13], $0x4000  }
0xb2: {  	s6 =	sadd.s32 $0xFFFFFFFF, s12;
	[sflag:s13] =	ssyncset.done $0x0  }
.LBB2_2:
0xb3: {  	[sflag:s13] =	ssyncadd.s32 $0xFFFFC000;
	s11 =	sadd.s32 $0x100, s11  }
0xb4: {  	[tilespmem:s3], [sflag:$0x3] =	stream.linear.gather [hbm4b:s11+s3], $0x800, $0x38;
	[tilespmem:$0x1D000] =	vst v63  }
0xb5: {  	_ =	swait.ge [sflag:s13], $0x800  }
0xb6: {  	[sflag:s13] =	ssyncset.done $0x0  }
0xb7: {  	s10 =	sadd.s32 $0x100, s10;
	[sflag:s13] =	ssyncadd.s32 $0xFFFFF800  }
0xb8: {  	[tilespmem:s14], [sflag:$0x3] =	stream.linear.gather [hbm4b:s10+s3], $0x800, $0x38;
	[tilespmem:$0x1D000] =	vst v63  }
0xb9: {  	_ =	swait.ge [sflag:s13], $0x800  }
0xba: {  	[sflag:s13] =	ssyncset.done $0x0  }
0xbb: {  	[sflag:s13] =	ssyncadd.s32 $0xFFFFF800  }
0xbc: {  	[tilespmem:s16], [sflag:$0x1] =	stream.indirect.gather [hbm4b:s4+s15], $0x80, s3, s15, $0xb8;
	[tilespmem:$0x1D000] =	vst v63  }
0xbd: {  	_ = 	snop  }
0xbe: {  	[tilespmem:s17], [sflag:$0x2] =	stream.indirect.gather [hbm4b:s4+s15], $0x80, s15, s15, $0xb8;
	[tilespmem:$0x1D000] =	vst v63  }
0xbf: {  	_ =	swait.ge [sflag:s18], $0x4000  }
0xc0: {  	[sflag:s18] =	ssyncset.done $0x0  }
0xc1: {  	[sflag:s18] =	ssyncadd.s32 $0xFFFFC000  }
0xc2: {  	[spmem:s2] =	stream.indirect.scatter.add.f32 [tilespmem:s16], [sflag:$0x3], $0x80, s14, s15, $0xb8;
	[tilespmem:$0x1D000] =	vst v63  }
0xc3: {  	_ =	swait.ge [sflag:s13], $0x4000  }
0xc4: {  	[sflag:s13] =	ssyncset.done $0x0  }
0xc5: {  	s12 =	rddreg [dreg:$0x3];
	[sflag:s13] =	ssyncadd.s32 $0xFFFFC000  }
0xc6: {  	[tilespmem:s16], [sflag:$0x1] =	stream.indirect.gather [hbm4b:s4+s15], $0x80, s12, s15, $0xb8;
	[tilespmem:$0x1D000] =	vst v63  }
0xc7: {  	_ =	swait.ge [sflag:s19], $0x4000  }
0xc8: {  	[sflag:s19] =	ssyncset.done $0x0  }
0xc9: {  	s12 =	rddreg [dreg:$0x4];
	[sflag:s19] =	ssyncadd.s32 $0xFFFFC000  }
0xca: {  	[spmem:s2] =	stream.indirect.scatter.add.f32 [tilespmem:s17], [sflag:$0x3], $0x80, s12, s15, $0xb8;
	[tilespmem:$0x1D000] =	vst v63  }
0xcb: {  	_ =	swait.ge [sflag:s13], $0x4000  }
0xcc: {  	[sflag:s13] =	ssyncset.done $0x0  }
0xcd: {  	s12 =	rddreg [dreg:$0x5];
	[sflag:s13] =	ssyncadd.s32 $0xFFFFC000  }
0xce: {  	[tilespmem:s17], [sflag:$0x2] =	stream.indirect.gather [hbm4b:s4+s15], $0x80, s12, s15, $0xb8;
	[tilespmem:$0x1D000] =	vst v63  }
0xcf: {  	_ =	swait.ge [sflag:s18], $0x4000  }
0xd0: {  	[sflag:s18] =	ssyncset.done $0x0  }
0xd1: {  	s12 =	rddreg [dreg:$0x6];
	[sflag:s18] =	ssyncadd.s32 $0xFFFFC000  }
0xd2: {  	[spmem:s2] =	stream.indirect.scatter.add.f32 [tilespmem:s16], [sflag:$0x3], $0x80, s12, s15, $0xb8;
	[tilespmem:$0x1D000] =	vst v63  }
0xd3: {  	_ =	swait.ge [sflag:s13], $0x4000  }
0xd4: {  	[sflag:s13] =	ssyncset.done $0x0  }
0xd5: {  	s12 =	rddreg [dreg:$0x7];
	[sflag:s13] =	ssyncadd.s32 $0xFFFFC000  }
0xd6: {  	[tilespmem:s16], [sflag:$0x1] =	stream.indirect.gather [hbm4b:s4+s15], $0x80, s12, s15, $0xb8;
	[tilespmem:$0x1D000] =	vst v63  }
0xd7: {  	_ =	swait.ge [sflag:s19], $0x4000  }
0xd8: {  	[sflag:s19] =	ssyncset.done $0x0  }
0xd9: {  	s12 =	rddreg [dreg:$0x8];
	[sflag:s19] =	ssyncadd.s32 $0xFFFFC000  }
0xda: {  	[spmem:s2] =	stream.indirect.scatter.add.f32 [tilespmem:s17], [sflag:$0x3], $0x80, s12, s15, $0xb8;
	[tilespmem:$0x1D000] =	vst v63  }
0xdb: {  	_ =	swait.ge [sflag:s13], $0x4000  }
0xdc: {  	[sflag:s13] =	ssyncset.done $0x0  }
0xdd: {  	s12 =	rddreg [dreg:$0x9];
	[sflag:s13] =	ssyncadd.s32 $0xFFFFC000  }
0xde: {  	[tilespmem:s17], [sflag:$0x2] =	stream.indirect.gather [hbm4b:s4+s15], $0x80, s12, s15, $0xb8;
	[tilespmem:$0x1D000] =	vst v63  }
0xdf: {  	_ =	swait.ge [sflag:s18], $0x4000  }
0xe0: {  	[sflag:s18] =	ssyncset.done $0x0  }
0xe1: {  	s12 =	rddreg [dreg:$0xa];
	[sflag:s18] =	ssyncadd.s32 $0xFFFFC000  }
0xe2: {  	[spmem:s2] =	stream.indirect.scatter.add.f32 [tilespmem:s16], [sflag:$0x3], $0x80, s12, s15, $0xb8;
	[tilespmem:$0x1D000] =	vst v63  }
0xe3: {  	_ =	swait.ge [sflag:s13], $0x4000  }
0xe4: {  	[sflag:s13] =	ssyncset.done $0x0  }
0xe5: {  	s12 =	rddreg [dreg:$0xb];
	[sflag:s13] =	ssyncadd.s32 $0xFFFFC000  }
0xe6: {  	[tilespmem:s16], [sflag:$0x1] =	stream.indirect.gather [hbm4b:s4+s15], $0x80, s12, s15, $0xb8;
	[tilespmem:$0x1D000] =	vst v63  }
0xe7: {  	_ =	swait.ge [sflag:s19], $0x4000  }
0xe8: {  	[sflag:s19] =	ssyncset.done $0x0  }
0xe9: {  	s12 =	rddreg [dreg:$0xc];
	[sflag:s19] =	ssyncadd.s32 $0xFFFFC000  }
0xea: {  	[spmem:s2] =	stream.indirect.scatter.add.f32 [tilespmem:s17], [sflag:$0x3], $0x80, s12, s15, $0xb8;
	[tilespmem:$0x1D000] =	vst v63  }
0xeb: {  	_ =	swait.ge [sflag:s13], $0x4000  }
0xec: {  	[sflag:s13] =	ssyncset.done $0x0  }
0xed: {  	s12 =	rddreg [dreg:$0xd];
	[sflag:s13] =	ssyncadd.s32 $0xFFFFC000  }
0xee: {  	[tilespmem:s17], [sflag:$0x2] =	stream.indirect.gather [hbm4b:s4+s15], $0x80, s12, s15, $0xb8;
	[tilespmem:$0x1D000] =	vst v63  }
0xef: {  	_ =	swait.ge [sflag:s18], $0x4000  }
0xf0: {  	[sflag:s18] =	ssyncset.done $0x0  }
0xf1: {  	s12 =	rddreg [dreg:$0xe];
	[sflag:s18] =	ssyncadd.s32 $0xFFFFC000  }
0xf2: {  	[spmem:s2] =	stream.indirect.scatter.add.f32 [tilespmem:s16], [sflag:$0x3], $0x80, s12, s15, $0xb8;
	[tilespmem:$0x1D000] =	vst v63  }
0xf3: {  	_ =	swait.ge [sflag:s13], $0x4000  }
0xf4: {  	[sflag:s13] =	ssyncset.done $0x0  }
0xf5: {  	s12 =	rddreg [dreg:$0xf];
	[sflag:s13] =	ssyncadd.s32 $0xFFFFC000  }
0xf6: {  	[tilespmem:s16], [sflag:$0x1] =	stream.indirect.gather [hbm4b:s4+s15], $0x80, s12, s15, $0xb8;
	[tilespmem:$0x1D000] =	vst v63  }
0xf7: {  	_ =	swait.ge [sflag:s19], $0x4000  }
0xf8: {  	[sflag:s19] =	ssyncset.done $0x0  }
0xf9: {  	s12 =	rddreg [dreg:$0x10];
	[sflag:s19] =	ssyncadd.s32 $0xFFFFC000  }
0xfa: {  	[spmem:s2] =	stream.indirect.scatter.add.f32 [tilespmem:s17], [sflag:$0x3], $0x80, s12, s15, $0xb8;
	[tilespmem:$0x1D000] =	vst v63  }
0xfb: {  	_ =	swait.ge [sflag:s13], $0x4000  }
0xfc: {  	[sflag:s13] =	ssyncset.done $0x0  }
0xfd: {  	[sflag:s13] =	ssyncadd.s32 $0xFFFFC000  }
0xfe: {  	[tilespmem:s17], [sflag:$0x2] =	stream.indirect.gather [hbm4b:s4+s15], $0x80, s20, s15, $0xb8;
	[tilespmem:$0x1D000] =	vst v63  }
0xff: {  	_ =	swait.ge [sflag:s18], $0x4000  }
0x100: {  	[sflag:s18] =	ssyncset.done $0x0  }
0x101: {  	[sflag:s18] =	ssyncadd.s32 $0xFFFFC000  }
0x102: {  	[spmem:s2] =	stream.indirect.scatter.add.f32 [tilespmem:s16], [sflag:$0x3], $0x80, s21, s15, $0xb8;
	[tilespmem:$0x1D000] =	vst v63  }
0x103: {  	_ =	swait.ge [sflag:s13], $0x4000  }
0x104: {  	[sflag:s13] =	ssyncset.done $0x0  }
0x105: {  	[sflag:s13] =	ssyncadd.s32 $0xFFFFC000  }
0x106: {  	[tilespmem:s16], [sflag:$0x1] =	stream.indirect.gather [hbm4b:s4+s15], $0x80, s22, s15, $0xb8;
	[tilespmem:$0x1D000] =	vst v63  }
0x107: {  	_ =	swait.ge [sflag:s19], $0x4000  }
0x108: {  	[sflag:s19] =	ssyncset.done $0x0  }
0x109: {  	[sflag:s19] =	ssyncadd.s32 $0xFFFFC000  }
0x10a: {  	[spmem:s2] =	stream.indirect.scatter.add.f32 [tilespmem:s17], [sflag:$0x3], $0x80, s23, s15, $0xb8;
	[tilespmem:$0x1D000] =	vst v63  }
0x10b: {  	_ =	swait.ge [sflag:s13], $0x4000  }
0x10c: {  	[sflag:s13] =	ssyncset.done $0x0  }
0x10d: {  	[sflag:s13] =	ssyncadd.s32 $0xFFFFC000  }
0x10e: {  	[tilespmem:s17], [sflag:$0x2] =	stream.indirect.gather [hbm4b:s4+s15], $0x80, s24, s15, $0xb8;
	[tilespmem:$0x1D000] =	vst v63  }
0x10f: {  	_ =	swait.ge [sflag:s18], $0x4000  }
0x110: {  	[sflag:s18] =	ssyncset.done $0x0  }
0x111: {  	[sflag:s18] =	ssyncadd.s32 $0xFFFFC000  }
0x112: {  	[spmem:s2] =	stream.indirect.scatter.add.f32 [tilespmem:s16], [sflag:$0x3], $0x80, s25, s15, $0xb8;
	[tilespmem:$0x1D000] =	vst v63  }
0x113: {  	_ =	swait.ge [sflag:s13], $0x4000  }
0x114: {  	[sflag:s13] =	ssyncset.done $0x0  }
0x115: {  	[sflag:s13] =	ssyncadd.s32 $0xFFFFC000  }
0x116: {  	[tilespmem:s16], [sflag:$0x1] =	stream.indirect.gather [hbm4b:s4+s15], $0x80, s26, s15, $0xb8;
	[tilespmem:$0x1D000] =	vst v63  }
0x117: {  	_ =	swait.ge [sflag:s19], $0x4000  }
0x118: {  	[sflag:s19] =	ssyncset.done $0x0  }
0x119: {  	[sflag:s19] =	ssyncadd.s32 $0xFFFFC000  }
0x11a: {  	[spmem:s2] =	stream.indirect.scatter.add.f32 [tilespmem:s17], [sflag:$0x3], $0x80, s28, s15, $0xb8;
	[tilespmem:$0x1D000] =	vst v63  }
0x11b: {  	_ =	swait.ge [sflag:s13], $0x4000  }
0x11c: {  	[sflag:s13] =	ssyncset.done $0x0  }
0x11d: {  	[sflag:s13] =	ssyncadd.s32 $0xFFFFC000  }
0x11e: {  	[tilespmem:s17], [sflag:$0x2] =	stream.indirect.gather [hbm4b:s4+s15], $0x80, s29, s15, $0xb8;
	[tilespmem:$0x1D000] =	vst v63  }
0x11f: {  	_ =	swait.ge [sflag:s18], $0x4000  }
0x120: {  	[sflag:s18] =	ssyncset.done $0x0  }
0x121: {  	[sflag:s18] =	ssyncadd.s32 $0xFFFFC000  }
0x122: {  	[spmem:s2] =	stream.indirect.scatter.add.f32 [tilespmem:s16], [sflag:$0x3], $0x80, s30, s15, $0xb8;
	[tilespmem:$0x1D000] =	vst v63  }
0x123: {  	_ =	swait.ge [sflag:s13], $0x4000  }
0x124: {  	[sflag:s13] =	ssyncset.done $0x0  }
0x125: {  	[sflag:s13] =	ssyncadd.s32 $0xFFFFC000  }
0x126: {  	[tilespmem:s16], [sflag:$0x1] =	stream.indirect.gather [hbm4b:s4+s15], $0x80, s31, s15, $0xb8;
	[tilespmem:$0x1D000] =	vst v63  }
0x127: {  	_ =	swait.ge [sflag:s19], $0x4000  }
0x128: {  	[sflag:s19] =	ssyncset.done $0x0  }
0x129: {  	[sflag:s19] =	ssyncadd.s32 $0xFFFFC000  }
0x12a: {  	[spmem:s2] =	stream.indirect.scatter.add.f32 [tilespmem:s17], [sflag:$0x3], $0x80, s0, s15, $0xb8;
	[tilespmem:$0x1D000] =	vst v63  }
0x12b: {  	_ =	swait.ge [sflag:s13], $0x4000  }
0x12c: {  	[sflag:s13] =	ssyncset.done $0x0  }
0x12d: {  	[sflag:s13] =	ssyncadd.s32 $0xFFFFC000  }
0x12e: {  	[tilespmem:s17], [sflag:$0x2] =	stream.indirect.gather [hbm4b:s4+s15], $0x80, s1, s15, $0xb8;
	[tilespmem:$0x1D000] =	vst v63  }
0x12f: {  	_ =	swait.ge [sflag:s18], $0x4000  }
0x130: {  	[sflag:s18] =	ssyncset.done $0x0  }
0x131: {  	[sflag:s18] =	ssyncadd.s32 $0xFFFFC000  }
0x132: {  	[spmem:s2] =	stream.indirect.scatter.add.f32 [tilespmem:s16], [sflag:$0x3], $0x80, s5, s15, $0xb8;
	[tilespmem:$0x1D000] =	vst v63  }
0x133: {  	_ =	swait.ge [sflag:s13], $0x4000  }
0x134: {  	[sflag:s13] =	ssyncset.done $0x0  }
0x135: {  	[sflag:s13] =	ssyncadd.s32 $0xFFFFC000  }
0x136: {  	p0 =	sne.s32 s6, $0x1;
	_ =	swait.ge [sflag:s19], $0x4000  }
.Ltmp1:
0x137: {  	[sflag:s19] =	ssyncset.done $0x0;
	(pc) =	sbr.rel @p0 .LBB2_2-.Ltmp1, $4  }
0x138: {  	[sflag:s19] =	ssyncadd.s32 $0xFFFFC000  }
0x139: {  	[spmem:s2] =	stream.indirect.scatter.add.f32 [tilespmem:s17], [sflag:$0x3], $0x80, s8, s15, $0xb8;
	[tilespmem:$0x1D000] =	vst v63  }
0x13a: {  	_ =	swait.ge [sflag:s13], $0x4000  }
0x13b: {  	s6 =	sadd.s32 $0xFFFFFFFF, s6;
	[sflag:s13] =	ssyncset.done $0x0  }
.LBB2_3:
0x13c: {  	[sflag:s13] =	ssyncadd.s32 $0xFFFFC000  }
0x13d: {  	[bflag:$0x0] =	sbarrier.arrive $0xFFFF  }
0x13e: {  	s6 =	rddreg [dreg:$0x13]  }
0x13f: {  	s11 =	rddreg [dreg:$0x17]  }
0x140: {  	[hbm:s6], [sflag:s7] =	dma.local [spmem:s11], $0x2800  }
0x141: {  	_ =	swait.ge [sflag:s13], $0x2800  }
0x142: {  	s9 =	sadd.s32 $0x1, s9;
	s12 =	rddreg [dreg:$0x14]  }
0x143: {  	p0 =	sne.s32 s9, s12  }
.Ltmp2:
0x144: {  	_ = 	snop;
	(pc) =	sbr.rel @p0 .LBB2_1-.Ltmp2, $3  }
0x145: {  	_ =	sdelay $0x1  }
0x146: {  	[sflag:s13] =	ssyncset.done $0x0  }
0x147: {  	s10 =	smov.u32 s7;
	[sflag:s13] =	ssyncadd.s32 $0xFFFFD800  }
0x148: {  	_ =	sfence.sel $0x180000  }
0x149: {  	[bflag:$0x0] =	sbarrier.arrive $0xFFFF  }
0x14a: {  	_ =	strace $0x9000004D  }
0x14b: {  	s0 =	stileid.u32;
	[bflag:$0x2] =	sbarrier.arrive $0xFFFF  }
0x14c: {  	p0 =	sne.s32 s0, $0x0;
	s0 =	rddreg [dreg:$0x2]  }
0x14d: {  	s0 =	sadd.s32 @!p0 $0x100000, s0  }
0x14e: {  	[sflag:s0] =	ssyncadd.tile.s32 @!p0 $0x1;
	_ =	shalt  }
.Lfunc_end2:
_tile_overlayer_lowered:
.L_overlay_start_2:
0x14f: {  	(tag) =	ssettag $0x2  }
0x150: {  	s0 =	rddreg [dreg:$0x0];
	s2 =	stileid.u32  }
0x151: {  	s1 =	rddreg [dreg:$0x1];
	p0 =	sne.s32 s2, $0x0  }
0x152: {  	s3 =	rddreg [dreg:$0x2];
	[bflag:$0x3] =	sbarrier.arrive $0xFFFF;
	s2 =	simm.s32 @!p0 $0x1C03  }
0x153: {  	[timem:s3], [sflag:s2] =	dma.local @!p0 [hbm:s0], s1  }
0x154: {  	s0 =	simm.s32 @!p0 $0x3  }
0x155: {  	_ =	swait.ge @!p0 [sflag:s0], s1  }
0x156: {  	s1 =	ssub.s32 @!p0 $0x0, s1;
	[sflag:s0] =	ssyncset.done @!p0 $0x0  }
0x157: {  	[sflag:s0] =	ssyncadd.s32 @!p0 s1  }
0x158: {  	[bflag:$0x3] =	sbarrier.arrive $0xFFFF  }
0x159: {  	_ =	shalt  }

// kernel: kernel.8.cloned.1.call-start
scs
__scs_entry_jumppad:
0x0: {  	(pc) =	sbr.rel $0x88, $3  }
0x1: {  	(tag) =	ssettag $0x0;
	lr =	simm.s32 $0x1  }
0x2: {  	[smem:$0x3F93] =	sst lr;
	_ =	strace $0xD0000000  }
0x3: {  	_ = 	snop  }
0x4: {  	_ = 	snop  }
0x5: {  	_ = 	snop  }
0x6: {  	_ = 	snop  }
0x7: {  	_ = 	snop  }
__scs_overlays_trampoline_lowered:
0x8: {  	[smem:$0x3FA2] =	sst s0  }
0x9: {  	[smem:$0x3FA3] =	sst s1  }
0xa: {  	[smem:$0x3FA4] =	sst s2  }
0xb: {  	[smem:$0x3FA5] =	sst s3  }
0xc: {  	[smem:$0x3FA6] =	sst s4  }
0xd: {  	[smem:$0x3FA7] =	sst s5  }
0xe: {  	[smem:$0x3FA8] =	sst s6  }
0xf: {  	[smem:$0x3FA9] =	sst s7  }
0x10: {  	[smem:$0x3FAA] =	sst s8  }
0x11: {  	[smem:$0x3FAB] =	sst s9;
	s0 =	simm.s32 @!p0 $0x0  }
0x12: {  	s1 =	sld [smem:$0x3F91];
	s0 =	simm.s32 @p0 $0x1  }
0x13: {  	[smem:$0x3FAC] =	sst s0;
	s0 =	simm.s32 @!p1 $0x0  }
0x14: {  	s2 =	sld [smem:$0x3F90];
	s0 =	simm.s32 @p1 $0x1  }
0x15: {  	[smem:$0x3FAD] =	sst s0;
	s0 =	simm.s32 @!p2 $0x0  }
0x16: {  	s3 =	sld [smem:$0x3FDB];
	s0 =	simm.s32 @p2 $0x1  }
0x17: {  	s4 =	simm.s32 $0x1BF5;
	[smem:$0x3FAF] =	sst s0  }
0x18: {  	s0 =	sld [smem:$0x3F92];
	_ =	swait.ge [sflag:s4], $0x0  }
0x19: {  	s7 =	sld [smem:$0x3F93]  }
0x1a: {  	s8 =	sadd.s32 $0xFFFFE003, lr  }
0x1b: {  	s9 =	sadd.s32 $0xFFFFFEF7, lr;
	s5 =	simm.s32 $0xFFFFFFFF;
	p2 =	slt.u32 s8, $0xFFFFF086  }
0x1c: {  	p1 =	slt.u32 s9, $0xF7A;
	s5 =	simm.s32 @!p2 $0x0  }
0x1d: {  	s5 =	simm.s32 @p1 $0x1;
	p0 =	seq.s32 s7, s2  }
0x1e: {  	s7 =	smul.u32 @!p0 $0xF7A, s2;
	p2 =	seq.s32 @!p0 s5, $0x0  }
0x1f: {  	s9 =	smul.u32 $0xF7A, s1;
	s8 =	simm.s32 @!p0 $0x1BF5;
	p2 =	por !p2, p0  }
0x20: {  	[sflag:s8] =	ssyncset.s32 @!p0 $0xFFFFF086;
	s6 =	sadd.s32 @!p0 s3, s7;
	s7 =	simm.s32 @!p0 $0x108  }
0x21: {  	s3 =	sadd.s32 s3, s9;
	s6 =	sadd.s32 @!p0 $0x88, s6;
	s7 =	simm.s32 @p2 $0x1082  }
0x22: {  	[simem:s7], [sflag:s8] =	dma.local @!p0 [hbm:s6], $0xF7A  }
0x23: {  	s9 =	sor.u32 $0xD0000000, s2;
	s6 =	simm.s32 $0x108;
	_ =	swait.ge @!p0 [sflag:s8], $0x0  }
0x24: {  	s3 =	sadd.s32 $0x88, s3;
	s6 =	simm.s32 @!p1 $0x1082;
	[sflag:s4] =	ssyncset.s32 $0xFFFFF086  }
0x25: {  	[simem:s6], [sflag:s4] =	dma.local [hbm:s3], $0xF7A  }
0x26: {  	[smem:$0x3F93] =	sst s1;
	(tag) =	ssettag s2;
	_ =	strace s9  }
0x27: {  	s1 =	sld [smem:$0x3FA3]  }
0x28: {  	s2 =	sld [smem:$0x3FA4]  }
0x29: {  	s4 =	sld [smem:$0x3FA6]  }
0x2a: {  	p0 =	seq.s32 s5, $0x0;
	s5 =	sld [smem:$0x3FA7]  }
0x2b: {  	s6 =	sld [smem:$0x3FA8]  }
0x2c: {  	s7 =	sld [smem:$0x3FA9]  }
0x2d: {  	s3 =	simm.s32 $0x108;
	s8 =	sld [smem:$0x3FAA]  }
0x2e: {  	s3 =	simm.s32 @!p0 $0x1082;
	s9 =	sld [smem:$0x3FAB]  }
0x2f: {  	lr =	sadd.s32 s0, s3;
	s0 =	sld [smem:$0x3FA2]  }
0x30: {  	s3 =	sld [smem:$0x3FA5]  }
0x31: {  	[smem:$0x3FAE] =	sst s10  }
0x32: {  	s10 =	sld [smem:$0x3FAC];
	_ =	sdelay $0x3  }
0x33: {  	p0 =	seq.s32 s10, $0x1;
	s10 =	sld [smem:$0x3FAE];
	_ =	sdelay $0x3  }
0x34: {  	[smem:$0x3FAE] =	sst s10  }
0x35: {  	s10 =	sld [smem:$0x3FAD];
	_ =	sdelay $0x3  }
0x36: {  	p1 =	seq.s32 s10, $0x1;
	s10 =	sld [smem:$0x3FAE];
	_ =	sdelay $0x3  }
0x37: {  	[smem:$0x3FAE] =	sst s10  }
0x38: {  	s10 =	sld [smem:$0x3FAF]  }
0x39: {  	_ = 	snop;
	(pc) =	sbr.ind lr, $3  }
0x3a: {  	_ = 	snop  }
0x3b: {  	_ = 	snop  }
0x3c: {  	p2 =	seq.s32 s10, $0x1;
	s10 =	sld [smem:$0x3FAE]  }
0x3d: {  	_ =	shalt  }
0x3e: {  	_ =	shalt  }
0x3f: {  	_ =	shalt  }
0x40: {  	_ =	shalt  }
0x41: {  	_ =	shalt  }
0x42: {  	_ =	shalt  }
0x43: {  	_ =	shalt  }
0x44: {  	_ =	shalt  }
0x45: {  	_ =	shalt  }
0x46: {  	_ =	shalt  }
0x47: {  	_ =	shalt  }
0x48: {  	_ =	shalt  }
0x49: {  	_ =	shalt  }
0x4a: {  	_ =	shalt  }
0x4b: {  	_ =	shalt  }
0x4c: {  	_ =	shalt  }
0x4d: {  	_ =	shalt  }
0x4e: {  	_ =	shalt  }
0x4f: {  	_ =	shalt  }
0x50: {  	_ =	shalt  }
0x51: {  	_ =	shalt  }
0x52: {  	_ =	shalt  }
0x53: {  	_ =	shalt  }
0x54: {  	_ =	shalt  }
0x55: {  	_ =	shalt  }
0x56: {  	_ =	shalt  }
0x57: {  	_ =	shalt  }
0x58: {  	_ =	shalt  }
0x59: {  	_ =	shalt  }
0x5a: {  	_ =	shalt  }
0x5b: {  	_ =	shalt  }
0x5c: {  	_ =	shalt  }
0x5d: {  	_ =	shalt  }
0x5e: {  	_ =	shalt  }
0x5f: {  	_ =	shalt  }
0x60: {  	_ =	shalt  }
0x61: {  	_ =	shalt  }
0x62: {  	_ =	shalt  }
0x63: {  	_ =	shalt  }
0x64: {  	_ =	shalt  }
0x65: {  	_ =	shalt  }
0x66: {  	_ =	shalt  }
0x67: {  	_ =	shalt  }
0x68: {  	_ =	shalt  }
0x69: {  	_ =	shalt  }
0x6a: {  	_ =	shalt  }
0x6b: {  	_ =	shalt  }
0x6c: {  	_ =	shalt  }
0x6d: {  	_ =	shalt  }
0x6e: {  	_ =	shalt  }
0x6f: {  	_ =	shalt  }
0x70: {  	_ =	shalt  }
0x71: {  	_ =	shalt  }
0x72: {  	_ =	shalt  }
0x73: {  	_ =	shalt  }
0x74: {  	_ =	shalt  }
0x75: {  	_ =	shalt  }
0x76: {  	_ =	shalt  }
0x77: {  	_ =	shalt  }
0x78: {  	_ =	shalt  }
0x79: {  	_ =	shalt  }
0x7a: {  	_ =	shalt  }
0x7b: {  	_ =	shalt  }
0x7c: {  	_ =	shalt  }
0x7d: {  	_ =	shalt  }
0x7e: {  	_ =	shalt  }
0x7f: {  	_ =	shalt  }
0x80: {  	_ =	shalt  }
0x81: {  	_ =	shalt  }
0x82: {  	_ =	shalt  }
0x83: {  	_ =	shalt  }
0x84: {  	_ =	shalt  }
0x85: {  	_ =	shalt  }
0x86: {  	_ =	shalt  }
0x87: {  	_ =	shalt  }
.Lfunc_end0:
.L_simem_size_0:
called_computation_lowered:
.L_overlay_start_0:
0x88: {  	s2 =	sld [smem:$0x3FD9]  }
0x89: {  	s3 =	sld [smem:$0x3FFE];
	_ =	sdelay $0x1  }
0x8a: {  	s1 =	srdreg.scid  }
0x8b: {  	s0 =	sand.u32 $0x1, s1  }
0x8c: {  	s16 =	sshll.u32 s0, $0xA;
	s2 =	sadd.s32 s3, s2  }
0x8d: {  	s2 =	sadd.s32 s2, s16  }
0x8e: {  	[smem:$0x3FBA] =	sst s2  }
0x8f: {  	_ = 	snop  }
0x90: {  	(tm) =	ssettm $0x1  }
0x91: {  	s17 =	sld [smem:$0x3FFB];
	_ =	sdelay $0x3  }
0x92: {  	_ =	strace s17  }
0x93: {  	s2 =	sld [smem:$0x3FFC];
	_ =	sdelay $0x3  }
0x94: {  	_ =	strace s2  }
0x95: {  	s2 =	sld [smem:$0x3FFD];
	_ =	sdelay $0x3  }
0x96: {  	_ =	strace s2  }
0x97: {  	_ =	strace $0x8FFFFFFF  }
0x98: {  	s18 =	sld [smem:$0x3FDB];
	_ =	sdelay $0x1  }
0x99: {  	s19 =	simm.s32 $_scs_section_size  }
0x9a: {  	s4 =	simm.s32 $_size__tile_overlayer_lowered;
	s5 =	simm.s32 $_tile_overlayer_lowered  }
0x9b: {  	s22 =	simm.s32 $0x1BFF;
	s21 =	sshll.u32 s5, $0x1;
	s2 =	sadd.s32 s19, s18  }
0x9c: {  	s6 =	simm.s32 $0x0;
	s20 =	sshll.u32 s4, $0x1;
	s4 =	sadd.s32 s21, s2  }
0x9d: {  	[timem:s6], [sflag:s22] =	dma.local [hbm:s4], s20  }
0x9e: {  	_ =	swait.ge [sflag:s22], s20  }
0x9f: {  	s3 =	ssub.s32 $0x0, s20;
	[sflag:s22] =	ssyncset.done $0x0  }
0xa0: {  	[sflag:s22] =	ssyncadd.s32 s3;
	_ =	sdelay $0x1  }
0xa1: {  	s23 =	simm.s32 $0x1B8B  }
0xa2: {  	_ =	swait.ge [sflag:s23], $0x1  }
0xa3: {  	[sflag:s23] =	ssyncset.done $0x0  }
0xa4: {  	s25 =	simm.s32 $0x1B8E;
	s24 =	sld [smem:$0x3FFE];
	[sflag:s23] =	ssyncadd.s32 $0xFFFFFFFF  }
0xa5: {  	s26 =	simm.s32 $execute0_lowered;
	[smem:$0x3FD2] =	sst s25  }
0xa6: {  	s4 =	sshll.u32 s26, $0x1;
	_ =	strace $0x80000046;
	[dreg:$0x1] =	wrdreg $0xFFFFFFFF  }
0xa7: {  	s28 =	simm.s32 $_size_execute0_lowered;
	s2 =	sadd.s32 s2, s4;
	[dreg:$0x0] =	wrdreg $0x0  }
0xa8: {  	s4 =	sshll.u32 s28, $0x1;
	[dreg:$0x2] =	wrdreg s2  }
0xa9: {  	[dreg:$0x3] =	wrdreg s4  }
0xaa: {  	[dreg:$0x4] =	wrdreg $0xC0  }
0xab: {  	_ =	task [dreg:s6], $0x5FFFF  }
0xac: {  	[dreg:$0x1] =	wrdreg $0xFFFFFFFF  }
0xad: {  	[dreg:$0x0] =	wrdreg $0x60  }
0xae: {  	[dreg:$0x2] =	wrdreg s24  }
0xaf: {  	[dreg:$0x3] =	wrdreg $0x9  }
0xb0: {  	_ =	task.clear_ibuf [dreg:s6], $0x4FFFF;
	_ =	strace $0x90000046  }
0xb1: {  	s29 =	simm.s32 $0x9;
	_ =	strace $0x80000048  }
0xb2: {  	_ =	swait.ge [sflag:s29], $0x1  }
0xb3: {  	[sflag:s29] =	ssyncadd.s32 $0xFFFFFFFF  }
0xb4: {  	_ =	strace $0x90000048  }
0xb5: {  	_ =	sfence  }
0xb6: {  	s30 =	sld [smem:$0x0];
	_ =	sdelay $0x2  }
0xb7: {  	s31 =	sshll.u32 s1, $0xD;
	s1 =	sshrl.u32 s1, $0x2  }
0xb8: {  	s3 =	sand.u32 $0x4000, s31;
	s1 =	sadd.s32 s1, s30  }
0xb9: {  	s0 =	sor.u32 s3, s0;
	s1 =	sshll.u32 s1, $0x11  }
0xba: {  	s0 =	sor.u32 s1, s0  }
0xbb: {  	s0 =	sadd.s32 $0x8F2B, s0  }
0xbc: {  	[sflag:s0] =	ssyncadd.remote.s32 $0x1  }
0xbd: {  	_ =	sfence.sel $0xFFFF  }
0xbe: {  	[dreg:$0x0] =	wrdreg $0xFFFFFFFF;
	(pc) =	sbr.abs _section_cstart, $3  }
0xbf: {  	[dreg:$0x1] =	wrdreg $0xFFFFFFFF  }
0xc0: {  	_ =	task.clear_ibuf [dreg:s6], $0x2FFFF;
	_ =	strace $0x9FFFFFFF  }
0xc1: {  	(tm) =	ssettm $0x7FFFFFFF  }
tec
execute0_lowered:
.L_overlay_start_1:
0x0: {  	(tag) =	ssettag $0x1  }
0x1: {  	s1 =	srdreg.scid  }
0x2: {  	s0 =	stileid.u32;
	s4 =	rddreg [dreg:$0x0];
	s9 =	simm.s32 $0x80  }
0x3: {  	s10 =	simm.s32 $0x400;
	s3 =	sand.u32 $0x1, s1;
	s2 =	sshll.u32 s0, $0x1  }
0x4: {  	s1 =	rddreg [dreg:$0x1];
	s6 =	sshrl.u32 s0, $0x2;
	s5 =	sor.u32 s3, s2  }
0x5: {  	s2 =	simm.s32 $0x0;
	s6 =	smul.u32 $0x14000, s6;
	s7 =	sshll.u32 s5, $0x7  }
0x6: {  	s31 =	ssub.s32 $0x2, s3;
	s3 =	sadd.s32 $0x4600, s4;
	s7 =	sand.u32 $0x380, s7  }
0x7: {  	[smem:$0x7FF] =	sst s2;
	s8 =	sshrl.u32 s31, $0x1;
	s6 =	sor.u32 s6, s7  }
0x8: {  	_ =	strace $0x80000047;
	s7 =	ssub.s32 s31, s8;
	s6 =	sshrl.u32 s6, $0x3  }
0x9: {  	s8 =	simm.s32 $0x800;
	s6 =	sadd.s32 s6, s4;
	s4 =	smul.u32 $0x5000, s5  }
0xa: {  	v0 =	vimm.f32 $0.0e+00;
	v1 =	vimm.f32 $1.000000000e+00;
	s5 =	sadd.s32 $0x54600, s6;
	s6 =	smax.u32 s7, $0x1;
	s7 =	simm.s32 $0x1  }
.LBB2_1:
0xb: {  	s11 =	simm.s32 $0x40;
	s12 =	simm.s32 $0x0  }
.LBB2_2:
0xc: {  	p0 =	sne.s32 s11, $0x9FC0;
	[tilespmem:s12+$0x800] =	vst v0;
	s12 =	smov.u32 s11;
	s11 =	sadd.s32 $0x40, s11  }
.Ltmp0:
0xd: {  	(pc) =	sbr.rel @p0 .LBB2_2-.Ltmp0, $2  }
0xe: {  	_ =	sdelay $0x2  }
0xf: {  	s12 =	sshra.s32 s12, $0x2  }
0x10: {  	[tilespmem:s12+$0x800] =	vst v0;
	s11 =	simm.s32 $0x0;
	s12 =	simm.s32 $0x0  }
.LBB2_4:
0x11: {  	s13 =	sshll.u32 s12, $0xB  }
0x12: {  	s13 =	sadd.s32 s4, s13  }
0x13: {  	s13 =	sshrl.u32 s13, $0x3  }
0x14: {  	s13 =	sadd.s32 s3, s13  }
0x15: {  	[tilespmem:s11], [sflag:$0x1] =	stream.linear.gather [hbm4b:s13+s11], $0x800, $0x38;
	[tilespmem:$0x3000] =	vst v63  }
0x16: {  	_ =	swait.ge [sflag:s7], $0x800  }
0x17: {  	[sflag:s7] =	ssyncset.done $0x0  }
0x18: {  	s14 =	simm.s32 $0x0;
	s13 =	simm.s32 $0x40;
	[sflag:s7] =	ssyncadd.s32 $0xFFFFF800  }
.LBB2_5:
0x19: {  	p0 =	sne.s32 s13, $0x1FC0;
	v2 =	vld [tilespmem:s14+$0x0];
	_ =	sdelay $0x3  }
.Ltmp1:
0x1a: {  	(pc) =	sbr.rel @p0 .LBB2_5-.Ltmp1, $2  }
0x1b: {  	_ =	sdelay $0x2  }
0x1c: {  	s14 =	sshra.s32 s13, $0x2;
	s13 =	sadd.s32 $0x40, s13;
	[tilespmem:v2+s8+$0x0] =	vst.idx.add.f32.msk $0xffff, v1  }
0x1d: {  	v2 =	vld [tilespmem:s14+$0x0];
	_ =	sdelay $0x1  }
0x1e: {  	s12 =	sadd.s32 $0x1, s12  }
0x1f: {  	p0 =	sne.s32 s12, $0xA  }
.Ltmp2:
0x20: {  	_ = 	snop;
	(pc) =	sbr.rel @p0 .LBB2_4-.Ltmp2, $2  }
0x21: {  	_ =	sdelay $0x2  }
0x22: {  	[tilespmem:v2+s8+$0x0] =	vst.idx.add.f32.msk $0xffff, v1  }
0x23: {  	s2 =	sadd.s32 $0x1, s2  }
0x24: {  	p0 =	sne.s32 s2, s6  }
.Ltmp3:
0x25: {  	_ = 	snop;
	(pc) =	sbr.rel @p0 .LBB2_1-.Ltmp3, $4  }
0x26: {  	[hbm4b:s5+s9] =	stream.strided.scatter [tilespmem:s8], [sflag:$0x1], $0x2800, s10, s9, $0x38;
	[tilespmem:$0x3000] =	vst v63  }
0x27: {  	_ =	swait.ge [sflag:s7], $0x2800  }
0x28: {  	[sflag:s7] =	ssyncset.done $0x0  }
0x29: {  	[sflag:s7] =	ssyncadd.s32 $0xFFFFD800  }
0x2a: {  	_ =	sfence.sel $0x180000  }
0x2b: {  	[bflag:$0x0] =	sbarrier.arrive $0xFFFF  }
0x2c: {  	p0 =	sne.s32 s0, $0x0;
	_ =	strace $0x90000047  }
0x2d: {  	s0 =	sadd.s32 @!p0 $0x100000, s1;
	[bflag:$0x2] =	sbarrier.arrive $0xFFFF  }
0x2e: {  	[sflag:s0] =	ssyncadd.tile.s32 @!p0 $0x1;
	_ =	shalt  }
.Lfunc_end2:
_tile_overlayer_lowered:
.L_overlay_start_2:
0x2f: {  	(tag) =	ssettag $0x2  }
0x30: {  	s0 =	rddreg [dreg:$0x0];
	s2 =	stileid.u32  }
0x31: {  	s1 =	rddreg [dreg:$0x1];
	p0 =	sne.s32 s2, $0x0  }
0x32: {  	s3 =	rddreg [dreg:$0x2];
	[bflag:$0x3] =	sbarrier.arrive $0xFFFF;
	s2 =	simm.s32 @!p0 $0x1C01  }
0x33: {  	[timem:s3], [sflag:s2] =	dma.local @!p0 [hbm:s0], s1  }
0x34: {  	s0 =	simm.s32 @!p0 $0x1  }
0x35: {  	_ =	swait.ge @!p0 [sflag:s0], s1  }
0x36: {  	s1 =	ssub.s32 @!p0 $0x0, s1;
	[sflag:s0] =	ssyncset.done @!p0 $0x0  }
0x37: {  	[sflag:s0] =	ssyncadd.s32 @!p0 s1  }
0x38: {  	[bflag:$0x3] =	sbarrier.arrive $0xFFFF  }
0x39: {  	_ =	shalt  }

</sc_bundles>
